<compile_context>
chip_gen: v7x
topology: tpu7x:2x2x1
jax: 0.10.2.dev20260603
libtpu: 0.0.44.dev20260713+nightly
codegen_flags: <defaults>
</compile_context>

<pallas_src>
import functools

import jax
import jax.numpy as jnp
from jax import lax
from jax.experimental import pallas as pl
from jax.experimental.pallas import tpu as pltpu
from jax.experimental.pallas import tpu_sc as plsc

EMBED = 128
NPOS = 30
NRES = 4
NLET = 28
NFUSED = NPOS * NRES * NLET
LANES = 128


def _tc_prep_body(s0_ref, s1_ref, rowt_ref, colt_ref, rest_ref, lett_ref,
                  idx_ref, fused_ref):
    nrows = s0_ref.shape[0]
    i0 = lax.broadcasted_iota(jnp.int32, (nrows, LANES), 0)
    i1 = lax.broadcasted_iota(jnp.int32, (nrows, LANES), 1)
    p = (i0 * LANES + i1) % NPOS
    idx_ref[...] = p * (NRES * NLET) + s0_ref[...] * NLET + s1_ref[...]
    pos = rowt_ref[...][:, None, :] + colt_ref[...][None, :, :]
    pos = pos.reshape(NPOS, EMBED)
    fused_ref[...] = (pos[:, None, None, :]
                      + rest_ref[...][None, :, None, :]
                      + lett_ref[...][None, None, :, :])


def _sc_gather(fused, idx_flat, batch):
    info = plsc.get_sparse_core_info()
    nw = info.num_cores * info.num_subcores
    nb = 8
    chunk = nb * NPOS
    half = chunk // 2
    assert batch % (nw * nb * 2) == 0
    iters = batch // (nw * nb)
    mesh = plsc.VectorSubcoreMesh(core_axis_name="c", subcore_axis_name="s")

    @functools.partial(
        pl.kernel, mesh=mesh,
        out_type=jax.ShapeDtypeStruct((batch, 6, 5, EMBED), jnp.float32),
        scratch_types=[
            pltpu.VMEM((chunk,), jnp.int32),
            pltpu.VMEM((chunk,), jnp.int32),
            pltpu.VMEM((chunk, EMBED), jnp.float32),
            pltpu.VMEM((chunk, EMBED), jnp.float32),
            pltpu.SemaphoreType.DMA,
            pltpu.SemaphoreType.DMA,
            pltpu.SemaphoreType.DMA,
            pltpu.SemaphoreType.DMA,
            pltpu.SemaphoreType.DMA,
            pltpu.SemaphoreType.DMA,
        ],
    )
    def k(fused_hbm, idx_hbm, out_hbm, idx_v0, idx_v1, rows_v0, rows_v1,
          si0, si1, sg0, sg1, ss0, ss1):
        wid = lax.axis_index("s") * info.num_cores + lax.axis_index("c")
        b0 = wid * iters * nb
        row0 = b0 * NPOS
        idx_v = (idx_v0, idx_v1)
        rows_v = (rows_v0, rows_v1)
        si = (si0, si1)
        sg = (sg0, sg1)
        ss = (ss0, ss1)

        def idx_copy(i, b):
            src = idx_hbm.at[pl.ds(row0 + i * chunk, chunk)]
            return pltpu.make_async_copy(src, idx_v[b], si[b])

        def gather_start(b):
            for j in (0, 1):
                src = fused_hbm.at[idx_v[b].at[pl.ds(j * half, half)]]
                pltpu.async_copy(src, rows_v[b].at[pl.ds(j * half, half)],
                                 sg[b])

        def gather_drain(b):
            pltpu.make_async_copy(fused_hbm.at[pl.ds(0, chunk)], rows_v[b],
                                  sg[b]).wait()

        def scatter_all(i, b):
            for bb in range(nb):
                for r in range(6):
                    src = rows_v[b].at[pl.ds(bb * NPOS + r * 5, 5)]
                    dst = out_hbm.at[b0 + i * nb + bb, r]
                    pltpu.async_copy(src, dst, ss[b])

        def scatter_drain(b):
            pltpu.make_async_copy(fused_hbm.at[pl.ds(0, chunk)], rows_v[b],
                                  ss[b]).wait()

        idx_copy(0, 0).start()
        idx_copy(1, 1).start()

        def body(it, carry):
            for b in (0, 1):
                i = it * 2 + b
                idx_copy(i, b).wait()

                @pl.when(it >= 1)
                def _():
                    scatter_drain(b)

                gather_start(b)
                gather_drain(b)
                @pl.when(it < niter - 1)
                def _():
                    idx_copy(i + 2, b).start()

                scatter_all(i, b)
            return carry

        niter = iters // 2
        lax.fori_loop(0, niter, body, 0)
        scatter_drain(0)
        scatter_drain(1)

    return k(fused, idx_flat)


def kernel(state, result_table, letter_table, col_table, row_table):
    b = state.shape[0]
    n_rows = b * NPOS
    n_tcrows = n_rows // LANES
    s0 = state[..., 0].reshape(n_tcrows, LANES)
    s1 = state[..., 1].reshape(n_tcrows, LANES)

    idx, fused = pl.pallas_call(
        _tc_prep_body,
        out_shape=[
            jax.ShapeDtypeStruct((n_tcrows, LANES), jnp.int32),
            jax.ShapeDtypeStruct((NPOS, NRES, NLET, EMBED), jnp.float32),
        ],
    )(s0, s1, row_table, col_table, result_table, letter_table)

    return _sc_gather(fused.reshape(NFUSED, EMBED), idx.reshape(n_rows), b)

# --- scband reference (transcript-rebuilt; emitter-appended) ---
"""Pipeline reference for scband-preprocess-18485539242846 (READ-ONLY COPY).

The authoritative reference and input builder live on the scoring server;
editing this copy changes nothing except your own understanding.
"""

import jax, jax.numpy as jnp
import numpy as np

EMBED = 128
B = 16384

def setup_inputs(seed: int = 0) -> dict:
    key = jax.random.key(seed)
    k1, k2, k3, k4, k5 = jax.random.split(key, 5)
    state = jax.random.randint(k1, (B, 6, 5, 2), 0, 4, dtype=jnp.int32)
    result_table = jax.random.normal(k2, (4, EMBED), dtype=jnp.float32) * 0.02
    # padding_idx=0 -> zero row
    result_table = result_table.at[0].set(0.0)
    letter_table = jax.random.normal(k3, (28, EMBED), dtype=jnp.float32) * 0.02
    letter_table = letter_table.at[0].set(0.0)
    col_table = jax.random.normal(k4, (5, EMBED), dtype=jnp.float32) * 0.02
    row_table = jax.random.normal(k5, (6, EMBED), dtype=jnp.float32) * 0.02
    return {"state": state, "result_table": result_table, "letter_table": letter_table, "col_table": col_table, "row_table": row_table}

def reference(state, result_table, letter_table, col_table, row_table):
    Bn = state.shape[0]
    rows = jnp.broadcast_to(jnp.arange(6, dtype=jnp.int32)[None, :, None], (Bn, 6, 5))
    cols = jnp.broadcast_to(jnp.arange(5, dtype=jnp.int32)[None, None, :], (Bn, 6, 5))
    row_embs = jnp.take(row_table, rows, axis=0)
    col_embs = jnp.take(col_table, cols, axis=0)
    positional_embs = row_embs + col_embs
    res = jnp.take(result_table, state[:, :, :, 0], axis=0)
    letter = jnp.take(letter_table, state[:, :, :, 1], axis=0)
    x = res + letter + positional_embs
    return x

if __name__ == "__main__":
    import jax
    _d = setup_inputs()
    print(jax.jit(kernel)(*tuple(_d.values())))

</pallas_src>

<mosaic_0001>
#map = affine_map<(d0, d1) -> (0, 0)>
#map1 = affine_map<(d0, d1) -> (0)>
#map2 = affine_map<(d0, d1) -> (0, 0, 0, 0)>
module attributes {stable_mosaic.version = 14 : i64} {
  func.func @k(%arg0: i32, %arg1: i32, %arg2: memref<3360x128xf32, #tpu.memory_space<hbm>>, %arg3: memref<491520xi32, #tpu.memory_space<hbm>>, %arg4: memref<16384x6x5x128xf32, #tpu.memory_space<hbm>>, %arg5: memref<240xi32, #tpu.memory_space<vmem>>, %arg6: memref<240xi32, #tpu.memory_space<vmem>>, %arg7: memref<240x128xf32, #tpu.memory_space<vmem>>, %arg8: memref<240x128xf32, #tpu.memory_space<vmem>>, %arg9: memref<!tpu.dma_semaphore, #tpu.memory_space<semaphore_mem>>, %arg10: memref<!tpu.dma_semaphore, #tpu.memory_space<semaphore_mem>>, %arg11: memref<!tpu.dma_semaphore, #tpu.memory_space<semaphore_mem>>, %arg12: memref<!tpu.dma_semaphore, #tpu.memory_space<semaphore_mem>>, %arg13: memref<!tpu.dma_semaphore, #tpu.memory_space<semaphore_mem>>, %arg14: memref<!tpu.dma_semaphore, #tpu.memory_space<semaphore_mem>>) attributes {dimension_semantics = [#tpu.dimension_semantics<core_parallel>, #tpu.dimension_semantics<subcore_parallel>], iteration_bounds = array<i64: 2, 16>, scalar_prefetch = 0 : i64, scratch_operands = 10 : i64, tpu.core_type = #tpu.core_type<sc_vector_subcore>, window_params = [{transform_indices = #map}, {transform_indices = #map1}, {transform_indices = #map2}]} {
    %mul3A = arith.constant 2 : i32
    %mul3A_0 = arith.muli %arg1, %mul3A : i32
    %add3A = arith.addi %mul3A_0, %arg0 : i32
    %mul3A_1 = arith.constant 64 : i32
    %mul3A_2 = arith.muli %add3A, %mul3A_1 : i32
    %mul3A_3 = arith.constant 8 : i32
    %mul3A_4 = arith.muli %mul3A_2, %mul3A_3 : i32
    %mul3A_5 = arith.constant 30 : i32
    %mul3A_6 = arith.muli %mul3A_4, %mul3A_5 : i32
    %add3A_7 = arith.constant 0 : i32
    %add3A_8 = arith.addi %mul3A_6, %add3A_7 : i32
    %dma_start3A = tpu.memref_slice %arg3[%add3A_8] : memref<491520xi32, #tpu.memory_space<hbm>> -> memref<240xi32, #tpu.memory_space<hbm>>
    %dma_start3A_9 = tpu.memref_slice %arg3[%add3A_8] : memref<491520xi32, #tpu.memory_space<hbm>> -> memref<240xi32, #tpu.memory_space<hbm>>
    tpu.enqueue_dma source(%dma_start3A_9 : memref<240xi32, #tpu.memory_space<hbm>>) target(%arg5 : memref<240xi32, #tpu.memory_space<vmem>>) target_semaphore(%arg9 : memref<!tpu.dma_semaphore, #tpu.memory_space<semaphore_mem>>)
    %add3A_10 = arith.constant 240 : i32
    %add3A_11 = arith.addi %mul3A_6, %add3A_10 : i32
    %dma_start3A_12 = tpu.memref_slice %arg3[%add3A_11] : memref<491520xi32, #tpu.memory_space<hbm>> -> memref<240xi32, #tpu.memory_space<hbm>>
    %dma_start3A_13 = tpu.memref_slice %arg3[%add3A_11] : memref<491520xi32, #tpu.memory_space<hbm>> -> memref<240xi32, #tpu.memory_space<hbm>>
    tpu.enqueue_dma source(%dma_start3A_13 : memref<240xi32, #tpu.memory_space<hbm>>) target(%arg6 : memref<240xi32, #tpu.memory_space<vmem>>) target_semaphore(%arg10 : memref<!tpu.dma_semaphore, #tpu.memory_space<semaphore_mem>>)
    %scan3A = arith.constant 0 : i32
    %scan3A_14 = arith.constant 0 : i32
    %scan3A_15 = arith.constant 32 : i32
    %scan3A_16 = arith.addi %scan3A_14, %scan3A_15 : i32
    %scan3A_17 = arith.constant 1 : i32
    scf.for %scan3A_30 = %scan3A_14 to %scan3A_16 step %scan3A_17  : i32 {
      %mul3A_31 = arith.constant 2 : i32
      %mul3A_32 = arith.muli %scan3A_30, %mul3A_31 : i32
      %add3A_33 = arith.constant 0 : i32
      %add3A_34 = arith.addi %mul3A_32, %add3A_33 : i32
      %mul3A_35 = arith.constant 240 : i32
      %mul3A_36 = arith.muli %add3A_34, %mul3A_35 : i32
      %add3A_37 = arith.addi %mul3A_6, %mul3A_36 : i32
      %dma_wait3A_38 = tpu.memref_slice %arg3[%add3A_37] : memref<491520xi32, #tpu.memory_space<hbm>> -> memref<240xi32, #tpu.memory_space<hbm>>
      %dma_wait3A_39 = tpu.memref_slice %arg3[%add3A_37] : memref<491520xi32, #tpu.memory_space<hbm>> -> memref<240xi32, #tpu.memory_space<hbm>>
      tpu.wait_dma2 semaphore(%arg9 : memref<!tpu.dma_semaphore, #tpu.memory_space<semaphore_mem>>) src(%dma_wait3A_39 : memref<240xi32, #tpu.memory_space<hbm>>) dst(%arg5 : memref<240xi32, #tpu.memory_space<vmem>>)
      %ge3A = arith.constant 1 : i32
      %ge3A_40 = arith.cmpi sge, %scan3A_30, %ge3A : i32
      %convert_element_type3A = arith.extui %ge3A_40 : i1 to i32
      %cond3A = arith.constant 0 : i32
      %cond3A_41 = arith.cmpi ne, %convert_element_type3A, %cond3A : i32
      scf.if %cond3A_41 {
        %dma_wait3A_2029 = arith.constant 0 : i32
        %dma_wait3A_2030 = arith.constant 0 : i32
        %dma_wait3A_2031 = tpu.memref_slice %arg2[%dma_wait3A_2029, %dma_wait3A_2030] : memref<3360x128xf32, #tpu.memory_space<hbm>> -> memref<240x128xf32, #tpu.memory_space<hbm>>
        %dma_wait3A_2032 = arith.constant 0 : i32
        %dma_wait3A_2033 = arith.constant 0 : i32
        %dma_wait3A_2034 = tpu.memref_slice %arg2[%dma_wait3A_2032, %dma_wait3A_2033] : memref<3360x128xf32, #tpu.memory_space<hbm>> -> memref<240x128xf32, #tpu.memory_space<hbm>>
        tpu.wait_dma2 semaphore(%arg13 : memref<!tpu.dma_semaphore, #tpu.memory_space<semaphore_mem>>) src(%dma_wait3A_2034 : memref<240x128xf32, #tpu.memory_space<hbm>>) dst(%arg7 : memref<240x128xf32, #tpu.memory_space<vmem>>)
      } else {
      }
      %dma_start3A_42 = arith.constant 0 : i32
      %dma_start3A_43 = arith.constant 0 : i32
      %dma_start3A_44 = tpu.memref_slice %arg7[%dma_start3A_42, %dma_start3A_43] : memref<240x128xf32, #tpu.memory_space<vmem>> -> memref<120x128xf32, #tpu.memory_space<vmem>>
      %dma_start3A_45 = arith.constant 0 : i32
      %dma_start3A_46 = tpu.memref_slice %arg5[%dma_start3A_45] : memref<240xi32, #tpu.memory_space<vmem>> -> memref<120xi32, #tpu.memory_space<vmem>>
      %dma_start3A_47 = arith.constant 0 : i32
      %dma_start3A_48 = arith.constant 0 : i32
      %dma_start3A_49 = tpu.memref_slice %arg2[%dma_start3A_47, %dma_start3A_48] : memref<3360x128xf32, #tpu.memory_space<hbm>> -> memref<3360x128xf32, #tpu.memory_space<hbm>>
      tpu.enqueue_indirect_dma source(%dma_start3A_49 : memref<3360x128xf32, #tpu.memory_space<hbm>>) target(%dma_start3A_44 : memref<120x128xf32, #tpu.memory_space<vmem>>) offsets(%dma_start3A_46 : memref<120xi32, #tpu.memory_space<vmem>>) semaphore(%arg11 : memref<!tpu.dma_semaphore, #tpu.memory_space<semaphore_mem>>)
      %dma_start3A_50 = arith.constant 120 : i32
      %dma_start3A_51 = arith.constant 0 : i32
      %dma_start3A_52 = tpu.memref_slice %arg7[%dma_start3A_50, %dma_start3A_51] : memref<240x128xf32, #tpu.memory_space<vmem>> -> memref<120x128xf32, #tpu.memory_space<vmem>>
      %dma_start3A_53 = arith.constant 120 : i32
      %dma_start3A_54 = tpu.memref_slice %arg5[%dma_start3A_53] : memref<240xi32, #tpu.memory_space<vmem>> -> memref<120xi32, #tpu.memory_space<vmem>>
      %dma_start3A_55 = arith.constant 0 : i32
      %dma_start3A_56 = arith.constant 0 : i32
      %dma_start3A_57 = tpu.memref_slice %arg2[%dma_start3A_55, %dma_start3A_56] : memref<3360x128xf32, #tpu.memory_space<hbm>> -> memref<3360x128xf32, #tpu.memory_space<hbm>>
      tpu.enqueue_indirect_dma source(%dma_start3A_57 : memref<3360x128xf32, #tpu.memory_space<hbm>>) target(%dma_start3A_52 : memref<120x128xf32, #tpu.memory_space<vmem>>) offsets(%dma_start3A_54 : memref<120xi32, #tpu.memory_space<vmem>>) semaphore(%arg11 : memref<!tpu.dma_semaphore, #tpu.memory_space<semaphore_mem>>)
      %dma_wait3A_58 = arith.constant 0 : i32
      %dma_wait3A_59 = arith.constant 0 : i32
      %dma_wait3A_60 = tpu.memref_slice %arg2[%dma_wait3A_58, %dma_wait3A_59] : memref<3360x128xf32, #tpu.memory_space<hbm>> -> memref<240x128xf32, #tpu.memory_space<hbm>>
      %dma_wait3A_61 = arith.constant 0 : i32
      %dma_wait3A_62 = arith.constant 0 : i32
      %dma_wait3A_63 = tpu.memref_slice %arg2[%dma_wait3A_61, %dma_wait3A_62] : memref<3360x128xf32, #tpu.memory_space<hbm>> -> memref<240x128xf32, #tpu.memory_space<hbm>>
      tpu.wait_dma2 semaphore(%arg11 : memref<!tpu.dma_semaphore, #tpu.memory_space<semaphore_mem>>) src(%dma_wait3A_63 : memref<240x128xf32, #tpu.memory_space<hbm>>) dst(%arg7 : memref<240x128xf32, #tpu.memory_space<vmem>>)
      %lt3A = arith.constant 31 : i32
      %lt3A_64 = arith.cmpi slt, %scan3A_30, %lt3A : i32
      %convert_element_type3A_65 = arith.extui %lt3A_64 : i1 to i32
      %cond3A_66 = arith.constant 0 : i32
      %cond3A_67 = arith.cmpi ne, %convert_element_type3A_65, %cond3A_66 : i32
      scf.if %cond3A_67 {
        %add3A_2029 = arith.constant 2 : i32
        %add3A_2030 = arith.addi %add3A_34, %add3A_2029 : i32
        %mul3A_2031 = arith.constant 240 : i32
        %mul3A_2032 = arith.muli %add3A_2030, %mul3A_2031 : i32
        %add3A_2033 = arith.addi %mul3A_6, %mul3A_2032 : i32
        %dma_start3A_2034 = tpu.memref_slice %arg3[%add3A_2033] : memref<491520xi32, #tpu.memory_space<hbm>> -> memref<240xi32, #tpu.memory_space<hbm>>
        %dma_start3A_2035 = tpu.memref_slice %arg3[%add3A_2033] : memref<491520xi32, #tpu.memory_space<hbm>> -> memref<240xi32, #tpu.memory_space<hbm>>
        tpu.enqueue_dma source(%dma_start3A_2035 : memref<240xi32, #tpu.memory_space<hbm>>) target(%arg5 : memref<240xi32, #tpu.memory_space<vmem>>) target_semaphore(%arg9 : memref<!tpu.dma_semaphore, #tpu.memory_space<semaphore_mem>>)
      } else {
      }
      %mul3A_68 = arith.constant 8 : i32
      %mul3A_69 = arith.muli %add3A_34, %mul3A_68 : i32
      %add3A_70 = arith.addi %mul3A_4, %mul3A_69 : i32
      %add3A_71 = arith.constant 0 : i32
      %add3A_72 = arith.addi %add3A_70, %add3A_71 : i32
      %dma_start3A_73 = arith.constant 0 : i32
      %dma_start3A_74 = arith.constant 0 : i32
      %dma_start3A_75 = arith.constant 0 : i32
      %dma_start3A_76 = tpu.memref_slice %arg7[%dma_start3A_74, %dma_start3A_75] : memref<240x128xf32, #tpu.memory_space<vmem>> -> memref<5x128xf32, #tpu.memory_space<vmem>>
      %dma_start3A_77 = arith.constant 0 : i32
      %dma_start3A_78 = arith.constant 0 : i32
      %dma_start3A_79 = tpu.memref_slice %arg4[%add3A_72, %dma_start3A_73, %dma_start3A_77, %dma_start3A_78] : memref<16384x6x5x128xf32, #tpu.memory_space<hbm>> -> memref<1x1x5x128xf32, #tpu.memory_space<hbm>>
      %dma_start3A_80 = tpu.memref_squeeze %dma_start3A_79 : memref<1x1x5x128xf32, #tpu.memory_space<hbm>> -> memref<5x128xf32, #tpu.memory_space<hbm>>
      %dma_start3A_81 = arith.constant 0 : i32
      %dma_start3A_82 = arith.constant 0 : i32
      %dma_start3A_83 = tpu.memref_slice %arg4[%add3A_72, %dma_start3A_73, %dma_start3A_81, %dma_start3A_82] : memref<16384x6x5x128xf32, #tpu.memory_space<hbm>> -> memref<1x1x5x128xf32, #tpu.memory_space<hbm>>
      %dma_start3A_84 = tpu.memref_squeeze %dma_start3A_83 : memref<1x1x5x128xf32, #tpu.memory_space<hbm>> -> memref<5x128xf32, #tpu.memory_space<hbm>>
      %dma_start3A_85 = arith.constant 0 : i32
      %dma_start3A_86 = arith.constant 0 : i32
      %dma_start3A_87 = tpu.memref_slice %arg7[%dma_start3A_85, %dma_start3A_86] : memref<240x128xf32, #tpu.memory_space<vmem>> -> memref<5x128xf32, #tpu.memory_space<vmem>>
      tpu.enqueue_dma source(%dma_start3A_87 : memref<5x128xf32, #tpu.memory_space<vmem>>) target(%dma_start3A_84 : memref<5x128xf32, #tpu.memory_space<hbm>>) target_semaphore(%arg13 : memref<!tpu.dma_semaphore, #tpu.memory_space<semaphore_mem>>)
      %mul3A_88 = arith.constant 8 : i32
      %mul3A_89 = arith.muli %add3A_34, %mul3A_88 : i32
      %add3A_90 = arith.addi %mul3A_4, %mul3A_89 : i32
      %add3A_91 = arith.constant 0 : i32
      %add3A_92 = arith.addi %add3A_90, %add3A_91 : i32
      %dma_start3A_93 = arith.constant 1 : i32
      %dma_start3A_94 = arith.constant 5 : i32
      %dma_start3A_95 = arith.constant 0 : i32
      %dma_start3A_96 = tpu.memref_slice %arg7[%dma_start3A_94, %dma_start3A_95] : memref<240x128xf32, #tpu.memory_space<vmem>> -> memref<5x128xf32, #tpu.memory_space<vmem>>
      %dma_start3A_97 = arith.constant 0 : i32
      %dma_start3A_98 = arith.constant 0 : i32
      %dma_start3A_99 = tpu.memref_slice %arg4[%add3A_92, %dma_start3A_93, %dma_start3A_97, %dma_start3A_98] : memref<16384x6x5x128xf32, #tpu.memory_space<hbm>> -> memref<1x1x5x128xf32, #tpu.memory_space<hbm>>
      %dma_start3A_100 = tpu.memref_squeeze %dma_start3A_99 : memref<1x1x5x128xf32, #tpu.memory_space<hbm>> -> memref<5x128xf32, #tpu.memory_space<hbm>>
      %dma_start3A_101 = arith.constant 0 : i32
      %dma_start3A_102 = arith.constant 0 : i32
      %dma_start3A_103 = tpu.memref_slice %arg4[%add3A_92, %dma_start3A_93, %dma_start3A_101, %dma_start3A_102] : memref<16384x6x5x128xf32, #tpu.memory_space<hbm>> -> memref<1x1x5x128xf32, #tpu.memory_space<hbm>>
      %dma_start3A_104 = tpu.memref_squeeze %dma_start3A_103 : memref<1x1x5x128xf32, #tpu.memory_space<hbm>> -> memref<5x128xf32, #tpu.memory_space<hbm>>
      %dma_start3A_105 = arith.constant 5 : i32
      %dma_start3A_106 = arith.constant 0 : i32
      %dma_start3A_107 = tpu.memref_slice %arg7[%dma_start3A_105, %dma_start3A_106] : memref<240x128xf32, #tpu.memory_space<vmem>> -> memref<5x128xf32, #tpu.memory_space<vmem>>
      tpu.enqueue_dma source(%dma_start3A_107 : memref<5x128xf32, #tpu.memory_space<vmem>>) target(%dma_start3A_104 : memref<5x128xf32, #tpu.memory_space<hbm>>) target_semaphore(%arg13 : memref<!tpu.dma_semaphore, #tpu.memory_space<semaphore_mem>>)
      %mul3A_108 = arith.constant 8 : i32
      %mul3A_109 = arith.muli %add3A_34, %mul3A_108 : i32
      %add3A_110 = arith.addi %mul3A_4, %mul3A_109 : i32
      %add3A_111 = arith.constant 0 : i32
      %add3A_112 = arith.addi %add3A_110, %add3A_111 : i32
      %dma_start3A_113 = arith.constant 2 : i32
      %dma_start3A_114 = arith.constant 10 : i32
      %dma_start3A_115 = arith.constant 0 : i32
      %dma_start3A_116 = tpu.memref_slice %arg7[%dma_start3A_114, %dma_start3A_115] : memref<240x128xf32, #tpu.memory_space<vmem>> -> memref<5x128xf32, #tpu.memory_space<vmem>>
      %dma_start3A_117 = arith.constant 0 : i32
      %dma_start3A_118 = arith.constant 0 : i32
      %dma_start3A_119 = tpu.memref_slice %arg4[%add3A_112, %dma_start3A_113, %dma_start3A_117, %dma_start3A_118] : memref<16384x6x5x128xf32, #tpu.memory_space<hbm>> -> memref<1x1x5x128xf32, #tpu.memory_space<hbm>>
      %dma_start3A_120 = tpu.memref_squeeze %dma_start3A_119 : memref<1x1x5x128xf32, #tpu.memory_space<hbm>> -> memref<5x128xf32, #tpu.memory_space<hbm>>
      %dma_start3A_121 = arith.constant 0 : i32
      %dma_start3A_122 = arith.constant 0 : i32
      %dma_start3A_123 = tpu.memref_slice %arg4[%add3A_112, %dma_start3A_113, %dma_start3A_121, %dma_start3A_122] : memref<16384x6x5x128xf32, #tpu.memory_space<hbm>> -> memref<1x1x5x128xf32, #tpu.memory_space<hbm>>
      %dma_start3A_124 = tpu.memref_squeeze %dma_start3A_123 : memref<1x1x5x128xf32, #tpu.memory_space<hbm>> -> memref<5x128xf32, #tpu.memory_space<hbm>>
      %dma_start3A_125 = arith.constant 10 : i32
      %dma_start3A_126 = arith.constant 0 : i32
      %dma_start3A_127 = tpu.memref_slice %arg7[%dma_start3A_125, %dma_start3A_126] : memref<240x128xf32, #tpu.memory_space<vmem>> -> memref<5x128xf32, #tpu.memory_space<vmem>>
      tpu.enqueue_dma source(%dma_start3A_127 : memref<5x128xf32, #tpu.memory_space<vmem>>) target(%dma_start3A_124 : memref<5x128xf32, #tpu.memory_space<hbm>>) target_semaphore(%arg13 : memref<!tpu.dma_semaphore, #tpu.memory_space<semaphore_mem>>)
      %mul3A_128 = arith.constant 8 : i32
      %mul3A_129 = arith.muli %add3A_34, %mul3A_128 : i32
      %add3A_130 = arith.addi %mul3A_4, %mul3A_129 : i32
      %add3A_131 = arith.constant 0 : i32
      %add3A_132 = arith.addi %add3A_130, %add3A_131 : i32
      %dma_start3A_133 = arith.constant 3 : i32
      %dma_start3A_134 = arith.constant 15 : i32
      %dma_start3A_135 = arith.constant 0 : i32
      %dma_start3A_136 = tpu.memref_slice %arg7[%dma_start3A_134, %dma_start3A_135] : memref<240x128xf32, #tpu.memory_space<vmem>> -> memref<5x128xf32, #tpu.memory_space<vmem>>
      %dma_start3A_137 = arith.constant 0 : i32
      %dma_start3A_138 = arith.constant 0 : i32
      %dma_start3A_139 = tpu.memref_slice %arg4[%add3A_132, %dma_start3A_133, %dma_start3A_137, %dma_start3A_138] : memref<16384x6x5x128xf32, #tpu.memory_space<hbm>> -> memref<1x1x5x128xf32, #tpu.memory_space<hbm>>
      %dma_start3A_140 = tpu.memref_squeeze %dma_start3A_139 : memref<1x1x5x128xf32, #tpu.memory_space<hbm>> -> memref<5x128xf32, #tpu.memory_space<hbm>>
      %dma_start3A_141 = arith.constant 0 : i32
      %dma_start3A_142 = arith.constant 0 : i32
      %dma_start3A_143 = tpu.memref_slice %arg4[%add3A_132, %dma_start3A_133, %dma_start3A_141, %dma_start3A_142] : memref<16384x6x5x128xf32, #tpu.memory_space<hbm>> -> memref<1x1x5x128xf32, #tpu.memory_space<hbm>>
      %dma_start3A_144 = tpu.memref_squeeze %dma_start3A_143 : memref<1x1x5x128xf32, #tpu.memory_space<hbm>> -> memref<5x128xf32, #tpu.memory_space<hbm>>
      %dma_start3A_145 = arith.constant 15 : i32
      %dma_start3A_146 = arith.constant 0 : i32
      %dma_start3A_147 = tpu.memref_slice %arg7[%dma_start3A_145, %dma_start3A_146] : memref<240x128xf32, #tpu.memory_space<vmem>> -> memref<5x128xf32, #tpu.memory_space<vmem>>
      tpu.enqueue_dma source(%dma_start3A_147 : memref<5x128xf32, #tpu.memory_space<vmem>>) target(%dma_start3A_144 : memref<5x128xf32, #tpu.memory_space<hbm>>) target_semaphore(%arg13 : memref<!tpu.dma_semaphore, #tpu.memory_space<semaphore_mem>>)
      %mul3A_148 = arith.constant 8 : i32
      %mul3A_149 = arith.muli %add3A_34, %mul3A_148 : i32
      %add3A_150 = arith.addi %mul3A_4, %mul3A_149 : i32
      %add3A_151 = arith.constant 0 : i32
      %add3A_152 = arith.addi %add3A_150, %add3A_151 : i32
      %dma_start3A_153 = arith.constant 4 : i32
      %dma_start3A_154 = arith.constant 20 : i32
      %dma_start3A_155 = arith.constant 0 : i32
      %dma_start3A_156 = tpu.memref_slice %arg7[%dma_start3A_154, %dma_start3A_155] : memref<240x128xf32, #tpu.memory_space<vmem>> -> memref<5x128xf32, #tpu.memory_space<vmem>>
      %dma_start3A_157 = arith.constant 0 : i32
      %dma_start3A_158 = arith.constant 0 : i32
      %dma_start3A_159 = tpu.memref_slice %arg4[%add3A_152, %dma_start3A_153, %dma_start3A_157, %dma_start3A_158] : memref<16384x6x5x128xf32, #tpu.memory_space<hbm>> -> memref<1x1x5x128xf32, #tpu.memory_space<hbm>>
      %dma_start3A_160 = tpu.memref_squeeze %dma_start3A_159 : memref<1x1x5x128xf32, #tpu.memory_space<hbm>> -> memref<5x128xf32, #tpu.memory_space<hbm>>
      %dma_start3A_161 = arith.constant 0 : i32
      %dma_start3A_162 = arith.constant 0 : i32
      %dma_start3A_163 = tpu.memref_slice %arg4[%add3A_152, %dma_start3A_153, %dma_start3A_161, %dma_start3A_162] : memref<16384x6x5x128xf32, #tpu.memory_space<hbm>> -> memref<1x1x5x128xf32, #tpu.memory_space<hbm>>
      %dma_start3A_164 = tpu.memref_squeeze %dma_start3A_163 : memref<1x1x5x128xf32, #tpu.memory_space<hbm>> -> memref<5x128xf32, #tpu.memory_space<hbm>>
      %dma_start3A_165 = arith.constant 20 : i32
      %dma_start3A_166 = arith.constant 0 : i32
      %dma_start3A_167 = tpu.memref_slice %arg7[%dma_start3A_165, %dma_start3A_166] : memref<240x128xf32, #tpu.memory_space<vmem>> -> memref<5x128xf32, #tpu.memory_space<vmem>>
      tpu.enqueue_dma source(%dma_start3A_167 : memref<5x128xf32, #tpu.memory_space<vmem>>) target(%dma_start3A_164 : memref<5x128xf32, #tpu.memory_space<hbm>>) target_semaphore(%arg13 : memref<!tpu.dma_semaphore, #tpu.memory_space<semaphore_mem>>)
      %mul3A_168 = arith.constant 8 : i32
      %mul3A_169 = arith.muli %add3A_34, %mul3A_168 : i32
      %add3A_170 = arith.addi %mul3A_4, %mul3A_169 : i32
      %add3A_171 = arith.constant 0 : i32
      %add3A_172 = arith.addi %add3A_170, %add3A_171 : i32
      %dma_start3A_173 = arith.constant 5 : i32
      %dma_start3A_174 = arith.constant 25 : i32
      %dma_start3A_175 = arith.constant 0 : i32
      %dma_start3A_176 = tpu.memref_slice %arg7[%dma_start3A_174, %dma_start3A_175] : memref<240x128xf32, #tpu.memory_space<vmem>> -> memref<5x128xf32, #tpu.memory_space<vmem>>
      %dma_start3A_177 = arith.constant 0 : i32
      %dma_start3A_178 = arith.constant 0 : i32
      %dma_start3A_179 = tpu.memref_slice %arg4[%add3A_172, %dma_start3A_173, %dma_start3A_177, %dma_start3A_178] : memref<16384x6x5x128xf32, #tpu.memory_space<hbm>> -> memref<1x1x5x128xf32, #tpu.memory_space<hbm>>
      %dma_start3A_180 = tpu.memref_squeeze %dma_start3A_179 : memref<1x1x5x128xf32, #tpu.memory_space<hbm>> -> memref<5x128xf32, #tpu.memory_space<hbm>>
      %dma_start3A_181 = arith.constant 0 : i32
      %dma_start3A_182 = arith.constant 0 : i32
      %dma_start3A_183 = tpu.memref_slice %arg4[%add3A_172, %dma_start3A_173, %dma_start3A_181, %dma_start3A_182] : memref<16384x6x5x128xf32, #tpu.memory_space<hbm>> -> memref<1x1x5x128xf32, #tpu.memory_space<hbm>>
      %dma_start3A_184 = tpu.memref_squeeze %dma_start3A_183 : memref<1x1x5x128xf32, #tpu.memory_space<hbm>> -> memref<5x128xf32, #tpu.memory_space<hbm>>
      %dma_start3A_185 = arith.constant 25 : i32
      %dma_start3A_186 = arith.constant 0 : i32
      %dma_start3A_187 = tpu.memref_slice %arg7[%dma_start3A_185, %dma_start3A_186] : memref<240x128xf32, #tpu.memory_space<vmem>> -> memref<5x128xf32, #tpu.memory_space<vmem>>
      tpu.enqueue_dma source(%dma_start3A_187 : memref<5x128xf32, #tpu.memory_space<vmem>>) target(%dma_start3A_184 : memref<5x128xf32, #tpu.memory_space<hbm>>) target_semaphore(%arg13 : memref<!tpu.dma_semaphore, #tpu.memory_space<semaphore_mem>>)
      %mul3A_188 = arith.constant 8 : i32
      %mul3A_189 = arith.muli %add3A_34, %mul3A_188 : i32
      %add3A_190 = arith.addi %mul3A_4, %mul3A_189 : i32
      %add3A_191 = arith.constant 1 : i32
      %add3A_192 = arith.addi %add3A_190, %add3A_191 : i32
      %dma_start3A_193 = arith.constant 0 : i32
      %dma_start3A_194 = arith.constant 30 : i32
      %dma_start3A_195 = arith.constant 0 : i32
      %dma_start3A_196 = tpu.memref_slice %arg7[%dma_start3A_194, %dma_start3A_195] : memref<240x128xf32, #tpu.memory_space<vmem>> -> memref<5x128xf32, #tpu.memory_space<vmem>>
      %dma_start3A_197 = arith.constant 0 : i32
      %dma_start3A_198 = arith.constant 0 : i32
      %dma_start3A_199 = tpu.memref_slice %arg4[%add3A_192, %dma_start3A_193, %dma_start3A_197, %dma_start3A_198] : memref<16384x6x5x128xf32, #tpu.memory_space<hbm>> -> memref<1x1x5x128xf32, #tpu.memory_space<hbm>>
      %dma_start3A_200 = tpu.memref_squeeze %dma_start3A_199 : memref<1x1x5x128xf32, #tpu.memory_space<hbm>> -> memref<5x128xf32, #tpu.memory_space<hbm>>
      %dma_start3A_201 = arith.constant 0 : i32
      %dma_start3A_202 = arith.constant 0 : i32
      %dma_start3A_203 = tpu.memref_slice %arg4[%add3A_192, %dma_start3A_193, %dma_start3A_201, %dma_start3A_202] : memref<16384x6x5x128xf32, #tpu.memory_space<hbm>> -> memref<1x1x5x128xf32, #tpu.memory_space<hbm>>
      %dma_start3A_204 = tpu.memref_squeeze %dma_start3A_203 : memref<1x1x5x128xf32, #tpu.memory_space<hbm>> -> memref<5x128xf32, #tpu.memory_space<hbm>>
      %dma_start3A_205 = arith.constant 30 : i32
      %dma_start3A_206 = arith.constant 0 : i32
      %dma_start3A_207 = tpu.memref_slice %arg7[%dma_start3A_205, %dma_start3A_206] : memref<240x128xf32, #tpu.memory_space<vmem>> -> memref<5x128xf32, #tpu.memory_space<vmem>>
      tpu.enqueue_dma source(%dma_start3A_207 : memref<5x128xf32, #tpu.memory_space<vmem>>) target(%dma_start3A_204 : memref<5x128xf32, #tpu.memory_space<hbm>>) target_semaphore(%arg13 : memref<!tpu.dma_semaphore, #tpu.memory_space<semaphore_mem>>)
      %mul3A_208 = arith.constant 8 : i32
      %mul3A_209 = arith.muli %add3A_34, %mul3A_208 : i32
      %add3A_210 = arith.addi %mul3A_4, %mul3A_209 : i32
      %add3A_211 = arith.constant 1 : i32
      %add3A_212 = arith.addi %add3A_210, %add3A_211 : i32
      %dma_start3A_213 = arith.constant 1 : i32
      %dma_start3A_214 = arith.constant 35 : i32
      %dma_start3A_215 = arith.constant 0 : i32
      %dma_start3A_216 = tpu.memref_slice %arg7[%dma_start3A_214, %dma_start3A_215] : memref<240x128xf32, #tpu.memory_space<vmem>> -> memref<5x128xf32, #tpu.memory_space<vmem>>
      %dma_start3A_217 = arith.constant 0 : i32
      %dma_start3A_218 = arith.constant 0 : i32
      %dma_start3A_219 = tpu.memref_slice %arg4[%add3A_212, %dma_start3A_213, %dma_start3A_217, %dma_start3A_218] : memref<16384x6x5x128xf32, #tpu.memory_space<hbm>> -> memref<1x1x5x128xf32, #tpu.memory_space<hbm>>
      %dma_start3A_220 = tpu.memref_squeeze %dma_start3A_219 : memref<1x1x5x128xf32, #tpu.memory_space<hbm>> -> memref<5x128xf32, #tpu.memory_space<hbm>>
      %dma_start3A_221 = arith.constant 0 : i32
      %dma_start3A_222 = arith.constant 0 : i32
      %dma_start3A_223 = tpu.memref_slice %arg4[%add3A_212, %dma_start3A_213, %dma_start3A_221, %dma_start3A_222] : memref<16384x6x5x128xf32, #tpu.memory_space<hbm>> -> memref<1x1x5x128xf32, #tpu.memory_space<hbm>>
      %dma_start3A_224 = tpu.memref_squeeze %dma_start3A_223 : memref<1x1x5x128xf32, #tpu.memory_space<hbm>> -> memref<5x128xf32, #tpu.memory_space<hbm>>
      %dma_start3A_225 = arith.constant 35 : i32
      %dma_start3A_226 = arith.constant 0 : i32
      %dma_start3A_227 = tpu.memref_slice %arg7[%dma_start3A_225, %dma_start3A_226] : memref<240x128xf32, #tpu.memory_space<vmem>> -> memref<5x128xf32, #tpu.memory_space<vmem>>
      tpu.enqueue_dma source(%dma_start3A_227 : memref<5x128xf32, #tpu.memory_space<vmem>>) target(%dma_start3A_224 : memref<5x128xf32, #tpu.memory_space<hbm>>) target_semaphore(%arg13 : memref<!tpu.dma_semaphore, #tpu.memory_space<semaphore_mem>>)
      %mul3A_228 = arith.constant 8 : i32
      %mul3A_229 = arith.muli %add3A_34, %mul3A_228 : i32
      %add3A_230 = arith.addi %mul3A_4, %mul3A_229 : i32
      %add3A_231 = arith.constant 1 : i32
      %add3A_232 = arith.addi %add3A_230, %add3A_231 : i32
      %dma_start3A_233 = arith.constant 2 : i32
      %dma_start3A_234 = arith.constant 40 : i32
      %dma_start3A_235 = arith.constant 0 : i32
      %dma_start3A_236 = tpu.memref_slice %arg7[%dma_start3A_234, %dma_start3A_235] : memref<240x128xf32, #tpu.memory_space<vmem>> -> memref<5x128xf32, #tpu.memory_space<vmem>>
      %dma_start3A_237 = arith.constant 0 : i32
      %dma_start3A_238 = arith.constant 0 : i32
      %dma_start3A_239 = tpu.memref_slice %arg4[%add3A_232, %dma_start3A_233, %dma_start3A_237, %dma_start3A_238] : memref<16384x6x5x128xf32, #tpu.memory_space<hbm>> -> memref<1x1x5x128xf32, #tpu.memory_space<hbm>>
      %dma_start3A_240 = tpu.memref_squeeze %dma_start3A_239 : memref<1x1x5x128xf32, #tpu.memory_space<hbm>> -> memref<5x128xf32, #tpu.memory_space<hbm>>
      %dma_start3A_241 = arith.constant 0 : i32
      %dma_start3A_242 = arith.constant 0 : i32
      %dma_start3A_243 = tpu.memref_slice %arg4[%add3A_232, %dma_start3A_233, %dma_start3A_241, %dma_start3A_242] : memref<16384x6x5x128xf32, #tpu.memory_space<hbm>> -> memref<1x1x5x128xf32, #tpu.memory_space<hbm>>
      %dma_start3A_244 = tpu.memref_squeeze %dma_start3A_243 : memref<1x1x5x128xf32, #tpu.memory_space<hbm>> -> memref<5x128xf32, #tpu.memory_space<hbm>>
      %dma_start3A_245 = arith.constant 40 : i32
      %dma_start3A_246 = arith.constant 0 : i32
      %dma_start3A_247 = tpu.memref_slice %arg7[%dma_start3A_245, %dma_start3A_246] : memref<240x128xf32, #tpu.memory_space<vmem>> -> memref<5x128xf32, #tpu.memory_space<vmem>>
      tpu.enqueue_dma source(%dma_start3A_247 : memref<5x128xf32, #tpu.memory_space<vmem>>) target(%dma_start3A_244 : memref<5x128xf32, #tpu.memory_space<hbm>>) target_semaphore(%arg13 : memref<!tpu.dma_semaphore, #tpu.memory_space<semaphore_mem>>)
      %mul3A_248 = arith.constant 8 : i32
      %mul3A_249 = arith.muli %add3A_34, %mul3A_248 : i32
      %add3A_250 = arith.addi %mul3A_4, %mul3A_249 : i32
      %add3A_251 = arith.constant 1 : i32
      %add3A_252 = arith.addi %add3A_250, %add3A_251 : i32
      %dma_start3A_253 = arith.constant 3 : i32
      %dma_start3A_254 = arith.constant 45 : i32
      %dma_start3A_255 = arith.constant 0 : i32
      %dma_start3A_256 = tpu.memref_slice %arg7[%dma_start3A_254, %dma_start3A_255] : memref<240x128xf32, #tpu.memory_space<vmem>> -> memref<5x128xf32, #tpu.memory_space<vmem>>
      %dma_start3A_257 = arith.constant 0 : i32
      %dma_start3A_258 = arith.constant 0 : i32
      %dma_start3A_259 = tpu.memref_slice %arg4[%add3A_252, %dma_start3A_253, %dma_start3A_257, %dma_start3A_258] : memref<16384x6x5x128xf32, #tpu.memory_space<hbm>> -> memref<1x1x5x128xf32, #tpu.memory_space<hbm>>
      %dma_start3A_260 = tpu.memref_squeeze %dma_start3A_259 : memref<1x1x5x128xf32, #tpu.memory_space<hbm>> -> memref<5x128xf32, #tpu.memory_space<hbm>>
      %dma_start3A_261 = arith.constant 0 : i32
      %dma_start3A_262 = arith.constant 0 : i32
      %dma_start3A_263 = tpu.memref_slice %arg4[%add3A_252, %dma_start3A_253, %dma_start3A_261, %dma_start3A_262] : memref<16384x6x5x128xf32, #tpu.memory_space<hbm>> -> memref<1x1x5x128xf32, #tpu.memory_space<hbm>>
      %dma_start3A_264 = tpu.memref_squeeze %dma_start3A_263 : memref<1x1x5x128xf32, #tpu.memory_space<hbm>> -> memref<5x128xf32, #tpu.memory_space<hbm>>
      %dma_start3A_265 = arith.constant 45 : i32
      %dma_start3A_266 = arith.constant 0 : i32
      %dma_start3A_267 = tpu.memref_slice %arg7[%dma_start3A_265, %dma_start3A_266] : memref<240x128xf32, #tpu.memory_space<vmem>> -> memref<5x128xf32, #tpu.memory_space<vmem>>
      tpu.enqueue_dma source(%dma_start3A_267 : memref<5x128xf32, #tpu.memory_space<vmem>>) target(%dma_start3A_264 : memref<5x128xf32, #tpu.memory_space<hbm>>) target_semaphore(%arg13 : memref<!tpu.dma_semaphore, #tpu.memory_space<semaphore_mem>>)
      %mul3A_268 = arith.constant 8 : i32
      %mul3A_269 = arith.muli %add3A_34, %mul3A_268 : i32
      %add3A_270 = arith.addi %mul3A_4, %mul3A_269 : i32
      %add3A_271 = arith.constant 1 : i32
      %add3A_272 = arith.addi %add3A_270, %add3A_271 : i32
      %dma_start3A_273 = arith.constant 4 : i32
      %dma_start3A_274 = arith.constant 50 : i32
      %dma_start3A_275 = arith.constant 0 : i32
      %dma_start3A_276 = tpu.memref_slice %arg7[%dma_start3A_274, %dma_start3A_275] : memref<240x128xf32, #tpu.memory_space<vmem>> -> memref<5x128xf32, #tpu.memory_space<vmem>>
      %dma_start3A_277 = arith.constant 0 : i32
      %dma_start3A_278 = arith.constant 0 : i32
      %dma_start3A_279 = tpu.memref_slice %arg4[%add3A_272, %dma_start3A_273, %dma_start3A_277, %dma_start3A_278] : memref<16384x6x5x128xf32, #tpu.memory_space<hbm>> -> memref<1x1x5x128xf32, #tpu.memory_space<hbm>>
      %dma_start3A_280 = tpu.memref_squeeze %dma_start3A_279 : memref<1x1x5x128xf32, #tpu.memory_space<hbm>> -> memref<5x128xf32, #tpu.memory_space<hbm>>
      %dma_start3A_281 = arith.constant 0 : i32
      %dma_start3A_282 = arith.constant 0 : i32
      %dma_start3A_283 = tpu.memref_slice %arg4[%add3A_272, %dma_start3A_273, %dma_start3A_281, %dma_start3A_282] : memref<16384x6x5x128xf32, #tpu.memory_space<hbm>> -> memref<1x1x5x128xf32, #tpu.memory_space<hbm>>
      %dma_start3A_284 = tpu.memref_squeeze %dma_start3A_283 : memref<1x1x5x128xf32, #tpu.memory_space<hbm>> -> memref<5x128xf32, #tpu.memory_space<hbm>>
      %dma_start3A_285 = arith.constant 50 : i32
      %dma_start3A_286 = arith.constant 0 : i32
      %dma_start3A_287 = tpu.memref_slice %arg7[%dma_start3A_285, %dma_start3A_286] : memref<240x128xf32, #tpu.memory_space<vmem>> -> memref<5x128xf32, #tpu.memory_space<vmem>>
      tpu.enqueue_dma source(%dma_start3A_287 : memref<5x128xf32, #tpu.memory_space<vmem>>) target(%dma_start3A_284 : memref<5x128xf32, #tpu.memory_space<hbm>>) target_semaphore(%arg13 : memref<!tpu.dma_semaphore, #tpu.memory_space<semaphore_mem>>)
      %mul3A_288 = arith.constant 8 : i32
      %mul3A_289 = arith.muli %add3A_34, %mul3A_288 : i32
      %add3A_290 = arith.addi %mul3A_4, %mul3A_289 : i32
      %add3A_291 = arith.constant 1 : i32
      %add3A_292 = arith.addi %add3A_290, %add3A_291 : i32
      %dma_start3A_293 = arith.constant 5 : i32
      %dma_start3A_294 = arith.constant 55 : i32
      %dma_start3A_295 = arith.constant 0 : i32
      %dma_start3A_296 = tpu.memref_slice %arg7[%dma_start3A_294, %dma_start3A_295] : memref<240x128xf32, #tpu.memory_space<vmem>> -> memref<5x128xf32, #tpu.memory_space<vmem>>
      %dma_start3A_297 = arith.constant 0 : i32
      %dma_start3A_298 = arith.constant 0 : i32
      %dma_start3A_299 = tpu.memref_slice %arg4[%add3A_292, %dma_start3A_293, %dma_start3A_297, %dma_start3A_298] : memref<16384x6x5x128xf32, #tpu.memory_space<hbm>> -> memref<1x1x5x128xf32, #tpu.memory_space<hbm>>
      %dma_start3A_300 = tpu.memref_squeeze %dma_start3A_299 : memref<1x1x5x128xf32, #tpu.memory_space<hbm>> -> memref<5x128xf32, #tpu.memory_space<hbm>>
      %dma_start3A_301 = arith.constant 0 : i32
      %dma_start3A_302 = arith.constant 0 : i32
      %dma_start3A_303 = tpu.memref_slice %arg4[%add3A_292, %dma_start3A_293, %dma_start3A_301, %dma_start3A_302] : memref<16384x6x5x128xf32, #tpu.memory_space<hbm>> -> memref<1x1x5x128xf32, #tpu.memory_space<hbm>>
      %dma_start3A_304 = tpu.memref_squeeze %dma_start3A_303 : memref<1x1x5x128xf32, #tpu.memory_space<hbm>> -> memref<5x128xf32, #tpu.memory_space<hbm>>
      %dma_start3A_305 = arith.constant 55 : i32
      %dma_start3A_306 = arith.constant 0 : i32
      %dma_start3A_307 = tpu.memref_slice %arg7[%dma_start3A_305, %dma_start3A_306] : memref<240x128xf32, #tpu.memory_space<vmem>> -> memref<5x128xf32, #tpu.memory_space<vmem>>
      tpu.enqueue_dma source(%dma_start3A_307 : memref<5x128xf32, #tpu.memory_space<vmem>>) target(%dma_start3A_304 : memref<5x128xf32, #tpu.memory_space<hbm>>) target_semaphore(%arg13 : memref<!tpu.dma_semaphore, #tpu.memory_space<semaphore_mem>>)
      %mul3A_308 = arith.constant 8 : i32
      %mul3A_309 = arith.muli %add3A_34, %mul3A_308 : i32
      %add3A_310 = arith.addi %mul3A_4, %mul3A_309 : i32
      %add3A_311 = arith.constant 2 : i32
      %add3A_312 = arith.addi %add3A_310, %add3A_311 : i32
      %dma_start3A_313 = arith.constant 0 : i32
      %dma_start3A_314 = arith.constant 60 : i32
      %dma_start3A_315 = arith.constant 0 : i32
      %dma_start3A_316 = tpu.memref_slice %arg7[%dma_start3A_314, %dma_start3A_315] : memref<240x128xf32, #tpu.memory_space<vmem>> -> memref<5x128xf32, #tpu.memory_space<vmem>>
      %dma_start3A_317 = arith.constant 0 : i32
      %dma_start3A_318 = arith.constant 0 : i32
      %dma_start3A_319 = tpu.memref_slice %arg4[%add3A_312, %dma_start3A_313, %dma_start3A_317, %dma_start3A_318] : memref<16384x6x5x128xf32, #tpu.memory_space<hbm>> -> memref<1x1x5x128xf32, #tpu.memory_space<hbm>>
      %dma_start3A_320 = tpu.memref_squeeze %dma_start3A_319 : memref<1x1x5x128xf32, #tpu.memory_space<hbm>> -> memref<5x128xf32, #tpu.memory_space<hbm>>
      %dma_start3A_321 = arith.constant 0 : i32
      %dma_start3A_322 = arith.constant 0 : i32
      %dma_start3A_323 = tpu.memref_slice %arg4[%add3A_312, %dma_start3A_313, %dma_start3A_321, %dma_start3A_322] : memref<16384x6x5x128xf32, #tpu.memory_space<hbm>> -> memref<1x1x5x128xf32, #tpu.memory_space<hbm>>
      %dma_start3A_324 = tpu.memref_squeeze %dma_start3A_323 : memref<1x1x5x128xf32, #tpu.memory_space<hbm>> -> memref<5x128xf32, #tpu.memory_space<hbm>>
      %dma_start3A_325 = arith.constant 60 : i32
      %dma_start3A_326 = arith.constant 0 : i32
      %dma_start3A_327 = tpu.memref_slice %arg7[%dma_start3A_325, %dma_start3A_326] : memref<240x128xf32, #tpu.memory_space<vmem>> -> memref<5x128xf32, #tpu.memory_space<vmem>>
      tpu.enqueue_dma source(%dma_start3A_327 : memref<5x128xf32, #tpu.memory_space<vmem>>) target(%dma_start3A_324 : memref<5x128xf32, #tpu.memory_space<hbm>>) target_semaphore(%arg13 : memref<!tpu.dma_semaphore, #tpu.memory_space<semaphore_mem>>)
      %mul3A_328 = arith.constant 8 : i32
      %mul3A_329 = arith.muli %add3A_34, %mul3A_328 : i32
      %add3A_330 = arith.addi %mul3A_4, %mul3A_329 : i32
      %add3A_331 = arith.constant 2 : i32
      %add3A_332 = arith.addi %add3A_330, %add3A_331 : i32
      %dma_start3A_333 = arith.constant 1 : i32
      %dma_start3A_334 = arith.constant 65 : i32
      %dma_start3A_335 = arith.constant 0 : i32
      %dma_start3A_336 = tpu.memref_slice %arg7[%dma_start3A_334, %dma_start3A_335] : memref<240x128xf32, #tpu.memory_space<vmem>> -> memref<5x128xf32, #tpu.memory_space<vmem>>
      %dma_start3A_337 = arith.constant 0 : i32
      %dma_start3A_338 = arith.constant 0 : i32
      %dma_start3A_339 = tpu.memref_slice %arg4[%add3A_332, %dma_start3A_333, %dma_start3A_337, %dma_start3A_338] : memref<16384x6x5x128xf32, #tpu.memory_space<hbm>> -> memref<1x1x5x128xf32, #tpu.memory_space<hbm>>
      %dma_start3A_340 = tpu.memref_squeeze %dma_start3A_339 : memref<1x1x5x128xf32, #tpu.memory_space<hbm>> -> memref<5x128xf32, #tpu.memory_space<hbm>>
      %dma_start3A_341 = arith.constant 0 : i32
      %dma_start3A_342 = arith.constant 0 : i32
      %dma_start3A_343 = tpu.memref_slice %arg4[%add3A_332, %dma_start3A_333, %dma_start3A_341, %dma_start3A_342] : memref<16384x6x5x128xf32, #tpu.memory_space<hbm>> -> memref<1x1x5x128xf32, #tpu.memory_space<hbm>>
      %dma_start3A_344 = tpu.memref_squeeze %dma_start3A_343 : memref<1x1x5x128xf32, #tpu.memory_space<hbm>> -> memref<5x128xf32, #tpu.memory_space<hbm>>
      %dma_start3A_345 = arith.constant 65 : i32
      %dma_start3A_346 = arith.constant 0 : i32
      %dma_start3A_347 = tpu.memref_slice %arg7[%dma_start3A_345, %dma_start3A_346] : memref<240x128xf32, #tpu.memory_space<vmem>> -> memref<5x128xf32, #tpu.memory_space<vmem>>
      tpu.enqueue_dma source(%dma_start3A_347 : memref<5x128xf32, #tpu.memory_space<vmem>>) target(%dma_start3A_344 : memref<5x128xf32, #tpu.memory_space<hbm>>) target_semaphore(%arg13 : memref<!tpu.dma_semaphore, #tpu.memory_space<semaphore_mem>>)
      %mul3A_348 = arith.constant 8 : i32
      %mul3A_349 = arith.muli %add3A_34, %mul3A_348 : i32
      %add3A_350 = arith.addi %mul3A_4, %mul3A_349 : i32
      %add3A_351 = arith.constant 2 : i32
      %add3A_352 = arith.addi %add3A_350, %add3A_351 : i32
      %dma_start3A_353 = arith.constant 2 : i32
      %dma_start3A_354 = arith.constant 70 : i32
      %dma_start3A_355 = arith.constant 0 : i32
      %dma_start3A_356 = tpu.memref_slice %arg7[%dma_start3A_354, %dma_start3A_355] : memref<240x128xf32, #tpu.memory_space<vmem>> -> memref<5x128xf32, #tpu.memory_space<vmem>>
      %dma_start3A_357 = arith.constant 0 : i32
      %dma_start3A_358 = arith.constant 0 : i32
      %dma_start3A_359 = tpu.memref_slice %arg4[%add3A_352, %dma_start3A_353, %dma_start3A_357, %dma_start3A_358] : memref<16384x6x5x128xf32, #tpu.memory_space<hbm>> -> memref<1x1x5x128xf32, #tpu.memory_space<hbm>>
      %dma_start3A_360 = tpu.memref_squeeze %dma_start3A_359 : memref<1x1x5x128xf32, #tpu.memory_space<hbm>> -> memref<5x128xf32, #tpu.memory_space<hbm>>
      %dma_start3A_361 = arith.constant 0 : i32
      %dma_start3A_362 = arith.constant 0 : i32
      %dma_start3A_363 = tpu.memref_slice %arg4[%add3A_352, %dma_start3A_353, %dma_start3A_361, %dma_start3A_362] : memref<16384x6x5x128xf32, #tpu.memory_space<hbm>> -> memref<1x1x5x128xf32, #tpu.memory_space<hbm>>
      %dma_start3A_364 = tpu.memref_squeeze %dma_start3A_363 : memref<1x1x5x128xf32, #tpu.memory_space<hbm>> -> memref<5x128xf32, #tpu.memory_space<hbm>>
      %dma_start3A_365 = arith.constant 70 : i32
      %dma_start3A_366 = arith.constant 0 : i32
      %dma_start3A_367 = tpu.memref_slice %arg7[%dma_start3A_365, %dma_start3A_366] : memref<240x128xf32, #tpu.memory_space<vmem>> -> memref<5x128xf32, #tpu.memory_space<vmem>>
      tpu.enqueue_dma source(%dma_start3A_367 : memref<5x128xf32, #tpu.memory_space<vmem>>) target(%dma_start3A_364 : memref<5x128xf32, #tpu.memory_space<hbm>>) target_semaphore(%arg13 : memref<!tpu.dma_semaphore, #tpu.memory_space<semaphore_mem>>)
      %mul3A_368 = arith.constant 8 : i32
      %mul3A_369 = arith.muli %add3A_34, %mul3A_368 : i32
      %add3A_370 = arith.addi %mul3A_4, %mul3A_369 : i32
      %add3A_371 = arith.constant 2 : i32
      %add3A_372 = arith.addi %add3A_370, %add3A_371 : i32
      %dma_start3A_373 = arith.constant 3 : i32
      %dma_start3A_374 = arith.constant 75 : i32
      %dma_start3A_375 = arith.constant 0 : i32
      %dma_start3A_376 = tpu.memref_slice %arg7[%dma_start3A_374, %dma_start3A_375] : memref<240x128xf32, #tpu.memory_space<vmem>> -> memref<5x128xf32, #tpu.memory_space<vmem>>
      %dma_start3A_377 = arith.constant 0 : i32
      %dma_start3A_378 = arith.constant 0 : i32
      %dma_start3A_379 = tpu.memref_slice %arg4[%add3A_372, %dma_start3A_373, %dma_start3A_377, %dma_start3A_378] : memref<16384x6x5x128xf32, #tpu.memory_space<hbm>> -> memref<1x1x5x128xf32, #tpu.memory_space<hbm>>
      %dma_start3A_380 = tpu.memref_squeeze %dma_start3A_379 : memref<1x1x5x128xf32, #tpu.memory_space<hbm>> -> memref<5x128xf32, #tpu.memory_space<hbm>>
      %dma_start3A_381 = arith.constant 0 : i32
      %dma_start3A_382 = arith.constant 0 : i32
      %dma_start3A_383 = tpu.memref_slice %arg4[%add3A_372, %dma_start3A_373, %dma_start3A_381, %dma_start3A_382] : memref<16384x6x5x128xf32, #tpu.memory_space<hbm>> -> memref<1x1x5x128xf32, #tpu.memory_space<hbm>>
      %dma_start3A_384 = tpu.memref_squeeze %dma_start3A_383 : memref<1x1x5x128xf32, #tpu.memory_space<hbm>> -> memref<5x128xf32, #tpu.memory_space<hbm>>
      %dma_start3A_385 = arith.constant 75 : i32
      %dma_start3A_386 = arith.constant 0 : i32
      %dma_start3A_387 = tpu.memref_slice %arg7[%dma_start3A_385, %dma_start3A_386] : memref<240x128xf32, #tpu.memory_space<vmem>> -> memref<5x128xf32, #tpu.memory_space<vmem>>
      tpu.enqueue_dma source(%dma_start3A_387 : memref<5x128xf32, #tpu.memory_space<vmem>>) target(%dma_start3A_384 : memref<5x128xf32, #tpu.memory_space<hbm>>) target_semaphore(%arg13 : memref<!tpu.dma_semaphore, #tpu.memory_space<semaphore_mem>>)
      %mul3A_388 = arith.constant 8 : i32
      %mul3A_389 = arith.muli %add3A_34, %mul3A_388 : i32
      %add3A_390 = arith.addi %mul3A_4, %mul3A_389 : i32
      %add3A_391 = arith.constant 2 : i32
      %add3A_392 = arith.addi %add3A_390, %add3A_391 : i32
      %dma_start3A_393 = arith.constant 4 : i32
      %dma_start3A_394 = arith.constant 80 : i32
      %dma_start3A_395 = arith.constant 0 : i32
      %dma_start3A_396 = tpu.memref_slice %arg7[%dma_start3A_394, %dma_start3A_395] : memref<240x128xf32, #tpu.memory_space<vmem>> -> memref<5x128xf32, #tpu.memory_space<vmem>>
      %dma_start3A_397 = arith.constant 0 : i32
      %dma_start3A_398 = arith.constant 0 : i32
      %dma_start3A_399 = tpu.memref_slice %arg4[%add3A_392, %dma_start3A_393, %dma_start3A_397, %dma_start3A_398] : memref<16384x6x5x128xf32, #tpu.memory_space<hbm>> -> memref<1x1x5x128xf32, #tpu.memory_space<hbm>>
      %dma_start3A_400 = tpu.memref_squeeze %dma_start3A_399 : memref<1x1x5x128xf32, #tpu.memory_space<hbm>> -> memref<5x128xf32, #tpu.memory_space<hbm>>
      %dma_start3A_401 = arith.constant 0 : i32
      %dma_start3A_402 = arith.constant 0 : i32
      %dma_start3A_403 = tpu.memref_slice %arg4[%add3A_392, %dma_start3A_393, %dma_start3A_401, %dma_start3A_402] : memref<16384x6x5x128xf32, #tpu.memory_space<hbm>> -> memref<1x1x5x128xf32, #tpu.memory_space<hbm>>
      %dma_start3A_404 = tpu.memref_squeeze %dma_start3A_403 : memref<1x1x5x128xf32, #tpu.memory_space<hbm>> -> memref<5x128xf32, #tpu.memory_space<hbm>>
      %dma_start3A_405 = arith.constant 80 : i32
      %dma_start3A_406 = arith.constant 0 : i32
      %dma_start3A_407 = tpu.memref_slice %arg7[%dma_start3A_405, %dma_start3A_406] : memref<240x128xf32, #tpu.memory_space<vmem>> -> memref<5x128xf32, #tpu.memory_space<vmem>>
      tpu.enqueue_dma source(%dma_start3A_407 : memref<5x128xf32, #tpu.memory_space<vmem>>) target(%dma_start3A_404 : memref<5x128xf32, #tpu.memory_space<hbm>>) target_semaphore(%arg13 : memref<!tpu.dma_semaphore, #tpu.memory_space<semaphore_mem>>)
      %mul3A_408 = arith.constant 8 : i32
      %mul3A_409 = arith.muli %add3A_34, %mul3A_408 : i32
      %add3A_410 = arith.addi %mul3A_4, %mul3A_409 : i32
      %add3A_411 = arith.constant 2 : i32
      %add3A_412 = arith.addi %add3A_410, %add3A_411 : i32
      %dma_start3A_413 = arith.constant 5 : i32
      %dma_start3A_414 = arith.constant 85 : i32
      %dma_start3A_415 = arith.constant 0 : i32
      %dma_start3A_416 = tpu.memref_slice %arg7[%dma_start3A_414, %dma_start3A_415] : memref<240x128xf32, #tpu.memory_space<vmem>> -> memref<5x128xf32, #tpu.memory_space<vmem>>
      %dma_start3A_417 = arith.constant 0 : i32
      %dma_start3A_418 = arith.constant 0 : i32
      %dma_start3A_419 = tpu.memref_slice %arg4[%add3A_412, %dma_start3A_413, %dma_start3A_417, %dma_start3A_418] : memref<16384x6x5x128xf32, #tpu.memory_space<hbm>> -> memref<1x1x5x128xf32, #tpu.memory_space<hbm>>
      %dma_start3A_420 = tpu.memref_squeeze %dma_start3A_419 : memref<1x1x5x128xf32, #tpu.memory_space<hbm>> -> memref<5x128xf32, #tpu.memory_space<hbm>>
      %dma_start3A_421 = arith.constant 0 : i32
      %dma_start3A_422 = arith.constant 0 : i32
      %dma_start3A_423 = tpu.memref_slice %arg4[%add3A_412, %dma_start3A_413, %dma_start3A_421, %dma_start3A_422] : memref<16384x6x5x128xf32, #tpu.memory_space<hbm>> -> memref<1x1x5x128xf32, #tpu.memory_space<hbm>>
      %dma_start3A_424 = tpu.memref_squeeze %dma_start3A_423 : memref<1x1x5x128xf32, #tpu.memory_space<hbm>> -> memref<5x128xf32, #tpu.memory_space<hbm>>
      %dma_start3A_425 = arith.constant 85 : i32
      %dma_start3A_426 = arith.constant 0 : i32
      %dma_start3A_427 = tpu.memref_slice %arg7[%dma_start3A_425, %dma_start3A_426] : memref<240x128xf32, #tpu.memory_space<vmem>> -> memref<5x128xf32, #tpu.memory_space<vmem>>
      tpu.enqueue_dma source(%dma_start3A_427 : memref<5x128xf32, #tpu.memory_space<vmem>>) target(%dma_start3A_424 : memref<5x128xf32, #tpu.memory_space<hbm>>) target_semaphore(%arg13 : memref<!tpu.dma_semaphore, #tpu.memory_space<semaphore_mem>>)
      %mul3A_428 = arith.constant 8 : i32
      %mul3A_429 = arith.muli %add3A_34, %mul3A_428 : i32
      %add3A_430 = arith.addi %mul3A_4, %mul3A_429 : i32
      %add3A_431 = arith.constant 3 : i32
      %add3A_432 = arith.addi %add3A_430, %add3A_431 : i32
      %dma_start3A_433 = arith.constant 0 : i32
      %dma_start3A_434 = arith.constant 90 : i32
      %dma_start3A_435 = arith.constant 0 : i32
      %dma_start3A_436 = tpu.memref_slice %arg7[%dma_start3A_434, %dma_start3A_435] : memref<240x128xf32, #tpu.memory_space<vmem>> -> memref<5x128xf32, #tpu.memory_space<vmem>>
      %dma_start3A_437 = arith.constant 0 : i32
      %dma_start3A_438 = arith.constant 0 : i32
      %dma_start3A_439 = tpu.memref_slice %arg4[%add3A_432, %dma_start3A_433, %dma_start3A_437, %dma_start3A_438] : memref<16384x6x5x128xf32, #tpu.memory_space<hbm>> -> memref<1x1x5x128xf32, #tpu.memory_space<hbm>>
      %dma_start3A_440 = tpu.memref_squeeze %dma_start3A_439 : memref<1x1x5x128xf32, #tpu.memory_space<hbm>> -> memref<5x128xf32, #tpu.memory_space<hbm>>
      %dma_start3A_441 = arith.constant 0 : i32
      %dma_start3A_442 = arith.constant 0 : i32
      %dma_start3A_443 = tpu.memref_slice %arg4[%add3A_432, %dma_start3A_433, %dma_start3A_441, %dma_start3A_442] : memref<16384x6x5x128xf32, #tpu.memory_space<hbm>> -> memref<1x1x5x128xf32, #tpu.memory_space<hbm>>
      %dma_start3A_444 = tpu.memref_squeeze %dma_start3A_443 : memref<1x1x5x128xf32, #tpu.memory_space<hbm>> -> memref<5x128xf32, #tpu.memory_space<hbm>>
      %dma_start3A_445 = arith.constant 90 : i32
      %dma_start3A_446 = arith.constant 0 : i32
      %dma_start3A_447 = tpu.memref_slice %arg7[%dma_start3A_445, %dma_start3A_446] : memref<240x128xf32, #tpu.memory_space<vmem>> -> memref<5x128xf32, #tpu.memory_space<vmem>>
      tpu.enqueue_dma source(%dma_start3A_447 : memref<5x128xf32, #tpu.memory_space<vmem>>) target(%dma_start3A_444 : memref<5x128xf32, #tpu.memory_space<hbm>>) target_semaphore(%arg13 : memref<!tpu.dma_semaphore, #tpu.memory_space<semaphore_mem>>)
      %mul3A_448 = arith.constant 8 : i32
      %mul3A_449 = arith.muli %add3A_34, %mul3A_448 : i32
      %add3A_450 = arith.addi %mul3A_4, %mul3A_449 : i32
      %add3A_451 = arith.constant 3 : i32
      %add3A_452 = arith.addi %add3A_450, %add3A_451 : i32
      %dma_start3A_453 = arith.constant 1 : i32
      %dma_start3A_454 = arith.constant 95 : i32
      %dma_start3A_455 = arith.constant 0 : i32
      %dma_start3A_456 = tpu.memref_slice %arg7[%dma_start3A_454, %dma_start3A_455] : memref<240x128xf32, #tpu.memory_space<vmem>> -> memref<5x128xf32, #tpu.memory_space<vmem>>
      %dma_start3A_457 = arith.constant 0 : i32
      %dma_start3A_458 = arith.constant 0 : i32
      %dma_start3A_459 = tpu.memref_slice %arg4[%add3A_452, %dma_start3A_453, %dma_start3A_457, %dma_start3A_458] : memref<16384x6x5x128xf32, #tpu.memory_space<hbm>> -> memref<1x1x5x128xf32, #tpu.memory_space<hbm>>
      %dma_start3A_460 = tpu.memref_squeeze %dma_start3A_459 : memref<1x1x5x128xf32, #tpu.memory_space<hbm>> -> memref<5x128xf32, #tpu.memory_space<hbm>>
      %dma_start3A_461 = arith.constant 0 : i32
      %dma_start3A_462 = arith.constant 0 : i32
      %dma_start3A_463 = tpu.memref_slice %arg4[%add3A_452, %dma_start3A_453, %dma_start3A_461, %dma_start3A_462] : memref<16384x6x5x128xf32, #tpu.memory_space<hbm>> -> memref<1x1x5x128xf32, #tpu.memory_space<hbm>>
      %dma_start3A_464 = tpu.memref_squeeze %dma_start3A_463 : memref<1x1x5x128xf32, #tpu.memory_space<hbm>> -> memref<5x128xf32, #tpu.memory_space<hbm>>
      %dma_start3A_465 = arith.constant 95 : i32
      %dma_start3A_466 = arith.constant 0 : i32
      %dma_start3A_467 = tpu.memref_slice %arg7[%dma_start3A_465, %dma_start3A_466] : memref<240x128xf32, #tpu.memory_space<vmem>> -> memref<5x128xf32, #tpu.memory_space<vmem>>
      tpu.enqueue_dma source(%dma_start3A_467 : memref<5x128xf32, #tpu.memory_space<vmem>>) target(%dma_start3A_464 : memref<5x128xf32, #tpu.memory_space<hbm>>) target_semaphore(%arg13 : memref<!tpu.dma_semaphore, #tpu.memory_space<semaphore_mem>>)
      %mul3A_468 = arith.constant 8 : i32
      %mul3A_469 = arith.muli %add3A_34, %mul3A_468 : i32
      %add3A_470 = arith.addi %mul3A_4, %mul3A_469 : i32
      %add3A_471 = arith.constant 3 : i32
      %add3A_472 = arith.addi %add3A_470, %add3A_471 : i32
      %dma_start3A_473 = arith.constant 2 : i32
      %dma_start3A_474 = arith.constant 100 : i32
      %dma_start3A_475 = arith.constant 0 : i32
      %dma_start3A_476 = tpu.memref_slice %arg7[%dma_start3A_474, %dma_start3A_475] : memref<240x128xf32, #tpu.memory_space<vmem>> -> memref<5x128xf32, #tpu.memory_space<vmem>>
      %dma_start3A_477 = arith.constant 0 : i32
      %dma_start3A_478 = arith.constant 0 : i32
      %dma_start3A_479 = tpu.memref_slice %arg4[%add3A_472, %dma_start3A_473, %dma_start3A_477, %dma_start3A_478] : memref<16384x6x5x128xf32, #tpu.memory_space<hbm>> -> memref<1x1x5x128xf32, #tpu.memory_space<hbm>>
      %dma_start3A_480 = tpu.memref_squeeze %dma_start3A_479 : memref<1x1x5x128xf32, #tpu.memory_space<hbm>> -> memref<5x128xf32, #tpu.memory_space<hbm>>
      %dma_start3A_481 = arith.constant 0 : i32
      %dma_start3A_482 = arith.constant 0 : i32
      %dma_start3A_483 = tpu.memref_slice %arg4[%add3A_472, %dma_start3A_473, %dma_start3A_481, %dma_start3A_482] : memref<16384x6x5x128xf32, #tpu.memory_space<hbm>> -> memref<1x1x5x128xf32, #tpu.memory_space<hbm>>
      %dma_start3A_484 = tpu.memref_squeeze %dma_start3A_483 : memref<1x1x5x128xf32, #tpu.memory_space<hbm>> -> memref<5x128xf32, #tpu.memory_space<hbm>>
      %dma_start3A_485 = arith.constant 100 : i32
      %dma_start3A_486 = arith.constant 0 : i32
      %dma_start3A_487 = tpu.memref_slice %arg7[%dma_start3A_485, %dma_start3A_486] : memref<240x128xf32, #tpu.memory_space<vmem>> -> memref<5x128xf32, #tpu.memory_space<vmem>>
      tpu.enqueue_dma source(%dma_start3A_487 : memref<5x128xf32, #tpu.memory_space<vmem>>) target(%dma_start3A_484 : memref<5x128xf32, #tpu.memory_space<hbm>>) target_semaphore(%arg13 : memref<!tpu.dma_semaphore, #tpu.memory_space<semaphore_mem>>)
      %mul3A_488 = arith.constant 8 : i32
      %mul3A_489 = arith.muli %add3A_34, %mul3A_488 : i32
      %add3A_490 = arith.addi %mul3A_4, %mul3A_489 : i32
      %add3A_491 = arith.constant 3 : i32
      %add3A_492 = arith.addi %add3A_490, %add3A_491 : i32
      %dma_start3A_493 = arith.constant 3 : i32
      %dma_start3A_494 = arith.constant 105 : i32
      %dma_start3A_495 = arith.constant 0 : i32
      %dma_start3A_496 = tpu.memref_slice %arg7[%dma_start3A_494, %dma_start3A_495] : memref<240x128xf32, #tpu.memory_space<vmem>> -> memref<5x128xf32, #tpu.memory_space<vmem>>
      %dma_start3A_497 = arith.constant 0 : i32
      %dma_start3A_498 = arith.constant 0 : i32
      %dma_start3A_499 = tpu.memref_slice %arg4[%add3A_492, %dma_start3A_493, %dma_start3A_497, %dma_start3A_498] : memref<16384x6x5x128xf32, #tpu.memory_space<hbm>> -> memref<1x1x5x128xf32, #tpu.memory_space<hbm>>
      %dma_start3A_500 = tpu.memref_squeeze %dma_start3A_499 : memref<1x1x5x128xf32, #tpu.memory_space<hbm>> -> memref<5x128xf32, #tpu.memory_space<hbm>>
      %dma_start3A_501 = arith.constant 0 : i32
      %dma_start3A_502 = arith.constant 0 : i32
      %dma_start3A_503 = tpu.memref_slice %arg4[%add3A_492, %dma_start3A_493, %dma_start3A_501, %dma_start3A_502] : memref<16384x6x5x128xf32, #tpu.memory_space<hbm>> -> memref<1x1x5x128xf32, #tpu.memory_space<hbm>>
      %dma_start3A_504 = tpu.memref_squeeze %dma_start3A_503 : memref<1x1x5x128xf32, #tpu.memory_space<hbm>> -> memref<5x128xf32, #tpu.memory_space<hbm>>
      %dma_start3A_505 = arith.constant 105 : i32
      %dma_start3A_506 = arith.constant 0 : i32
      %dma_start3A_507 = tpu.memref_slice %arg7[%dma_start3A_505, %dma_start3A_506] : memref<240x128xf32, #tpu.memory_space<vmem>> -> memref<5x128xf32, #tpu.memory_space<vmem>>
      tpu.enqueue_dma source(%dma_start3A_507 : memref<5x128xf32, #tpu.memory_space<vmem>>) target(%dma_start3A_504 : memref<5x128xf32, #tpu.memory_space<hbm>>) target_semaphore(%arg13 : memref<!tpu.dma_semaphore, #tpu.memory_space<semaphore_mem>>)
      %mul3A_508 = arith.constant 8 : i32
      %mul3A_509 = arith.muli %add3A_34, %mul3A_508 : i32
      %add3A_510 = arith.addi %mul3A_4, %mul3A_509 : i32
      %add3A_511 = arith.constant 3 : i32
      %add3A_512 = arith.addi %add3A_510, %add3A_511 : i32
      %dma_start3A_513 = arith.constant 4 : i32
      %dma_start3A_514 = arith.constant 110 : i32
      %dma_start3A_515 = arith.constant 0 : i32
      %dma_start3A_516 = tpu.memref_slice %arg7[%dma_start3A_514, %dma_start3A_515] : memref<240x128xf32, #tpu.memory_space<vmem>> -> memref<5x128xf32, #tpu.memory_space<vmem>>
      %dma_start3A_517 = arith.constant 0 : i32
      %dma_start3A_518 = arith.constant 0 : i32
      %dma_start3A_519 = tpu.memref_slice %arg4[%add3A_512, %dma_start3A_513, %dma_start3A_517, %dma_start3A_518] : memref<16384x6x5x128xf32, #tpu.memory_space<hbm>> -> memref<1x1x5x128xf32, #tpu.memory_space<hbm>>
      %dma_start3A_520 = tpu.memref_squeeze %dma_start3A_519 : memref<1x1x5x128xf32, #tpu.memory_space<hbm>> -> memref<5x128xf32, #tpu.memory_space<hbm>>
      %dma_start3A_521 = arith.constant 0 : i32
      %dma_start3A_522 = arith.constant 0 : i32
      %dma_start3A_523 = tpu.memref_slice %arg4[%add3A_512, %dma_start3A_513, %dma_start3A_521, %dma_start3A_522] : memref<16384x6x5x128xf32, #tpu.memory_space<hbm>> -> memref<1x1x5x128xf32, #tpu.memory_space<hbm>>
      %dma_start3A_524 = tpu.memref_squeeze %dma_start3A_523 : memref<1x1x5x128xf32, #tpu.memory_space<hbm>> -> memref<5x128xf32, #tpu.memory_space<hbm>>
      %dma_start3A_525 = arith.constant 110 : i32
      %dma_start3A_526 = arith.constant 0 : i32
      %dma_start3A_527 = tpu.memref_slice %arg7[%dma_start3A_525, %dma_start3A_526] : memref<240x128xf32, #tpu.memory_space<vmem>> -> memref<5x128xf32, #tpu.memory_space<vmem>>
      tpu.enqueue_dma source(%dma_start3A_527 : memref<5x128xf32, #tpu.memory_space<vmem>>) target(%dma_start3A_524 : memref<5x128xf32, #tpu.memory_space<hbm>>) target_semaphore(%arg13 : memref<!tpu.dma_semaphore, #tpu.memory_space<semaphore_mem>>)
      %mul3A_528 = arith.constant 8 : i32
      %mul3A_529 = arith.muli %add3A_34, %mul3A_528 : i32
      %add3A_530 = arith.addi %mul3A_4, %mul3A_529 : i32
      %add3A_531 = arith.constant 3 : i32
      %add3A_532 = arith.addi %add3A_530, %add3A_531 : i32
      %dma_start3A_533 = arith.constant 5 : i32
      %dma_start3A_534 = arith.constant 115 : i32
      %dma_start3A_535 = arith.constant 0 : i32
      %dma_start3A_536 = tpu.memref_slice %arg7[%dma_start3A_534, %dma_start3A_535] : memref<240x128xf32, #tpu.memory_space<vmem>> -> memref<5x128xf32, #tpu.memory_space<vmem>>
      %dma_start3A_537 = arith.constant 0 : i32
      %dma_start3A_538 = arith.constant 0 : i32
      %dma_start3A_539 = tpu.memref_slice %arg4[%add3A_532, %dma_start3A_533, %dma_start3A_537, %dma_start3A_538] : memref<16384x6x5x128xf32, #tpu.memory_space<hbm>> -> memref<1x1x5x128xf32, #tpu.memory_space<hbm>>
      %dma_start3A_540 = tpu.memref_squeeze %dma_start3A_539 : memref<1x1x5x128xf32, #tpu.memory_space<hbm>> -> memref<5x128xf32, #tpu.memory_space<hbm>>
      %dma_start3A_541 = arith.constant 0 : i32
      %dma_start3A_542 = arith.constant 0 : i32
      %dma_start3A_543 = tpu.memref_slice %arg4[%add3A_532, %dma_start3A_533, %dma_start3A_541, %dma_start3A_542] : memref<16384x6x5x128xf32, #tpu.memory_space<hbm>> -> memref<1x1x5x128xf32, #tpu.memory_space<hbm>>
      %dma_start3A_544 = tpu.memref_squeeze %dma_start3A_543 : memref<1x1x5x128xf32, #tpu.memory_space<hbm>> -> memref<5x128xf32, #tpu.memory_space<hbm>>
      %dma_start3A_545 = arith.constant 115 : i32
      %dma_start3A_546 = arith.constant 0 : i32
      %dma_start3A_547 = tpu.memref_slice %arg7[%dma_start3A_545, %dma_start3A_546] : memref<240x128xf32, #tpu.memory_space<vmem>> -> memref<5x128xf32, #tpu.memory_space<vmem>>
      tpu.enqueue_dma source(%dma_start3A_547 : memref<5x128xf32, #tpu.memory_space<vmem>>) target(%dma_start3A_544 : memref<5x128xf32, #tpu.memory_space<hbm>>) target_semaphore(%arg13 : memref<!tpu.dma_semaphore, #tpu.memory_space<semaphore_mem>>)
      %mul3A_548 = arith.constant 8 : i32
      %mul3A_549 = arith.muli %add3A_34, %mul3A_548 : i32
      %add3A_550 = arith.addi %mul3A_4, %mul3A_549 : i32
      %add3A_551 = arith.constant 4 : i32
      %add3A_552 = arith.addi %add3A_550, %add3A_551 : i32
      %dma_start3A_553 = arith.constant 0 : i32
      %dma_start3A_554 = arith.constant 120 : i32
      %dma_start3A_555 = arith.constant 0 : i32
      %dma_start3A_556 = tpu.memref_slice %arg7[%dma_start3A_554, %dma_start3A_555] : memref<240x128xf32, #tpu.memory_space<vmem>> -> memref<5x128xf32, #tpu.memory_space<vmem>>
      %dma_start3A_557 = arith.constant 0 : i32
      %dma_start3A_558 = arith.constant 0 : i32
      %dma_start3A_559 = tpu.memref_slice %arg4[%add3A_552, %dma_start3A_553, %dma_start3A_557, %dma_start3A_558] : memref<16384x6x5x128xf32, #tpu.memory_space<hbm>> -> memref<1x1x5x128xf32, #tpu.memory_space<hbm>>
      %dma_start3A_560 = tpu.memref_squeeze %dma_start3A_559 : memref<1x1x5x128xf32, #tpu.memory_space<hbm>> -> memref<5x128xf32, #tpu.memory_space<hbm>>
      %dma_start3A_561 = arith.constant 0 : i32
      %dma_start3A_562 = arith.constant 0 : i32
      %dma_start3A_563 = tpu.memref_slice %arg4[%add3A_552, %dma_start3A_553, %dma_start3A_561, %dma_start3A_562] : memref<16384x6x5x128xf32, #tpu.memory_space<hbm>> -> memref<1x1x5x128xf32, #tpu.memory_space<hbm>>
      %dma_start3A_564 = tpu.memref_squeeze %dma_start3A_563 : memref<1x1x5x128xf32, #tpu.memory_space<hbm>> -> memref<5x128xf32, #tpu.memory_space<hbm>>
      %dma_start3A_565 = arith.constant 120 : i32
      %dma_start3A_566 = arith.constant 0 : i32
      %dma_start3A_567 = tpu.memref_slice %arg7[%dma_start3A_565, %dma_start3A_566] : memref<240x128xf32, #tpu.memory_space<vmem>> -> memref<5x128xf32, #tpu.memory_space<vmem>>
      tpu.enqueue_dma source(%dma_start3A_567 : memref<5x128xf32, #tpu.memory_space<vmem>>) target(%dma_start3A_564 : memref<5x128xf32, #tpu.memory_space<hbm>>) target_semaphore(%arg13 : memref<!tpu.dma_semaphore, #tpu.memory_space<semaphore_mem>>)
      %mul3A_568 = arith.constant 8 : i32
      %mul3A_569 = arith.muli %add3A_34, %mul3A_568 : i32
      %add3A_570 = arith.addi %mul3A_4, %mul3A_569 : i32
      %add3A_571 = arith.constant 4 : i32
      %add3A_572 = arith.addi %add3A_570, %add3A_571 : i32
      %dma_start3A_573 = arith.constant 1 : i32
      %dma_start3A_574 = arith.constant 125 : i32
      %dma_start3A_575 = arith.constant 0 : i32
      %dma_start3A_576 = tpu.memref_slice %arg7[%dma_start3A_574, %dma_start3A_575] : memref<240x128xf32, #tpu.memory_space<vmem>> -> memref<5x128xf32, #tpu.memory_space<vmem>>
      %dma_start3A_577 = arith.constant 0 : i32
      %dma_start3A_578 = arith.constant 0 : i32
      %dma_start3A_579 = tpu.memref_slice %arg4[%add3A_572, %dma_start3A_573, %dma_start3A_577, %dma_start3A_578] : memref<16384x6x5x128xf32, #tpu.memory_space<hbm>> -> memref<1x1x5x128xf32, #tpu.memory_space<hbm>>
      %dma_start3A_580 = tpu.memref_squeeze %dma_start3A_579 : memref<1x1x5x128xf32, #tpu.memory_space<hbm>> -> memref<5x128xf32, #tpu.memory_space<hbm>>
      %dma_start3A_581 = arith.constant 0 : i32
      %dma_start3A_582 = arith.constant 0 : i32
      %dma_start3A_583 = tpu.memref_slice %arg4[%add3A_572, %dma_start3A_573, %dma_start3A_581, %dma_start3A_582] : memref<16384x6x5x128xf32, #tpu.memory_space<hbm>> -> memref<1x1x5x128xf32, #tpu.memory_space<hbm>>
      %dma_start3A_584 = tpu.memref_squeeze %dma_start3A_583 : memref<1x1x5x128xf32, #tpu.memory_space<hbm>> -> memref<5x128xf32, #tpu.memory_space<hbm>>
      %dma_start3A_585 = arith.constant 125 : i32
      %dma_start3A_586 = arith.constant 0 : i32
      %dma_start3A_587 = tpu.memref_slice %arg7[%dma_start3A_585, %dma_start3A_586] : memref<240x128xf32, #tpu.memory_space<vmem>> -> memref<5x128xf32, #tpu.memory_space<vmem>>
      tpu.enqueue_dma source(%dma_start3A_587 : memref<5x128xf32, #tpu.memory_space<vmem>>) target(%dma_start3A_584 : memref<5x128xf32, #tpu.memory_space<hbm>>) target_semaphore(%arg13 : memref<!tpu.dma_semaphore, #tpu.memory_space<semaphore_mem>>)
      %mul3A_588 = arith.constant 8 : i32
      %mul3A_589 = arith.muli %add3A_34, %mul3A_588 : i32
      %add3A_590 = arith.addi %mul3A_4, %mul3A_589 : i32
      %add3A_591 = arith.constant 4 : i32
      %add3A_592 = arith.addi %add3A_590, %add3A_591 : i32
      %dma_start3A_593 = arith.constant 2 : i32
      %dma_start3A_594 = arith.constant 130 : i32
      %dma_start3A_595 = arith.constant 0 : i32
      %dma_start3A_596 = tpu.memref_slice %arg7[%dma_start3A_594, %dma_start3A_595] : memref<240x128xf32, #tpu.memory_space<vmem>> -> memref<5x128xf32, #tpu.memory_space<vmem>>
      %dma_start3A_597 = arith.constant 0 : i32
      %dma_start3A_598 = arith.constant 0 : i32
      %dma_start3A_599 = tpu.memref_slice %arg4[%add3A_592, %dma_start3A_593, %dma_start3A_597, %dma_start3A_598] : memref<16384x6x5x128xf32, #tpu.memory_space<hbm>> -> memref<1x1x5x128xf32, #tpu.memory_space<hbm>>
      %dma_start3A_600 = tpu.memref_squeeze %dma_start3A_599 : memref<1x1x5x128xf32, #tpu.memory_space<hbm>> -> memref<5x128xf32, #tpu.memory_space<hbm>>
      %dma_start3A_601 = arith.constant 0 : i32
      %dma_start3A_602 = arith.constant 0 : i32
      %dma_start3A_603 = tpu.memref_slice %arg4[%add3A_592, %dma_start3A_593, %dma_start3A_601, %dma_start3A_602] : memref<16384x6x5x128xf32, #tpu.memory_space<hbm>> -> memref<1x1x5x128xf32, #tpu.memory_space<hbm>>
      %dma_start3A_604 = tpu.memref_squeeze %dma_start3A_603 : memref<1x1x5x128xf32, #tpu.memory_space<hbm>> -> memref<5x128xf32, #tpu.memory_space<hbm>>
      %dma_start3A_605 = arith.constant 130 : i32
      %dma_start3A_606 = arith.constant 0 : i32
      %dma_start3A_607 = tpu.memref_slice %arg7[%dma_start3A_605, %dma_start3A_606] : memref<240x128xf32, #tpu.memory_space<vmem>> -> memref<5x128xf32, #tpu.memory_space<vmem>>
      tpu.enqueue_dma source(%dma_start3A_607 : memref<5x128xf32, #tpu.memory_space<vmem>>) target(%dma_start3A_604 : memref<5x128xf32, #tpu.memory_space<hbm>>) target_semaphore(%arg13 : memref<!tpu.dma_semaphore, #tpu.memory_space<semaphore_mem>>)
      %mul3A_608 = arith.constant 8 : i32
      %mul3A_609 = arith.muli %add3A_34, %mul3A_608 : i32
      %add3A_610 = arith.addi %mul3A_4, %mul3A_609 : i32
      %add3A_611 = arith.constant 4 : i32
      %add3A_612 = arith.addi %add3A_610, %add3A_611 : i32
      %dma_start3A_613 = arith.constant 3 : i32
      %dma_start3A_614 = arith.constant 135 : i32
      %dma_start3A_615 = arith.constant 0 : i32
      %dma_start3A_616 = tpu.memref_slice %arg7[%dma_start3A_614, %dma_start3A_615] : memref<240x128xf32, #tpu.memory_space<vmem>> -> memref<5x128xf32, #tpu.memory_space<vmem>>
      %dma_start3A_617 = arith.constant 0 : i32
      %dma_start3A_618 = arith.constant 0 : i32
      %dma_start3A_619 = tpu.memref_slice %arg4[%add3A_612, %dma_start3A_613, %dma_start3A_617, %dma_start3A_618] : memref<16384x6x5x128xf32, #tpu.memory_space<hbm>> -> memref<1x1x5x128xf32, #tpu.memory_space<hbm>>
      %dma_start3A_620 = tpu.memref_squeeze %dma_start3A_619 : memref<1x1x5x128xf32, #tpu.memory_space<hbm>> -> memref<5x128xf32, #tpu.memory_space<hbm>>
      %dma_start3A_621 = arith.constant 0 : i32
      %dma_start3A_622 = arith.constant 0 : i32
      %dma_start3A_623 = tpu.memref_slice %arg4[%add3A_612, %dma_start3A_613, %dma_start3A_621, %dma_start3A_622] : memref<16384x6x5x128xf32, #tpu.memory_space<hbm>> -> memref<1x1x5x128xf32, #tpu.memory_space<hbm>>
      %dma_start3A_624 = tpu.memref_squeeze %dma_start3A_623 : memref<1x1x5x128xf32, #tpu.memory_space<hbm>> -> memref<5x128xf32, #tpu.memory_space<hbm>>
      %dma_start3A_625 = arith.constant 135 : i32
      %dma_start3A_626 = arith.constant 0 : i32
      %dma_start3A_627 = tpu.memref_slice %arg7[%dma_start3A_625, %dma_start3A_626] : memref<240x128xf32, #tpu.memory_space<vmem>> -> memref<5x128xf32, #tpu.memory_space<vmem>>
      tpu.enqueue_dma source(%dma_start3A_627 : memref<5x128xf32, #tpu.memory_space<vmem>>) target(%dma_start3A_624 : memref<5x128xf32, #tpu.memory_space<hbm>>) target_semaphore(%arg13 : memref<!tpu.dma_semaphore, #tpu.memory_space<semaphore_mem>>)
      %mul3A_628 = arith.constant 8 : i32
      %mul3A_629 = arith.muli %add3A_34, %mul3A_628 : i32
      %add3A_630 = arith.addi %mul3A_4, %mul3A_629 : i32
      %add3A_631 = arith.constant 4 : i32
      %add3A_632 = arith.addi %add3A_630, %add3A_631 : i32
      %dma_start3A_633 = arith.constant 4 : i32
      %dma_start3A_634 = arith.constant 140 : i32
      %dma_start3A_635 = arith.constant 0 : i32
      %dma_start3A_636 = tpu.memref_slice %arg7[%dma_start3A_634, %dma_start3A_635] : memref<240x128xf32, #tpu.memory_space<vmem>> -> memref<5x128xf32, #tpu.memory_space<vmem>>
      %dma_start3A_637 = arith.constant 0 : i32
      %dma_start3A_638 = arith.constant 0 : i32
      %dma_start3A_639 = tpu.memref_slice %arg4[%add3A_632, %dma_start3A_633, %dma_start3A_637, %dma_start3A_638] : memref<16384x6x5x128xf32, #tpu.memory_space<hbm>> -> memref<1x1x5x128xf32, #tpu.memory_space<hbm>>
      %dma_start3A_640 = tpu.memref_squeeze %dma_start3A_639 : memref<1x1x5x128xf32, #tpu.memory_space<hbm>> -> memref<5x128xf32, #tpu.memory_space<hbm>>
      %dma_start3A_641 = arith.constant 0 : i32
      %dma_start3A_642 = arith.constant 0 : i32
      %dma_start3A_643 = tpu.memref_slice %arg4[%add3A_632, %dma_start3A_633, %dma_start3A_641, %dma_start3A_642] : memref<16384x6x5x128xf32, #tpu.memory_space<hbm>> -> memref<1x1x5x128xf32, #tpu.memory_space<hbm>>
      %dma_start3A_644 = tpu.memref_squeeze %dma_start3A_643 : memref<1x1x5x128xf32, #tpu.memory_space<hbm>> -> memref<5x128xf32, #tpu.memory_space<hbm>>
      %dma_start3A_645 = arith.constant 140 : i32
      %dma_start3A_646 = arith.constant 0 : i32
      %dma_start3A_647 = tpu.memref_slice %arg7[%dma_start3A_645, %dma_start3A_646] : memref<240x128xf32, #tpu.memory_space<vmem>> -> memref<5x128xf32, #tpu.memory_space<vmem>>
      tpu.enqueue_dma source(%dma_start3A_647 : memref<5x128xf32, #tpu.memory_space<vmem>>) target(%dma_start3A_644 : memref<5x128xf32, #tpu.memory_space<hbm>>) target_semaphore(%arg13 : memref<!tpu.dma_semaphore, #tpu.memory_space<semaphore_mem>>)
      %mul3A_648 = arith.constant 8 : i32
      %mul3A_649 = arith.muli %add3A_34, %mul3A_648 : i32
      %add3A_650 = arith.addi %mul3A_4, %mul3A_649 : i32
      %add3A_651 = arith.constant 4 : i32
      %add3A_652 = arith.addi %add3A_650, %add3A_651 : i32
      %dma_start3A_653 = arith.constant 5 : i32
      %dma_start3A_654 = arith.constant 145 : i32
      %dma_start3A_655 = arith.constant 0 : i32
      %dma_start3A_656 = tpu.memref_slice %arg7[%dma_start3A_654, %dma_start3A_655] : memref<240x128xf32, #tpu.memory_space<vmem>> -> memref<5x128xf32, #tpu.memory_space<vmem>>
      %dma_start3A_657 = arith.constant 0 : i32
      %dma_start3A_658 = arith.constant 0 : i32
      %dma_start3A_659 = tpu.memref_slice %arg4[%add3A_652, %dma_start3A_653, %dma_start3A_657, %dma_start3A_658] : memref<16384x6x5x128xf32, #tpu.memory_space<hbm>> -> memref<1x1x5x128xf32, #tpu.memory_space<hbm>>
      %dma_start3A_660 = tpu.memref_squeeze %dma_start3A_659 : memref<1x1x5x128xf32, #tpu.memory_space<hbm>> -> memref<5x128xf32, #tpu.memory_space<hbm>>
      %dma_start3A_661 = arith.constant 0 : i32
      %dma_start3A_662 = arith.constant 0 : i32
      %dma_start3A_663 = tpu.memref_slice %arg4[%add3A_652, %dma_start3A_653, %dma_start3A_661, %dma_start3A_662] : memref<16384x6x5x128xf32, #tpu.memory_space<hbm>> -> memref<1x1x5x128xf32, #tpu.memory_space<hbm>>
      %dma_start3A_664 = tpu.memref_squeeze %dma_start3A_663 : memref<1x1x5x128xf32, #tpu.memory_space<hbm>> -> memref<5x128xf32, #tpu.memory_space<hbm>>
      %dma_start3A_665 = arith.constant 145 : i32
      %dma_start3A_666 = arith.constant 0 : i32
      %dma_start3A_667 = tpu.memref_slice %arg7[%dma_start3A_665, %dma_start3A_666] : memref<240x128xf32, #tpu.memory_space<vmem>> -> memref<5x128xf32, #tpu.memory_space<vmem>>
      tpu.enqueue_dma source(%dma_start3A_667 : memref<5x128xf32, #tpu.memory_space<vmem>>) target(%dma_start3A_664 : memref<5x128xf32, #tpu.memory_space<hbm>>) target_semaphore(%arg13 : memref<!tpu.dma_semaphore, #tpu.memory_space<semaphore_mem>>)
      %mul3A_668 = arith.constant 8 : i32
      %mul3A_669 = arith.muli %add3A_34, %mul3A_668 : i32
      %add3A_670 = arith.addi %mul3A_4, %mul3A_669 : i32
      %add3A_671 = arith.constant 5 : i32
      %add3A_672 = arith.addi %add3A_670, %add3A_671 : i32
      %dma_start3A_673 = arith.constant 0 : i32
      %dma_start3A_674 = arith.constant 150 : i32
      %dma_start3A_675 = arith.constant 0 : i32
      %dma_start3A_676 = tpu.memref_slice %arg7[%dma_start3A_674, %dma_start3A_675] : memref<240x128xf32, #tpu.memory_space<vmem>> -> memref<5x128xf32, #tpu.memory_space<vmem>>
      %dma_start3A_677 = arith.constant 0 : i32
      %dma_start3A_678 = arith.constant 0 : i32
      %dma_start3A_679 = tpu.memref_slice %arg4[%add3A_672, %dma_start3A_673, %dma_start3A_677, %dma_start3A_678] : memref<16384x6x5x128xf32, #tpu.memory_space<hbm>> -> memref<1x1x5x128xf32, #tpu.memory_space<hbm>>
      %dma_start3A_680 = tpu.memref_squeeze %dma_start3A_679 : memref<1x1x5x128xf32, #tpu.memory_space<hbm>> -> memref<5x128xf32, #tpu.memory_space<hbm>>
      %dma_start3A_681 = arith.constant 0 : i32
      %dma_start3A_682 = arith.constant 0 : i32
      %dma_start3A_683 = tpu.memref_slice %arg4[%add3A_672, %dma_start3A_673, %dma_start3A_681, %dma_start3A_682] : memref<16384x6x5x128xf32, #tpu.memory_space<hbm>> -> memref<1x1x5x128xf32, #tpu.memory_space<hbm>>
      %dma_start3A_684 = tpu.memref_squeeze %dma_start3A_683 : memref<1x1x5x128xf32, #tpu.memory_space<hbm>> -> memref<5x128xf32, #tpu.memory_space<hbm>>
      %dma_start3A_685 = arith.constant 150 : i32
      %dma_start3A_686 = arith.constant 0 : i32
      %dma_start3A_687 = tpu.memref_slice %arg7[%dma_start3A_685, %dma_start3A_686] : memref<240x128xf32, #tpu.memory_space<vmem>> -> memref<5x128xf32, #tpu.memory_space<vmem>>
      tpu.enqueue_dma source(%dma_start3A_687 : memref<5x128xf32, #tpu.memory_space<vmem>>) target(%dma_start3A_684 : memref<5x128xf32, #tpu.memory_space<hbm>>) target_semaphore(%arg13 : memref<!tpu.dma_semaphore, #tpu.memory_space<semaphore_mem>>)
      %mul3A_688 = arith.constant 8 : i32
      %mul3A_689 = arith.muli %add3A_34, %mul3A_688 : i32
      %add3A_690 = arith.addi %mul3A_4, %mul3A_689 : i32
      %add3A_691 = arith.constant 5 : i32
      %add3A_692 = arith.addi %add3A_690, %add3A_691 : i32
      %dma_start3A_693 = arith.constant 1 : i32
      %dma_start3A_694 = arith.constant 155 : i32
      %dma_start3A_695 = arith.constant 0 : i32
      %dma_start3A_696 = tpu.memref_slice %arg7[%dma_start3A_694, %dma_start3A_695] : memref<240x128xf32, #tpu.memory_space<vmem>> -> memref<5x128xf32, #tpu.memory_space<vmem>>
      %dma_start3A_697 = arith.constant 0 : i32
      %dma_start3A_698 = arith.constant 0 : i32
      %dma_start3A_699 = tpu.memref_slice %arg4[%add3A_692, %dma_start3A_693, %dma_start3A_697, %dma_start3A_698] : memref<16384x6x5x128xf32, #tpu.memory_space<hbm>> -> memref<1x1x5x128xf32, #tpu.memory_space<hbm>>
      %dma_start3A_700 = tpu.memref_squeeze %dma_start3A_699 : memref<1x1x5x128xf32, #tpu.memory_space<hbm>> -> memref<5x128xf32, #tpu.memory_space<hbm>>
      %dma_start3A_701 = arith.constant 0 : i32
      %dma_start3A_702 = arith.constant 0 : i32
      %dma_start3A_703 = tpu.memref_slice %arg4[%add3A_692, %dma_start3A_693, %dma_start3A_701, %dma_start3A_702] : memref<16384x6x5x128xf32, #tpu.memory_space<hbm>> -> memref<1x1x5x128xf32, #tpu.memory_space<hbm>>
      %dma_start3A_704 = tpu.memref_squeeze %dma_start3A_703 : memref<1x1x5x128xf32, #tpu.memory_space<hbm>> -> memref<5x128xf32, #tpu.memory_space<hbm>>
      %dma_start3A_705 = arith.constant 155 : i32
      %dma_start3A_706 = arith.constant 0 : i32
      %dma_start3A_707 = tpu.memref_slice %arg7[%dma_start3A_705, %dma_start3A_706] : memref<240x128xf32, #tpu.memory_space<vmem>> -> memref<5x128xf32, #tpu.memory_space<vmem>>
      tpu.enqueue_dma source(%dma_start3A_707 : memref<5x128xf32, #tpu.memory_space<vmem>>) target(%dma_start3A_704 : memref<5x128xf32, #tpu.memory_space<hbm>>) target_semaphore(%arg13 : memref<!tpu.dma_semaphore, #tpu.memory_space<semaphore_mem>>)
      %mul3A_708 = arith.constant 8 : i32
      %mul3A_709 = arith.muli %add3A_34, %mul3A_708 : i32
      %add3A_710 = arith.addi %mul3A_4, %mul3A_709 : i32
      %add3A_711 = arith.constant 5 : i32
      %add3A_712 = arith.addi %add3A_710, %add3A_711 : i32
      %dma_start3A_713 = arith.constant 2 : i32
      %dma_start3A_714 = arith.constant 160 : i32
      %dma_start3A_715 = arith.constant 0 : i32
      %dma_start3A_716 = tpu.memref_slice %arg7[%dma_start3A_714, %dma_start3A_715] : memref<240x128xf32, #tpu.memory_space<vmem>> -> memref<5x128xf32, #tpu.memory_space<vmem>>
      %dma_start3A_717 = arith.constant 0 : i32
      %dma_start3A_718 = arith.constant 0 : i32
      %dma_start3A_719 = tpu.memref_slice %arg4[%add3A_712, %dma_start3A_713, %dma_start3A_717, %dma_start3A_718] : memref<16384x6x5x128xf32, #tpu.memory_space<hbm>> -> memref<1x1x5x128xf32, #tpu.memory_space<hbm>>
      %dma_start3A_720 = tpu.memref_squeeze %dma_start3A_719 : memref<1x1x5x128xf32, #tpu.memory_space<hbm>> -> memref<5x128xf32, #tpu.memory_space<hbm>>
      %dma_start3A_721 = arith.constant 0 : i32
      %dma_start3A_722 = arith.constant 0 : i32
      %dma_start3A_723 = tpu.memref_slice %arg4[%add3A_712, %dma_start3A_713, %dma_start3A_721, %dma_start3A_722] : memref<16384x6x5x128xf32, #tpu.memory_space<hbm>> -> memref<1x1x5x128xf32, #tpu.memory_space<hbm>>
      %dma_start3A_724 = tpu.memref_squeeze %dma_start3A_723 : memref<1x1x5x128xf32, #tpu.memory_space<hbm>> -> memref<5x128xf32, #tpu.memory_space<hbm>>
      %dma_start3A_725 = arith.constant 160 : i32
      %dma_start3A_726 = arith.constant 0 : i32
      %dma_start3A_727 = tpu.memref_slice %arg7[%dma_start3A_725, %dma_start3A_726] : memref<240x128xf32, #tpu.memory_space<vmem>> -> memref<5x128xf32, #tpu.memory_space<vmem>>
      tpu.enqueue_dma source(%dma_start3A_727 : memref<5x128xf32, #tpu.memory_space<vmem>>) target(%dma_start3A_724 : memref<5x128xf32, #tpu.memory_space<hbm>>) target_semaphore(%arg13 : memref<!tpu.dma_semaphore, #tpu.memory_space<semaphore_mem>>)
      %mul3A_728 = arith.constant 8 : i32
      %mul3A_729 = arith.muli %add3A_34, %mul3A_728 : i32
      %add3A_730 = arith.addi %mul3A_4, %mul3A_729 : i32
      %add3A_731 = arith.constant 5 : i32
      %add3A_732 = arith.addi %add3A_730, %add3A_731 : i32
      %dma_start3A_733 = arith.constant 3 : i32
      %dma_start3A_734 = arith.constant 165 : i32
      %dma_start3A_735 = arith.constant 0 : i32
      %dma_start3A_736 = tpu.memref_slice %arg7[%dma_start3A_734, %dma_start3A_735] : memref<240x128xf32, #tpu.memory_space<vmem>> -> memref<5x128xf32, #tpu.memory_space<vmem>>
      %dma_start3A_737 = arith.constant 0 : i32
      %dma_start3A_738 = arith.constant 0 : i32
      %dma_start3A_739 = tpu.memref_slice %arg4[%add3A_732, %dma_start3A_733, %dma_start3A_737, %dma_start3A_738] : memref<16384x6x5x128xf32, #tpu.memory_space<hbm>> -> memref<1x1x5x128xf32, #tpu.memory_space<hbm>>
      %dma_start3A_740 = tpu.memref_squeeze %dma_start3A_739 : memref<1x1x5x128xf32, #tpu.memory_space<hbm>> -> memref<5x128xf32, #tpu.memory_space<hbm>>
      %dma_start3A_741 = arith.constant 0 : i32
      %dma_start3A_742 = arith.constant 0 : i32
      %dma_start3A_743 = tpu.memref_slice %arg4[%add3A_732, %dma_start3A_733, %dma_start3A_741, %dma_start3A_742] : memref<16384x6x5x128xf32, #tpu.memory_space<hbm>> -> memref<1x1x5x128xf32, #tpu.memory_space<hbm>>
      %dma_start3A_744 = tpu.memref_squeeze %dma_start3A_743 : memref<1x1x5x128xf32, #tpu.memory_space<hbm>> -> memref<5x128xf32, #tpu.memory_space<hbm>>
      %dma_start3A_745 = arith.constant 165 : i32
      %dma_start3A_746 = arith.constant 0 : i32
      %dma_start3A_747 = tpu.memref_slice %arg7[%dma_start3A_745, %dma_start3A_746] : memref<240x128xf32, #tpu.memory_space<vmem>> -> memref<5x128xf32, #tpu.memory_space<vmem>>
      tpu.enqueue_dma source(%dma_start3A_747 : memref<5x128xf32, #tpu.memory_space<vmem>>) target(%dma_start3A_744 : memref<5x128xf32, #tpu.memory_space<hbm>>) target_semaphore(%arg13 : memref<!tpu.dma_semaphore, #tpu.memory_space<semaphore_mem>>)
      %mul3A_748 = arith.constant 8 : i32
      %mul3A_749 = arith.muli %add3A_34, %mul3A_748 : i32
      %add3A_750 = arith.addi %mul3A_4, %mul3A_749 : i32
      %add3A_751 = arith.constant 5 : i32
      %add3A_752 = arith.addi %add3A_750, %add3A_751 : i32
      %dma_start3A_753 = arith.constant 4 : i32
      %dma_start3A_754 = arith.constant 170 : i32
      %dma_start3A_755 = arith.constant 0 : i32
      %dma_start3A_756 = tpu.memref_slice %arg7[%dma_start3A_754, %dma_start3A_755] : memref<240x128xf32, #tpu.memory_space<vmem>> -> memref<5x128xf32, #tpu.memory_space<vmem>>
      %dma_start3A_757 = arith.constant 0 : i32
      %dma_start3A_758 = arith.constant 0 : i32
      %dma_start3A_759 = tpu.memref_slice %arg4[%add3A_752, %dma_start3A_753, %dma_start3A_757, %dma_start3A_758] : memref<16384x6x5x128xf32, #tpu.memory_space<hbm>> -> memref<1x1x5x128xf32, #tpu.memory_space<hbm>>
      %dma_start3A_760 = tpu.memref_squeeze %dma_start3A_759 : memref<1x1x5x128xf32, #tpu.memory_space<hbm>> -> memref<5x128xf32, #tpu.memory_space<hbm>>
      %dma_start3A_761 = arith.constant 0 : i32
      %dma_start3A_762 = arith.constant 0 : i32
      %dma_start3A_763 = tpu.memref_slice %arg4[%add3A_752, %dma_start3A_753, %dma_start3A_761, %dma_start3A_762] : memref<16384x6x5x128xf32, #tpu.memory_space<hbm>> -> memref<1x1x5x128xf32, #tpu.memory_space<hbm>>
      %dma_start3A_764 = tpu.memref_squeeze %dma_start3A_763 : memref<1x1x5x128xf32, #tpu.memory_space<hbm>> -> memref<5x128xf32, #tpu.memory_space<hbm>>
      %dma_start3A_765 = arith.constant 170 : i32
      %dma_start3A_766 = arith.constant 0 : i32
      %dma_start3A_767 = tpu.memref_slice %arg7[%dma_start3A_765, %dma_start3A_766] : memref<240x128xf32, #tpu.memory_space<vmem>> -> memref<5x128xf32, #tpu.memory_space<vmem>>
      tpu.enqueue_dma source(%dma_start3A_767 : memref<5x128xf32, #tpu.memory_space<vmem>>) target(%dma_start3A_764 : memref<5x128xf32, #tpu.memory_space<hbm>>) target_semaphore(%arg13 : memref<!tpu.dma_semaphore, #tpu.memory_space<semaphore_mem>>)
      %mul3A_768 = arith.constant 8 : i32
      %mul3A_769 = arith.muli %add3A_34, %mul3A_768 : i32
      %add3A_770 = arith.addi %mul3A_4, %mul3A_769 : i32
      %add3A_771 = arith.constant 5 : i32
      %add3A_772 = arith.addi %add3A_770, %add3A_771 : i32
      %dma_start3A_773 = arith.constant 5 : i32
      %dma_start3A_774 = arith.constant 175 : i32
      %dma_start3A_775 = arith.constant 0 : i32
      %dma_start3A_776 = tpu.memref_slice %arg7[%dma_start3A_774, %dma_start3A_775] : memref<240x128xf32, #tpu.memory_space<vmem>> -> memref<5x128xf32, #tpu.memory_space<vmem>>
      %dma_start3A_777 = arith.constant 0 : i32
      %dma_start3A_778 = arith.constant 0 : i32
      %dma_start3A_779 = tpu.memref_slice %arg4[%add3A_772, %dma_start3A_773, %dma_start3A_777, %dma_start3A_778] : memref<16384x6x5x128xf32, #tpu.memory_space<hbm>> -> memref<1x1x5x128xf32, #tpu.memory_space<hbm>>
      %dma_start3A_780 = tpu.memref_squeeze %dma_start3A_779 : memref<1x1x5x128xf32, #tpu.memory_space<hbm>> -> memref<5x128xf32, #tpu.memory_space<hbm>>
      %dma_start3A_781 = arith.constant 0 : i32
      %dma_start3A_782 = arith.constant 0 : i32
      %dma_start3A_783 = tpu.memref_slice %arg4[%add3A_772, %dma_start3A_773, %dma_start3A_781, %dma_start3A_782] : memref<16384x6x5x128xf32, #tpu.memory_space<hbm>> -> memref<1x1x5x128xf32, #tpu.memory_space<hbm>>
      %dma_start3A_784 = tpu.memref_squeeze %dma_start3A_783 : memref<1x1x5x128xf32, #tpu.memory_space<hbm>> -> memref<5x128xf32, #tpu.memory_space<hbm>>
      %dma_start3A_785 = arith.constant 175 : i32
      %dma_start3A_786 = arith.constant 0 : i32
      %dma_start3A_787 = tpu.memref_slice %arg7[%dma_start3A_785, %dma_start3A_786] : memref<240x128xf32, #tpu.memory_space<vmem>> -> memref<5x128xf32, #tpu.memory_space<vmem>>
      tpu.enqueue_dma source(%dma_start3A_787 : memref<5x128xf32, #tpu.memory_space<vmem>>) target(%dma_start3A_784 : memref<5x128xf32, #tpu.memory_space<hbm>>) target_semaphore(%arg13 : memref<!tpu.dma_semaphore, #tpu.memory_space<semaphore_mem>>)
      %mul3A_788 = arith.constant 8 : i32
      %mul3A_789 = arith.muli %add3A_34, %mul3A_788 : i32
      %add3A_790 = arith.addi %mul3A_4, %mul3A_789 : i32
      %add3A_791 = arith.constant 6 : i32
      %add3A_792 = arith.addi %add3A_790, %add3A_791 : i32
      %dma_start3A_793 = arith.constant 0 : i32
      %dma_start3A_794 = arith.constant 180 : i32
      %dma_start3A_795 = arith.constant 0 : i32
      %dma_start3A_796 = tpu.memref_slice %arg7[%dma_start3A_794, %dma_start3A_795] : memref<240x128xf32, #tpu.memory_space<vmem>> -> memref<5x128xf32, #tpu.memory_space<vmem>>
      %dma_start3A_797 = arith.constant 0 : i32
      %dma_start3A_798 = arith.constant 0 : i32
      %dma_start3A_799 = tpu.memref_slice %arg4[%add3A_792, %dma_start3A_793, %dma_start3A_797, %dma_start3A_798] : memref<16384x6x5x128xf32, #tpu.memory_space<hbm>> -> memref<1x1x5x128xf32, #tpu.memory_space<hbm>>
      %dma_start3A_800 = tpu.memref_squeeze %dma_start3A_799 : memref<1x1x5x128xf32, #tpu.memory_space<hbm>> -> memref<5x128xf32, #tpu.memory_space<hbm>>
      %dma_start3A_801 = arith.constant 0 : i32
      %dma_start3A_802 = arith.constant 0 : i32
      %dma_start3A_803 = tpu.memref_slice %arg4[%add3A_792, %dma_start3A_793, %dma_start3A_801, %dma_start3A_802] : memref<16384x6x5x128xf32, #tpu.memory_space<hbm>> -> memref<1x1x5x128xf32, #tpu.memory_space<hbm>>
      %dma_start3A_804 = tpu.memref_squeeze %dma_start3A_803 : memref<1x1x5x128xf32, #tpu.memory_space<hbm>> -> memref<5x128xf32, #tpu.memory_space<hbm>>
      %dma_start3A_805 = arith.constant 180 : i32
      %dma_start3A_806 = arith.constant 0 : i32
      %dma_start3A_807 = tpu.memref_slice %arg7[%dma_start3A_805, %dma_start3A_806] : memref<240x128xf32, #tpu.memory_space<vmem>> -> memref<5x128xf32, #tpu.memory_space<vmem>>
      tpu.enqueue_dma source(%dma_start3A_807 : memref<5x128xf32, #tpu.memory_space<vmem>>) target(%dma_start3A_804 : memref<5x128xf32, #tpu.memory_space<hbm>>) target_semaphore(%arg13 : memref<!tpu.dma_semaphore, #tpu.memory_space<semaphore_mem>>)
      %mul3A_808 = arith.constant 8 : i32
      %mul3A_809 = arith.muli %add3A_34, %mul3A_808 : i32
      %add3A_810 = arith.addi %mul3A_4, %mul3A_809 : i32
      %add3A_811 = arith.constant 6 : i32
      %add3A_812 = arith.addi %add3A_810, %add3A_811 : i32
      %dma_start3A_813 = arith.constant 1 : i32
      %dma_start3A_814 = arith.constant 185 : i32
      %dma_start3A_815 = arith.constant 0 : i32
      %dma_start3A_816 = tpu.memref_slice %arg7[%dma_start3A_814, %dma_start3A_815] : memref<240x128xf32, #tpu.memory_space<vmem>> -> memref<5x128xf32, #tpu.memory_space<vmem>>
      %dma_start3A_817 = arith.constant 0 : i32
      %dma_start3A_818 = arith.constant 0 : i32
      %dma_start3A_819 = tpu.memref_slice %arg4[%add3A_812, %dma_start3A_813, %dma_start3A_817, %dma_start3A_818] : memref<16384x6x5x128xf32, #tpu.memory_space<hbm>> -> memref<1x1x5x128xf32, #tpu.memory_space<hbm>>
      %dma_start3A_820 = tpu.memref_squeeze %dma_start3A_819 : memref<1x1x5x128xf32, #tpu.memory_space<hbm>> -> memref<5x128xf32, #tpu.memory_space<hbm>>
      %dma_start3A_821 = arith.constant 0 : i32
      %dma_start3A_822 = arith.constant 0 : i32
      %dma_start3A_823 = tpu.memref_slice %arg4[%add3A_812, %dma_start3A_813, %dma_start3A_821, %dma_start3A_822] : memref<16384x6x5x128xf32, #tpu.memory_space<hbm>> -> memref<1x1x5x128xf32, #tpu.memory_space<hbm>>
      %dma_start3A_824 = tpu.memref_squeeze %dma_start3A_823 : memref<1x1x5x128xf32, #tpu.memory_space<hbm>> -> memref<5x128xf32, #tpu.memory_space<hbm>>
      %dma_start3A_825 = arith.constant 185 : i32
      %dma_start3A_826 = arith.constant 0 : i32
      %dma_start3A_827 = tpu.memref_slice %arg7[%dma_start3A_825, %dma_start3A_826] : memref<240x128xf32, #tpu.memory_space<vmem>> -> memref<5x128xf32, #tpu.memory_space<vmem>>
      tpu.enqueue_dma source(%dma_start3A_827 : memref<5x128xf32, #tpu.memory_space<vmem>>) target(%dma_start3A_824 : memref<5x128xf32, #tpu.memory_space<hbm>>) target_semaphore(%arg13 : memref<!tpu.dma_semaphore, #tpu.memory_space<semaphore_mem>>)
      %mul3A_828 = arith.constant 8 : i32
      %mul3A_829 = arith.muli %add3A_34, %mul3A_828 : i32
      %add3A_830 = arith.addi %mul3A_4, %mul3A_829 : i32
      %add3A_831 = arith.constant 6 : i32
      %add3A_832 = arith.addi %add3A_830, %add3A_831 : i32
      %dma_start3A_833 = arith.constant 2 : i32
      %dma_start3A_834 = arith.constant 190 : i32
      %dma_start3A_835 = arith.constant 0 : i32
      %dma_start3A_836 = tpu.memref_slice %arg7[%dma_start3A_834, %dma_start3A_835] : memref<240x128xf32, #tpu.memory_space<vmem>> -> memref<5x128xf32, #tpu.memory_space<vmem>>
      %dma_start3A_837 = arith.constant 0 : i32
      %dma_start3A_838 = arith.constant 0 : i32
      %dma_start3A_839 = tpu.memref_slice %arg4[%add3A_832, %dma_start3A_833, %dma_start3A_837, %dma_start3A_838] : memref<16384x6x5x128xf32, #tpu.memory_space<hbm>> -> memref<1x1x5x128xf32, #tpu.memory_space<hbm>>
      %dma_start3A_840 = tpu.memref_squeeze %dma_start3A_839 : memref<1x1x5x128xf32, #tpu.memory_space<hbm>> -> memref<5x128xf32, #tpu.memory_space<hbm>>
      %dma_start3A_841 = arith.constant 0 : i32
      %dma_start3A_842 = arith.constant 0 : i32
      %dma_start3A_843 = tpu.memref_slice %arg4[%add3A_832, %dma_start3A_833, %dma_start3A_841, %dma_start3A_842] : memref<16384x6x5x128xf32, #tpu.memory_space<hbm>> -> memref<1x1x5x128xf32, #tpu.memory_space<hbm>>
      %dma_start3A_844 = tpu.memref_squeeze %dma_start3A_843 : memref<1x1x5x128xf32, #tpu.memory_space<hbm>> -> memref<5x128xf32, #tpu.memory_space<hbm>>
      %dma_start3A_845 = arith.constant 190 : i32
      %dma_start3A_846 = arith.constant 0 : i32
      %dma_start3A_847 = tpu.memref_slice %arg7[%dma_start3A_845, %dma_start3A_846] : memref<240x128xf32, #tpu.memory_space<vmem>> -> memref<5x128xf32, #tpu.memory_space<vmem>>
      tpu.enqueue_dma source(%dma_start3A_847 : memref<5x128xf32, #tpu.memory_space<vmem>>) target(%dma_start3A_844 : memref<5x128xf32, #tpu.memory_space<hbm>>) target_semaphore(%arg13 : memref<!tpu.dma_semaphore, #tpu.memory_space<semaphore_mem>>)
      %mul3A_848 = arith.constant 8 : i32
      %mul3A_849 = arith.muli %add3A_34, %mul3A_848 : i32
      %add3A_850 = arith.addi %mul3A_4, %mul3A_849 : i32
      %add3A_851 = arith.constant 6 : i32
      %add3A_852 = arith.addi %add3A_850, %add3A_851 : i32
      %dma_start3A_853 = arith.constant 3 : i32
      %dma_start3A_854 = arith.constant 195 : i32
      %dma_start3A_855 = arith.constant 0 : i32
      %dma_start3A_856 = tpu.memref_slice %arg7[%dma_start3A_854, %dma_start3A_855] : memref<240x128xf32, #tpu.memory_space<vmem>> -> memref<5x128xf32, #tpu.memory_space<vmem>>
      %dma_start3A_857 = arith.constant 0 : i32
      %dma_start3A_858 = arith.constant 0 : i32
      %dma_start3A_859 = tpu.memref_slice %arg4[%add3A_852, %dma_start3A_853, %dma_start3A_857, %dma_start3A_858] : memref<16384x6x5x128xf32, #tpu.memory_space<hbm>> -> memref<1x1x5x128xf32, #tpu.memory_space<hbm>>
      %dma_start3A_860 = tpu.memref_squeeze %dma_start3A_859 : memref<1x1x5x128xf32, #tpu.memory_space<hbm>> -> memref<5x128xf32, #tpu.memory_space<hbm>>
      %dma_start3A_861 = arith.constant 0 : i32
      %dma_start3A_862 = arith.constant 0 : i32
      %dma_start3A_863 = tpu.memref_slice %arg4[%add3A_852, %dma_start3A_853, %dma_start3A_861, %dma_start3A_862] : memref<16384x6x5x128xf32, #tpu.memory_space<hbm>> -> memref<1x1x5x128xf32, #tpu.memory_space<hbm>>
      %dma_start3A_864 = tpu.memref_squeeze %dma_start3A_863 : memref<1x1x5x128xf32, #tpu.memory_space<hbm>> -> memref<5x128xf32, #tpu.memory_space<hbm>>
      %dma_start3A_865 = arith.constant 195 : i32
      %dma_start3A_866 = arith.constant 0 : i32
      %dma_start3A_867 = tpu.memref_slice %arg7[%dma_start3A_865, %dma_start3A_866] : memref<240x128xf32, #tpu.memory_space<vmem>> -> memref<5x128xf32, #tpu.memory_space<vmem>>
      tpu.enqueue_dma source(%dma_start3A_867 : memref<5x128xf32, #tpu.memory_space<vmem>>) target(%dma_start3A_864 : memref<5x128xf32, #tpu.memory_space<hbm>>) target_semaphore(%arg13 : memref<!tpu.dma_semaphore, #tpu.memory_space<semaphore_mem>>)
      %mul3A_868 = arith.constant 8 : i32
      %mul3A_869 = arith.muli %add3A_34, %mul3A_868 : i32
      %add3A_870 = arith.addi %mul3A_4, %mul3A_869 : i32
      %add3A_871 = arith.constant 6 : i32
      %add3A_872 = arith.addi %add3A_870, %add3A_871 : i32
      %dma_start3A_873 = arith.constant 4 : i32
      %dma_start3A_874 = arith.constant 200 : i32
      %dma_start3A_875 = arith.constant 0 : i32
      %dma_start3A_876 = tpu.memref_slice %arg7[%dma_start3A_874, %dma_start3A_875] : memref<240x128xf32, #tpu.memory_space<vmem>> -> memref<5x128xf32, #tpu.memory_space<vmem>>
      %dma_start3A_877 = arith.constant 0 : i32
      %dma_start3A_878 = arith.constant 0 : i32
      %dma_start3A_879 = tpu.memref_slice %arg4[%add3A_872, %dma_start3A_873, %dma_start3A_877, %dma_start3A_878] : memref<16384x6x5x128xf32, #tpu.memory_space<hbm>> -> memref<1x1x5x128xf32, #tpu.memory_space<hbm>>
      %dma_start3A_880 = tpu.memref_squeeze %dma_start3A_879 : memref<1x1x5x128xf32, #tpu.memory_space<hbm>> -> memref<5x128xf32, #tpu.memory_space<hbm>>
      %dma_start3A_881 = arith.constant 0 : i32
      %dma_start3A_882 = arith.constant 0 : i32
      %dma_start3A_883 = tpu.memref_slice %arg4[%add3A_872, %dma_start3A_873, %dma_start3A_881, %dma_start3A_882] : memref<16384x6x5x128xf32, #tpu.memory_space<hbm>> -> memref<1x1x5x128xf32, #tpu.memory_space<hbm>>
      %dma_start3A_884 = tpu.memref_squeeze %dma_start3A_883 : memref<1x1x5x128xf32, #tpu.memory_space<hbm>> -> memref<5x128xf32, #tpu.memory_space<hbm>>
      %dma_start3A_885 = arith.constant 200 : i32
      %dma_start3A_886 = arith.constant 0 : i32
      %dma_start3A_887 = tpu.memref_slice %arg7[%dma_start3A_885, %dma_start3A_886] : memref<240x128xf32, #tpu.memory_space<vmem>> -> memref<5x128xf32, #tpu.memory_space<vmem>>
      tpu.enqueue_dma source(%dma_start3A_887 : memref<5x128xf32, #tpu.memory_space<vmem>>) target(%dma_start3A_884 : memref<5x128xf32, #tpu.memory_space<hbm>>) target_semaphore(%arg13 : memref<!tpu.dma_semaphore, #tpu.memory_space<semaphore_mem>>)
      %mul3A_888 = arith.constant 8 : i32
      %mul3A_889 = arith.muli %add3A_34, %mul3A_888 : i32
      %add3A_890 = arith.addi %mul3A_4, %mul3A_889 : i32
      %add3A_891 = arith.constant 6 : i32
      %add3A_892 = arith.addi %add3A_890, %add3A_891 : i32
      %dma_start3A_893 = arith.constant 5 : i32
      %dma_start3A_894 = arith.constant 205 : i32
      %dma_start3A_895 = arith.constant 0 : i32
      %dma_start3A_896 = tpu.memref_slice %arg7[%dma_start3A_894, %dma_start3A_895] : memref<240x128xf32, #tpu.memory_space<vmem>> -> memref<5x128xf32, #tpu.memory_space<vmem>>
      %dma_start3A_897 = arith.constant 0 : i32
      %dma_start3A_898 = arith.constant 0 : i32
      %dma_start3A_899 = tpu.memref_slice %arg4[%add3A_892, %dma_start3A_893, %dma_start3A_897, %dma_start3A_898] : memref<16384x6x5x128xf32, #tpu.memory_space<hbm>> -> memref<1x1x5x128xf32, #tpu.memory_space<hbm>>
      %dma_start3A_900 = tpu.memref_squeeze %dma_start3A_899 : memref<1x1x5x128xf32, #tpu.memory_space<hbm>> -> memref<5x128xf32, #tpu.memory_space<hbm>>
      %dma_start3A_901 = arith.constant 0 : i32
      %dma_start3A_902 = arith.constant 0 : i32
      %dma_start3A_903 = tpu.memref_slice %arg4[%add3A_892, %dma_start3A_893, %dma_start3A_901, %dma_start3A_902] : memref<16384x6x5x128xf32, #tpu.memory_space<hbm>> -> memref<1x1x5x128xf32, #tpu.memory_space<hbm>>
      %dma_start3A_904 = tpu.memref_squeeze %dma_start3A_903 : memref<1x1x5x128xf32, #tpu.memory_space<hbm>> -> memref<5x128xf32, #tpu.memory_space<hbm>>
      %dma_start3A_905 = arith.constant 205 : i32
      %dma_start3A_906 = arith.constant 0 : i32
      %dma_start3A_907 = tpu.memref_slice %arg7[%dma_start3A_905, %dma_start3A_906] : memref<240x128xf32, #tpu.memory_space<vmem>> -> memref<5x128xf32, #tpu.memory_space<vmem>>
      tpu.enqueue_dma source(%dma_start3A_907 : memref<5x128xf32, #tpu.memory_space<vmem>>) target(%dma_start3A_904 : memref<5x128xf32, #tpu.memory_space<hbm>>) target_semaphore(%arg13 : memref<!tpu.dma_semaphore, #tpu.memory_space<semaphore_mem>>)
      %mul3A_908 = arith.constant 8 : i32
      %mul3A_909 = arith.muli %add3A_34, %mul3A_908 : i32
      %add3A_910 = arith.addi %mul3A_4, %mul3A_909 : i32
      %add3A_911 = arith.constant 7 : i32
      %add3A_912 = arith.addi %add3A_910, %add3A_911 : i32
      %dma_start3A_913 = arith.constant 0 : i32
      %dma_start3A_914 = arith.constant 210 : i32
      %dma_start3A_915 = arith.constant 0 : i32
      %dma_start3A_916 = tpu.memref_slice %arg7[%dma_start3A_914, %dma_start3A_915] : memref<240x128xf32, #tpu.memory_space<vmem>> -> memref<5x128xf32, #tpu.memory_space<vmem>>
      %dma_start3A_917 = arith.constant 0 : i32
      %dma_start3A_918 = arith.constant 0 : i32
      %dma_start3A_919 = tpu.memref_slice %arg4[%add3A_912, %dma_start3A_913, %dma_start3A_917, %dma_start3A_918] : memref<16384x6x5x128xf32, #tpu.memory_space<hbm>> -> memref<1x1x5x128xf32, #tpu.memory_space<hbm>>
      %dma_start3A_920 = tpu.memref_squeeze %dma_start3A_919 : memref<1x1x5x128xf32, #tpu.memory_space<hbm>> -> memref<5x128xf32, #tpu.memory_space<hbm>>
      %dma_start3A_921 = arith.constant 0 : i32
      %dma_start3A_922 = arith.constant 0 : i32
      %dma_start3A_923 = tpu.memref_slice %arg4[%add3A_912, %dma_start3A_913, %dma_start3A_921, %dma_start3A_922] : memref<16384x6x5x128xf32, #tpu.memory_space<hbm>> -> memref<1x1x5x128xf32, #tpu.memory_space<hbm>>
      %dma_start3A_924 = tpu.memref_squeeze %dma_start3A_923 : memref<1x1x5x128xf32, #tpu.memory_space<hbm>> -> memref<5x128xf32, #tpu.memory_space<hbm>>
      %dma_start3A_925 = arith.constant 210 : i32
      %dma_start3A_926 = arith.constant 0 : i32
      %dma_start3A_927 = tpu.memref_slice %arg7[%dma_start3A_925, %dma_start3A_926] : memref<240x128xf32, #tpu.memory_space<vmem>> -> memref<5x128xf32, #tpu.memory_space<vmem>>
      tpu.enqueue_dma source(%dma_start3A_927 : memref<5x128xf32, #tpu.memory_space<vmem>>) target(%dma_start3A_924 : memref<5x128xf32, #tpu.memory_space<hbm>>) target_semaphore(%arg13 : memref<!tpu.dma_semaphore, #tpu.memory_space<semaphore_mem>>)
      %mul3A_928 = arith.constant 8 : i32
      %mul3A_929 = arith.muli %add3A_34, %mul3A_928 : i32
      %add3A_930 = arith.addi %mul3A_4, %mul3A_929 : i32
      %add3A_931 = arith.constant 7 : i32
      %add3A_932 = arith.addi %add3A_930, %add3A_931 : i32
      %dma_start3A_933 = arith.constant 1 : i32
      %dma_start3A_934 = arith.constant 215 : i32
      %dma_start3A_935 = arith.constant 0 : i32
      %dma_start3A_936 = tpu.memref_slice %arg7[%dma_start3A_934, %dma_start3A_935] : memref<240x128xf32, #tpu.memory_space<vmem>> -> memref<5x128xf32, #tpu.memory_space<vmem>>
      %dma_start3A_937 = arith.constant 0 : i32
      %dma_start3A_938 = arith.constant 0 : i32
      %dma_start3A_939 = tpu.memref_slice %arg4[%add3A_932, %dma_start3A_933, %dma_start3A_937, %dma_start3A_938] : memref<16384x6x5x128xf32, #tpu.memory_space<hbm>> -> memref<1x1x5x128xf32, #tpu.memory_space<hbm>>
      %dma_start3A_940 = tpu.memref_squeeze %dma_start3A_939 : memref<1x1x5x128xf32, #tpu.memory_space<hbm>> -> memref<5x128xf32, #tpu.memory_space<hbm>>
      %dma_start3A_941 = arith.constant 0 : i32
      %dma_start3A_942 = arith.constant 0 : i32
      %dma_start3A_943 = tpu.memref_slice %arg4[%add3A_932, %dma_start3A_933, %dma_start3A_941, %dma_start3A_942] : memref<16384x6x5x128xf32, #tpu.memory_space<hbm>> -> memref<1x1x5x128xf32, #tpu.memory_space<hbm>>
      %dma_start3A_944 = tpu.memref_squeeze %dma_start3A_943 : memref<1x1x5x128xf32, #tpu.memory_space<hbm>> -> memref<5x128xf32, #tpu.memory_space<hbm>>
      %dma_start3A_945 = arith.constant 215 : i32
      %dma_start3A_946 = arith.constant 0 : i32
      %dma_start3A_947 = tpu.memref_slice %arg7[%dma_start3A_945, %dma_start3A_946] : memref<240x128xf32, #tpu.memory_space<vmem>> -> memref<5x128xf32, #tpu.memory_space<vmem>>
      tpu.enqueue_dma source(%dma_start3A_947 : memref<5x128xf32, #tpu.memory_space<vmem>>) target(%dma_start3A_944 : memref<5x128xf32, #tpu.memory_space<hbm>>) target_semaphore(%arg13 : memref<!tpu.dma_semaphore, #tpu.memory_space<semaphore_mem>>)
      %mul3A_948 = arith.constant 8 : i32
      %mul3A_949 = arith.muli %add3A_34, %mul3A_948 : i32
      %add3A_950 = arith.addi %mul3A_4, %mul3A_949 : i32
      %add3A_951 = arith.constant 7 : i32
      %add3A_952 = arith.addi %add3A_950, %add3A_951 : i32
      %dma_start3A_953 = arith.constant 2 : i32
      %dma_start3A_954 = arith.constant 220 : i32
      %dma_start3A_955 = arith.constant 0 : i32
      %dma_start3A_956 = tpu.memref_slice %arg7[%dma_start3A_954, %dma_start3A_955] : memref<240x128xf32, #tpu.memory_space<vmem>> -> memref<5x128xf32, #tpu.memory_space<vmem>>
      %dma_start3A_957 = arith.constant 0 : i32
      %dma_start3A_958 = arith.constant 0 : i32
      %dma_start3A_959 = tpu.memref_slice %arg4[%add3A_952, %dma_start3A_953, %dma_start3A_957, %dma_start3A_958] : memref<16384x6x5x128xf32, #tpu.memory_space<hbm>> -> memref<1x1x5x128xf32, #tpu.memory_space<hbm>>
      %dma_start3A_960 = tpu.memref_squeeze %dma_start3A_959 : memref<1x1x5x128xf32, #tpu.memory_space<hbm>> -> memref<5x128xf32, #tpu.memory_space<hbm>>
      %dma_start3A_961 = arith.constant 0 : i32
      %dma_start3A_962 = arith.constant 0 : i32
      %dma_start3A_963 = tpu.memref_slice %arg4[%add3A_952, %dma_start3A_953, %dma_start3A_961, %dma_start3A_962] : memref<16384x6x5x128xf32, #tpu.memory_space<hbm>> -> memref<1x1x5x128xf32, #tpu.memory_space<hbm>>
      %dma_start3A_964 = tpu.memref_squeeze %dma_start3A_963 : memref<1x1x5x128xf32, #tpu.memory_space<hbm>> -> memref<5x128xf32, #tpu.memory_space<hbm>>
      %dma_start3A_965 = arith.constant 220 : i32
      %dma_start3A_966 = arith.constant 0 : i32
      %dma_start3A_967 = tpu.memref_slice %arg7[%dma_start3A_965, %dma_start3A_966] : memref<240x128xf32, #tpu.memory_space<vmem>> -> memref<5x128xf32, #tpu.memory_space<vmem>>
      tpu.enqueue_dma source(%dma_start3A_967 : memref<5x128xf32, #tpu.memory_space<vmem>>) target(%dma_start3A_964 : memref<5x128xf32, #tpu.memory_space<hbm>>) target_semaphore(%arg13 : memref<!tpu.dma_semaphore, #tpu.memory_space<semaphore_mem>>)
      %mul3A_968 = arith.constant 8 : i32
      %mul3A_969 = arith.muli %add3A_34, %mul3A_968 : i32
      %add3A_970 = arith.addi %mul3A_4, %mul3A_969 : i32
      %add3A_971 = arith.constant 7 : i32
      %add3A_972 = arith.addi %add3A_970, %add3A_971 : i32
      %dma_start3A_973 = arith.constant 3 : i32
      %dma_start3A_974 = arith.constant 225 : i32
      %dma_start3A_975 = arith.constant 0 : i32
      %dma_start3A_976 = tpu.memref_slice %arg7[%dma_start3A_974, %dma_start3A_975] : memref<240x128xf32, #tpu.memory_space<vmem>> -> memref<5x128xf32, #tpu.memory_space<vmem>>
      %dma_start3A_977 = arith.constant 0 : i32
      %dma_start3A_978 = arith.constant 0 : i32
      %dma_start3A_979 = tpu.memref_slice %arg4[%add3A_972, %dma_start3A_973, %dma_start3A_977, %dma_start3A_978] : memref<16384x6x5x128xf32, #tpu.memory_space<hbm>> -> memref<1x1x5x128xf32, #tpu.memory_space<hbm>>
      %dma_start3A_980 = tpu.memref_squeeze %dma_start3A_979 : memref<1x1x5x128xf32, #tpu.memory_space<hbm>> -> memref<5x128xf32, #tpu.memory_space<hbm>>
      %dma_start3A_981 = arith.constant 0 : i32
      %dma_start3A_982 = arith.constant 0 : i32
      %dma_start3A_983 = tpu.memref_slice %arg4[%add3A_972, %dma_start3A_973, %dma_start3A_981, %dma_start3A_982] : memref<16384x6x5x128xf32, #tpu.memory_space<hbm>> -> memref<1x1x5x128xf32, #tpu.memory_space<hbm>>
      %dma_start3A_984 = tpu.memref_squeeze %dma_start3A_983 : memref<1x1x5x128xf32, #tpu.memory_space<hbm>> -> memref<5x128xf32, #tpu.memory_space<hbm>>
      %dma_start3A_985 = arith.constant 225 : i32
      %dma_start3A_986 = arith.constant 0 : i32
      %dma_start3A_987 = tpu.memref_slice %arg7[%dma_start3A_985, %dma_start3A_986] : memref<240x128xf32, #tpu.memory_space<vmem>> -> memref<5x128xf32, #tpu.memory_space<vmem>>
      tpu.enqueue_dma source(%dma_start3A_987 : memref<5x128xf32, #tpu.memory_space<vmem>>) target(%dma_start3A_984 : memref<5x128xf32, #tpu.memory_space<hbm>>) target_semaphore(%arg13 : memref<!tpu.dma_semaphore, #tpu.memory_space<semaphore_mem>>)
      %mul3A_988 = arith.constant 8 : i32
      %mul3A_989 = arith.muli %add3A_34, %mul3A_988 : i32
      %add3A_990 = arith.addi %mul3A_4, %mul3A_989 : i32
      %add3A_991 = arith.constant 7 : i32
      %add3A_992 = arith.addi %add3A_990, %add3A_991 : i32
      %dma_start3A_993 = arith.constant 4 : i32
      %dma_start3A_994 = arith.constant 230 : i32
      %dma_start3A_995 = arith.constant 0 : i32
      %dma_start3A_996 = tpu.memref_slice %arg7[%dma_start3A_994, %dma_start3A_995] : memref<240x128xf32, #tpu.memory_space<vmem>> -> memref<5x128xf32, #tpu.memory_space<vmem>>
      %dma_start3A_997 = arith.constant 0 : i32
      %dma_start3A_998 = arith.constant 0 : i32
      %dma_start3A_999 = tpu.memref_slice %arg4[%add3A_992, %dma_start3A_993, %dma_start3A_997, %dma_start3A_998] : memref<16384x6x5x128xf32, #tpu.memory_space<hbm>> -> memref<1x1x5x128xf32, #tpu.memory_space<hbm>>
      %dma_start3A_1000 = tpu.memref_squeeze %dma_start3A_999 : memref<1x1x5x128xf32, #tpu.memory_space<hbm>> -> memref<5x128xf32, #tpu.memory_space<hbm>>
      %dma_start3A_1001 = arith.constant 0 : i32
      %dma_start3A_1002 = arith.constant 0 : i32
      %dma_start3A_1003 = tpu.memref_slice %arg4[%add3A_992, %dma_start3A_993, %dma_start3A_1001, %dma_start3A_1002] : memref<16384x6x5x128xf32, #tpu.memory_space<hbm>> -> memref<1x1x5x128xf32, #tpu.memory_space<hbm>>
      %dma_start3A_1004 = tpu.memref_squeeze %dma_start3A_1003 : memref<1x1x5x128xf32, #tpu.memory_space<hbm>> -> memref<5x128xf32, #tpu.memory_space<hbm>>
      %dma_start3A_1005 = arith.constant 230 : i32
      %dma_start3A_1006 = arith.constant 0 : i32
      %dma_start3A_1007 = tpu.memref_slice %arg7[%dma_start3A_1005, %dma_start3A_1006] : memref<240x128xf32, #tpu.memory_space<vmem>> -> memref<5x128xf32, #tpu.memory_space<vmem>>
      tpu.enqueue_dma source(%dma_start3A_1007 : memref<5x128xf32, #tpu.memory_space<vmem>>) target(%dma_start3A_1004 : memref<5x128xf32, #tpu.memory_space<hbm>>) target_semaphore(%arg13 : memref<!tpu.dma_semaphore, #tpu.memory_space<semaphore_mem>>)
      %mul3A_1008 = arith.constant 8 : i32
      %mul3A_1009 = arith.muli %add3A_34, %mul3A_1008 : i32
      %add3A_1010 = arith.addi %mul3A_4, %mul3A_1009 : i32
      %add3A_1011 = arith.constant 7 : i32
      %add3A_1012 = arith.addi %add3A_1010, %add3A_1011 : i32
      %dma_start3A_1013 = arith.constant 5 : i32
      %dma_start3A_1014 = arith.constant 235 : i32
      %dma_start3A_1015 = arith.constant 0 : i32
      %dma_start3A_1016 = tpu.memref_slice %arg7[%dma_start3A_1014, %dma_start3A_1015] : memref<240x128xf32, #tpu.memory_space<vmem>> -> memref<5x128xf32, #tpu.memory_space<vmem>>
      %dma_start3A_1017 = arith.constant 0 : i32
      %dma_start3A_1018 = arith.constant 0 : i32
      %dma_start3A_1019 = tpu.memref_slice %arg4[%add3A_1012, %dma_start3A_1013, %dma_start3A_1017, %dma_start3A_1018] : memref<16384x6x5x128xf32, #tpu.memory_space<hbm>> -> memref<1x1x5x128xf32, #tpu.memory_space<hbm>>
      %dma_start3A_1020 = tpu.memref_squeeze %dma_start3A_1019 : memref<1x1x5x128xf32, #tpu.memory_space<hbm>> -> memref<5x128xf32, #tpu.memory_space<hbm>>
      %dma_start3A_1021 = arith.constant 0 : i32
      %dma_start3A_1022 = arith.constant 0 : i32
      %dma_start3A_1023 = tpu.memref_slice %arg4[%add3A_1012, %dma_start3A_1013, %dma_start3A_1021, %dma_start3A_1022] : memref<16384x6x5x128xf32, #tpu.memory_space<hbm>> -> memref<1x1x5x128xf32, #tpu.memory_space<hbm>>
      %dma_start3A_1024 = tpu.memref_squeeze %dma_start3A_1023 : memref<1x1x5x128xf32, #tpu.memory_space<hbm>> -> memref<5x128xf32, #tpu.memory_space<hbm>>
      %dma_start3A_1025 = arith.constant 235 : i32
      %dma_start3A_1026 = arith.constant 0 : i32
      %dma_start3A_1027 = tpu.memref_slice %arg7[%dma_start3A_1025, %dma_start3A_1026] : memref<240x128xf32, #tpu.memory_space<vmem>> -> memref<5x128xf32, #tpu.memory_space<vmem>>
      tpu.enqueue_dma source(%dma_start3A_1027 : memref<5x128xf32, #tpu.memory_space<vmem>>) target(%dma_start3A_1024 : memref<5x128xf32, #tpu.memory_space<hbm>>) target_semaphore(%arg13 : memref<!tpu.dma_semaphore, #tpu.memory_space<semaphore_mem>>)
      %mul3A_1028 = arith.constant 2 : i32
      %mul3A_1029 = arith.muli %scan3A_30, %mul3A_1028 : i32
      %add3A_1030 = arith.constant 1 : i32
      %add3A_1031 = arith.addi %mul3A_1029, %add3A_1030 : i32
      %mul3A_1032 = arith.constant 240 : i32
      %mul3A_1033 = arith.muli %add3A_1031, %mul3A_1032 : i32
      %add3A_1034 = arith.addi %mul3A_6, %mul3A_1033 : i32
      %dma_wait3A_1035 = tpu.memref_slice %arg3[%add3A_1034] : memref<491520xi32, #tpu.memory_space<hbm>> -> memref<240xi32, #tpu.memory_space<hbm>>
      %dma_wait3A_1036 = tpu.memref_slice %arg3[%add3A_1034] : memref<491520xi32, #tpu.memory_space<hbm>> -> memref<240xi32, #tpu.memory_space<hbm>>
      tpu.wait_dma2 semaphore(%arg10 : memref<!tpu.dma_semaphore, #tpu.memory_space<semaphore_mem>>) src(%dma_wait3A_1036 : memref<240xi32, #tpu.memory_space<hbm>>) dst(%arg6 : memref<240xi32, #tpu.memory_space<vmem>>)
      %ge3A_1037 = arith.constant 1 : i32
      %ge3A_1038 = arith.cmpi sge, %scan3A_30, %ge3A_1037 : i32
      %convert_element_type3A_1039 = arith.extui %ge3A_1038 : i1 to i32
      %cond3A_1040 = arith.constant 0 : i32
      %cond3A_1041 = arith.cmpi ne, %convert_element_type3A_1039, %cond3A_1040 : i32
      scf.if %cond3A_1041 {
        %dma_wait3A_2029 = arith.constant 0 : i32
        %dma_wait3A_2030 = arith.constant 0 : i32
        %dma_wait3A_2031 = tpu.memref_slice %arg2[%dma_wait3A_2029, %dma_wait3A_2030] : memref<3360x128xf32, #tpu.memory_space<hbm>> -> memref<240x128xf32, #tpu.memory_space<hbm>>
        %dma_wait3A_2032 = arith.constant 0 : i32
        %dma_wait3A_2033 = arith.constant 0 : i32
        %dma_wait3A_2034 = tpu.memref_slice %arg2[%dma_wait3A_2032, %dma_wait3A_2033] : memref<3360x128xf32, #tpu.memory_space<hbm>> -> memref<240x128xf32, #tpu.memory_space<hbm>>
        tpu.wait_dma2 semaphore(%arg14 : memref<!tpu.dma_semaphore, #tpu.memory_space<semaphore_mem>>) src(%dma_wait3A_2034 : memref<240x128xf32, #tpu.memory_space<hbm>>) dst(%arg8 : memref<240x128xf32, #tpu.memory_space<vmem>>)
      } else {
      }
      %dma_start3A_1042 = arith.constant 0 : i32
      %dma_start3A_1043 = arith.constant 0 : i32
      %dma_start3A_1044 = tpu.memref_slice %arg8[%dma_start3A_1042, %dma_start3A_1043] : memref<240x128xf32, #tpu.memory_space<vmem>> -> memref<120x128xf32, #tpu.memory_space<vmem>>
      %dma_start3A_1045 = arith.constant 0 : i32
      %dma_start3A_1046 = tpu.memref_slice %arg6[%dma_start3A_1045] : memref<240xi32, #tpu.memory_space<vmem>> -> memref<120xi32, #tpu.memory_space<vmem>>
      %dma_start3A_1047 = arith.constant 0 : i32
      %dma_start3A_1048 = arith.constant 0 : i32
      %dma_start3A_1049 = tpu.memref_slice %arg2[%dma_start3A_1047, %dma_start3A_1048] : memref<3360x128xf32, #tpu.memory_space<hbm>> -> memref<3360x128xf32, #tpu.memory_space<hbm>>
      tpu.enqueue_indirect_dma source(%dma_start3A_1049 : memref<3360x128xf32, #tpu.memory_space<hbm>>) target(%dma_start3A_1044 : memref<120x128xf32, #tpu.memory_space<vmem>>) offsets(%dma_start3A_1046 : memref<120xi32, #tpu.memory_space<vmem>>) semaphore(%arg12 : memref<!tpu.dma_semaphore, #tpu.memory_space<semaphore_mem>>)
      %dma_start3A_1050 = arith.constant 120 : i32
      %dma_start3A_1051 = arith.constant 0 : i32
      %dma_start3A_1052 = tpu.memref_slice %arg8[%dma_start3A_1050, %dma_start3A_1051] : memref<240x128xf32, #tpu.memory_space<vmem>> -> memref<120x128xf32, #tpu.memory_space<vmem>>
      %dma_start3A_1053 = arith.constant 120 : i32
      %dma_start3A_1054 = tpu.memref_slice %arg6[%dma_start3A_1053] : memref<240xi32, #tpu.memory_space<vmem>> -> memref<120xi32, #tpu.memory_space<vmem>>
      %dma_start3A_1055 = arith.constant 0 : i32
      %dma_start3A_1056 = arith.constant 0 : i32
      %dma_start3A_1057 = tpu.memref_slice %arg2[%dma_start3A_1055, %dma_start3A_1056] : memref<3360x128xf32, #tpu.memory_space<hbm>> -> memref<3360x128xf32, #tpu.memory_space<hbm>>
      tpu.enqueue_indirect_dma source(%dma_start3A_1057 : memref<3360x128xf32, #tpu.memory_space<hbm>>) target(%dma_start3A_1052 : memref<120x128xf32, #tpu.memory_space<vmem>>) offsets(%dma_start3A_1054 : memref<120xi32, #tpu.memory_space<vmem>>) semaphore(%arg12 : memref<!tpu.dma_semaphore, #tpu.memory_space<semaphore_mem>>)
      %dma_wait3A_1058 = arith.constant 0 : i32
      %dma_wait3A_1059 = arith.constant 0 : i32
      %dma_wait3A_1060 = tpu.memref_slice %arg2[%dma_wait3A_1058, %dma_wait3A_1059] : memref<3360x128xf32, #tpu.memory_space<hbm>> -> memref<240x128xf32, #tpu.memory_space<hbm>>
      %dma_wait3A_1061 = arith.constant 0 : i32
      %dma_wait3A_1062 = arith.constant 0 : i32
      %dma_wait3A_1063 = tpu.memref_slice %arg2[%dma_wait3A_1061, %dma_wait3A_1062] : memref<3360x128xf32, #tpu.memory_space<hbm>> -> memref<240x128xf32, #tpu.memory_space<hbm>>
      tpu.wait_dma2 semaphore(%arg12 : memref<!tpu.dma_semaphore, #tpu.memory_space<semaphore_mem>>) src(%dma_wait3A_1063 : memref<240x128xf32, #tpu.memory_space<hbm>>) dst(%arg8 : memref<240x128xf32, #tpu.memory_space<vmem>>)
      %lt3A_1064 = arith.constant 31 : i32
      %lt3A_1065 = arith.cmpi slt, %scan3A_30, %lt3A_1064 : i32
      %convert_element_type3A_1066 = arith.extui %lt3A_1065 : i1 to i32
      %cond3A_1067 = arith.constant 0 : i32
      %cond3A_1068 = arith.cmpi ne, %convert_element_type3A_1066, %cond3A_1067 : i32
      scf.if %cond3A_1068 {
        %add3A_2029 = arith.constant 2 : i32
        %add3A_2030 = arith.addi %add3A_1031, %add3A_2029 : i32
        %mul3A_2031 = arith.constant 240 : i32
        %mul3A_2032 = arith.muli %add3A_2030, %mul3A_2031 : i32
        %add3A_2033 = arith.addi %mul3A_6, %mul3A_2032 : i32
        %dma_start3A_2034 = tpu.memref_slice %arg3[%add3A_2033] : memref<491520xi32, #tpu.memory_space<hbm>> -> memref<240xi32, #tpu.memory_space<hbm>>
        %dma_start3A_2035 = tpu.memref_slice %arg3[%add3A_2033] : memref<491520xi32, #tpu.memory_space<hbm>> -> memref<240xi32, #tpu.memory_space<hbm>>
        tpu.enqueue_dma source(%dma_start3A_2035 : memref<240xi32, #tpu.memory_space<hbm>>) target(%arg6 : memref<240xi32, #tpu.memory_space<vmem>>) target_semaphore(%arg10 : memref<!tpu.dma_semaphore, #tpu.memory_space<semaphore_mem>>)
      } else {
      }
      %mul3A_1069 = arith.constant 8 : i32
      %mul3A_1070 = arith.muli %add3A_1031, %mul3A_1069 : i32
      %add3A_1071 = arith.addi %mul3A_4, %mul3A_1070 : i32
      %add3A_1072 = arith.constant 0 : i32
      %add3A_1073 = arith.addi %add3A_1071, %add3A_1072 : i32
      %dma_start3A_1074 = arith.constant 0 : i32
      %dma_start3A_1075 = arith.constant 0 : i32
      %dma_start3A_1076 = arith.constant 0 : i32
      %dma_start3A_1077 = tpu.memref_slice %arg8[%dma_start3A_1075, %dma_start3A_1076] : memref<240x128xf32, #tpu.memory_space<vmem>> -> memref<5x128xf32, #tpu.memory_space<vmem>>
      %dma_start3A_1078 = arith.constant 0 : i32
      %dma_start3A_1079 = arith.constant 0 : i32
      %dma_start3A_1080 = tpu.memref_slice %arg4[%add3A_1073, %dma_start3A_1074, %dma_start3A_1078, %dma_start3A_1079] : memref<16384x6x5x128xf32, #tpu.memory_space<hbm>> -> memref<1x1x5x128xf32, #tpu.memory_space<hbm>>
      %dma_start3A_1081 = tpu.memref_squeeze %dma_start3A_1080 : memref<1x1x5x128xf32, #tpu.memory_space<hbm>> -> memref<5x128xf32, #tpu.memory_space<hbm>>
      %dma_start3A_1082 = arith.constant 0 : i32
      %dma_start3A_1083 = arith.constant 0 : i32
      %dma_start3A_1084 = tpu.memref_slice %arg4[%add3A_1073, %dma_start3A_1074, %dma_start3A_1082, %dma_start3A_1083] : memref<16384x6x5x128xf32, #tpu.memory_space<hbm>> -> memref<1x1x5x128xf32, #tpu.memory_space<hbm>>
      %dma_start3A_1085 = tpu.memref_squeeze %dma_start3A_1084 : memref<1x1x5x128xf32, #tpu.memory_space<hbm>> -> memref<5x128xf32, #tpu.memory_space<hbm>>
      %dma_start3A_1086 = arith.constant 0 : i32
      %dma_start3A_1087 = arith.constant 0 : i32
      %dma_start3A_1088 = tpu.memref_slice %arg8[%dma_start3A_1086, %dma_start3A_1087] : memref<240x128xf32, #tpu.memory_space<vmem>> -> memref<5x128xf32, #tpu.memory_space<vmem>>
      tpu.enqueue_dma source(%dma_start3A_1088 : memref<5x128xf32, #tpu.memory_space<vmem>>) target(%dma_start3A_1085 : memref<5x128xf32, #tpu.memory_space<hbm>>) target_semaphore(%arg14 : memref<!tpu.dma_semaphore, #tpu.memory_space<semaphore_mem>>)
      %mul3A_1089 = arith.constant 8 : i32
      %mul3A_1090 = arith.muli %add3A_1031, %mul3A_1089 : i32
      %add3A_1091 = arith.addi %mul3A_4, %mul3A_1090 : i32
      %add3A_1092 = arith.constant 0 : i32
      %add3A_1093 = arith.addi %add3A_1091, %add3A_1092 : i32
      %dma_start3A_1094 = arith.constant 1 : i32
      %dma_start3A_1095 = arith.constant 5 : i32
      %dma_start3A_1096 = arith.constant 0 : i32
      %dma_start3A_1097 = tpu.memref_slice %arg8[%dma_start3A_1095, %dma_start3A_1096] : memref<240x128xf32, #tpu.memory_space<vmem>> -> memref<5x128xf32, #tpu.memory_space<vmem>>
      %dma_start3A_1098 = arith.constant 0 : i32
      %dma_start3A_1099 = arith.constant 0 : i32
      %dma_start3A_1100 = tpu.memref_slice %arg4[%add3A_1093, %dma_start3A_1094, %dma_start3A_1098, %dma_start3A_1099] : memref<16384x6x5x128xf32, #tpu.memory_space<hbm>> -> memref<1x1x5x128xf32, #tpu.memory_space<hbm>>
      %dma_start3A_1101 = tpu.memref_squeeze %dma_start3A_1100 : memref<1x1x5x128xf32, #tpu.memory_space<hbm>> -> memref<5x128xf32, #tpu.memory_space<hbm>>
      %dma_start3A_1102 = arith.constant 0 : i32
      %dma_start3A_1103 = arith.constant 0 : i32
      %dma_start3A_1104 = tpu.memref_slice %arg4[%add3A_1093, %dma_start3A_1094, %dma_start3A_1102, %dma_start3A_1103] : memref<16384x6x5x128xf32, #tpu.memory_space<hbm>> -> memref<1x1x5x128xf32, #tpu.memory_space<hbm>>
      %dma_start3A_1105 = tpu.memref_squeeze %dma_start3A_1104 : memref<1x1x5x128xf32, #tpu.memory_space<hbm>> -> memref<5x128xf32, #tpu.memory_space<hbm>>
      %dma_start3A_1106 = arith.constant 5 : i32
      %dma_start3A_1107 = arith.constant 0 : i32
      %dma_start3A_1108 = tpu.memref_slice %arg8[%dma_start3A_1106, %dma_start3A_1107] : memref<240x128xf32, #tpu.memory_space<vmem>> -> memref<5x128xf32, #tpu.memory_space<vmem>>
      tpu.enqueue_dma source(%dma_start3A_1108 : memref<5x128xf32, #tpu.memory_space<vmem>>) target(%dma_start3A_1105 : memref<5x128xf32, #tpu.memory_space<hbm>>) target_semaphore(%arg14 : memref<!tpu.dma_semaphore, #tpu.memory_space<semaphore_mem>>)
      %mul3A_1109 = arith.constant 8 : i32
      %mul3A_1110 = arith.muli %add3A_1031, %mul3A_1109 : i32
      %add3A_1111 = arith.addi %mul3A_4, %mul3A_1110 : i32
      %add3A_1112 = arith.constant 0 : i32
      %add3A_1113 = arith.addi %add3A_1111, %add3A_1112 : i32
      %dma_start3A_1114 = arith.constant 2 : i32
      %dma_start3A_1115 = arith.constant 10 : i32
      %dma_start3A_1116 = arith.constant 0 : i32
      %dma_start3A_1117 = tpu.memref_slice %arg8[%dma_start3A_1115, %dma_start3A_1116] : memref<240x128xf32, #tpu.memory_space<vmem>> -> memref<5x128xf32, #tpu.memory_space<vmem>>
      %dma_start3A_1118 = arith.constant 0 : i32
      %dma_start3A_1119 = arith.constant 0 : i32
      %dma_start3A_1120 = tpu.memref_slice %arg4[%add3A_1113, %dma_start3A_1114, %dma_start3A_1118, %dma_start3A_1119] : memref<16384x6x5x128xf32, #tpu.memory_space<hbm>> -> memref<1x1x5x128xf32, #tpu.memory_space<hbm>>
      %dma_start3A_1121 = tpu.memref_squeeze %dma_start3A_1120 : memref<1x1x5x128xf32, #tpu.memory_space<hbm>> -> memref<5x128xf32, #tpu.memory_space<hbm>>
      %dma_start3A_1122 = arith.constant 0 : i32
      %dma_start3A_1123 = arith.constant 0 : i32
      %dma_start3A_1124 = tpu.memref_slice %arg4[%add3A_1113, %dma_start3A_1114, %dma_start3A_1122, %dma_start3A_1123] : memref<16384x6x5x128xf32, #tpu.memory_space<hbm>> -> memref<1x1x5x128xf32, #tpu.memory_space<hbm>>
      %dma_start3A_1125 = tpu.memref_squeeze %dma_start3A_1124 : memref<1x1x5x128xf32, #tpu.memory_space<hbm>> -> memref<5x128xf32, #tpu.memory_space<hbm>>
      %dma_start3A_1126 = arith.constant 10 : i32
      %dma_start3A_1127 = arith.constant 0 : i32
      %dma_start3A_1128 = tpu.memref_slice %arg8[%dma_start3A_1126, %dma_start3A_1127] : memref<240x128xf32, #tpu.memory_space<vmem>> -> memref<5x128xf32, #tpu.memory_space<vmem>>
      tpu.enqueue_dma source(%dma_start3A_1128 : memref<5x128xf32, #tpu.memory_space<vmem>>) target(%dma_start3A_1125 : memref<5x128xf32, #tpu.memory_space<hbm>>) target_semaphore(%arg14 : memref<!tpu.dma_semaphore, #tpu.memory_space<semaphore_mem>>)
      %mul3A_1129 = arith.constant 8 : i32
      %mul3A_1130 = arith.muli %add3A_1031, %mul3A_1129 : i32
      %add3A_1131 = arith.addi %mul3A_4, %mul3A_1130 : i32
      %add3A_1132 = arith.constant 0 : i32
      %add3A_1133 = arith.addi %add3A_1131, %add3A_1132 : i32
      %dma_start3A_1134 = arith.constant 3 : i32
      %dma_start3A_1135 = arith.constant 15 : i32
      %dma_start3A_1136 = arith.constant 0 : i32
      %dma_start3A_1137 = tpu.memref_slice %arg8[%dma_start3A_1135, %dma_start3A_1136] : memref<240x128xf32, #tpu.memory_space<vmem>> -> memref<5x128xf32, #tpu.memory_space<vmem>>
      %dma_start3A_1138 = arith.constant 0 : i32
      %dma_start3A_1139 = arith.constant 0 : i32
      %dma_start3A_1140 = tpu.memref_slice %arg4[%add3A_1133, %dma_start3A_1134, %dma_start3A_1138, %dma_start3A_1139] : memref<16384x6x5x128xf32, #tpu.memory_space<hbm>> -> memref<1x1x5x128xf32, #tpu.memory_space<hbm>>
      %dma_start3A_1141 = tpu.memref_squeeze %dma_start3A_1140 : memref<1x1x5x128xf32, #tpu.memory_space<hbm>> -> memref<5x128xf32, #tpu.memory_space<hbm>>
      %dma_start3A_1142 = arith.constant 0 : i32
      %dma_start3A_1143 = arith.constant 0 : i32
      %dma_start3A_1144 = tpu.memref_slice %arg4[%add3A_1133, %dma_start3A_1134, %dma_start3A_1142, %dma_start3A_1143] : memref<16384x6x5x128xf32, #tpu.memory_space<hbm>> -> memref<1x1x5x128xf32, #tpu.memory_space<hbm>>
      %dma_start3A_1145 = tpu.memref_squeeze %dma_start3A_1144 : memref<1x1x5x128xf32, #tpu.memory_space<hbm>> -> memref<5x128xf32, #tpu.memory_space<hbm>>
      %dma_start3A_1146 = arith.constant 15 : i32
      %dma_start3A_1147 = arith.constant 0 : i32
      %dma_start3A_1148 = tpu.memref_slice %arg8[%dma_start3A_1146, %dma_start3A_1147] : memref<240x128xf32, #tpu.memory_space<vmem>> -> memref<5x128xf32, #tpu.memory_space<vmem>>
      tpu.enqueue_dma source(%dma_start3A_1148 : memref<5x128xf32, #tpu.memory_space<vmem>>) target(%dma_start3A_1145 : memref<5x128xf32, #tpu.memory_space<hbm>>) target_semaphore(%arg14 : memref<!tpu.dma_semaphore, #tpu.memory_space<semaphore_mem>>)
      %mul3A_1149 = arith.constant 8 : i32
      %mul3A_1150 = arith.muli %add3A_1031, %mul3A_1149 : i32
      %add3A_1151 = arith.addi %mul3A_4, %mul3A_1150 : i32
      %add3A_1152 = arith.constant 0 : i32
      %add3A_1153 = arith.addi %add3A_1151, %add3A_1152 : i32
      %dma_start3A_1154 = arith.constant 4 : i32
      %dma_start3A_1155 = arith.constant 20 : i32
      %dma_start3A_1156 = arith.constant 0 : i32
      %dma_start3A_1157 = tpu.memref_slice %arg8[%dma_start3A_1155, %dma_start3A_1156] : memref<240x128xf32, #tpu.memory_space<vmem>> -> memref<5x128xf32, #tpu.memory_space<vmem>>
      %dma_start3A_1158 = arith.constant 0 : i32
      %dma_start3A_1159 = arith.constant 0 : i32
      %dma_start3A_1160 = tpu.memref_slice %arg4[%add3A_1153, %dma_start3A_1154, %dma_start3A_1158, %dma_start3A_1159] : memref<16384x6x5x128xf32, #tpu.memory_space<hbm>> -> memref<1x1x5x128xf32, #tpu.memory_space<hbm>>
      %dma_start3A_1161 = tpu.memref_squeeze %dma_start3A_1160 : memref<1x1x5x128xf32, #tpu.memory_space<hbm>> -> memref<5x128xf32, #tpu.memory_space<hbm>>
      %dma_start3A_1162 = arith.constant 0 : i32
      %dma_start3A_1163 = arith.constant 0 : i32
      %dma_start3A_1164 = tpu.memref_slice %arg4[%add3A_1153, %dma_start3A_1154, %dma_start3A_1162, %dma_start3A_1163] : memref<16384x6x5x128xf32, #tpu.memory_space<hbm>> -> memref<1x1x5x128xf32, #tpu.memory_space<hbm>>
      %dma_start3A_1165 = tpu.memref_squeeze %dma_start3A_1164 : memref<1x1x5x128xf32, #tpu.memory_space<hbm>> -> memref<5x128xf32, #tpu.memory_space<hbm>>
      %dma_start3A_1166 = arith.constant 20 : i32
      %dma_start3A_1167 = arith.constant 0 : i32
      %dma_start3A_1168 = tpu.memref_slice %arg8[%dma_start3A_1166, %dma_start3A_1167] : memref<240x128xf32, #tpu.memory_space<vmem>> -> memref<5x128xf32, #tpu.memory_space<vmem>>
      tpu.enqueue_dma source(%dma_start3A_1168 : memref<5x128xf32, #tpu.memory_space<vmem>>) target(%dma_start3A_1165 : memref<5x128xf32, #tpu.memory_space<hbm>>) target_semaphore(%arg14 : memref<!tpu.dma_semaphore, #tpu.memory_space<semaphore_mem>>)
      %mul3A_1169 = arith.constant 8 : i32
      %mul3A_1170 = arith.muli %add3A_1031, %mul3A_1169 : i32
      %add3A_1171 = arith.addi %mul3A_4, %mul3A_1170 : i32
      %add3A_1172 = arith.constant 0 : i32
      %add3A_1173 = arith.addi %add3A_1171, %add3A_1172 : i32
      %dma_start3A_1174 = arith.constant 5 : i32
      %dma_start3A_1175 = arith.constant 25 : i32
      %dma_start3A_1176 = arith.constant 0 : i32
      %dma_start3A_1177 = tpu.memref_slice %arg8[%dma_start3A_1175, %dma_start3A_1176] : memref<240x128xf32, #tpu.memory_space<vmem>> -> memref<5x128xf32, #tpu.memory_space<vmem>>
      %dma_start3A_1178 = arith.constant 0 : i32
      %dma_start3A_1179 = arith.constant 0 : i32
      %dma_start3A_1180 = tpu.memref_slice %arg4[%add3A_1173, %dma_start3A_1174, %dma_start3A_1178, %dma_start3A_1179] : memref<16384x6x5x128xf32, #tpu.memory_space<hbm>> -> memref<1x1x5x128xf32, #tpu.memory_space<hbm>>
      %dma_start3A_1181 = tpu.memref_squeeze %dma_start3A_1180 : memref<1x1x5x128xf32, #tpu.memory_space<hbm>> -> memref<5x128xf32, #tpu.memory_space<hbm>>
      %dma_start3A_1182 = arith.constant 0 : i32
      %dma_start3A_1183 = arith.constant 0 : i32
      %dma_start3A_1184 = tpu.memref_slice %arg4[%add3A_1173, %dma_start3A_1174, %dma_start3A_1182, %dma_start3A_1183] : memref<16384x6x5x128xf32, #tpu.memory_space<hbm>> -> memref<1x1x5x128xf32, #tpu.memory_space<hbm>>
      %dma_start3A_1185 = tpu.memref_squeeze %dma_start3A_1184 : memref<1x1x5x128xf32, #tpu.memory_space<hbm>> -> memref<5x128xf32, #tpu.memory_space<hbm>>
      %dma_start3A_1186 = arith.constant 25 : i32
      %dma_start3A_1187 = arith.constant 0 : i32
      %dma_start3A_1188 = tpu.memref_slice %arg8[%dma_start3A_1186, %dma_start3A_1187] : memref<240x128xf32, #tpu.memory_space<vmem>> -> memref<5x128xf32, #tpu.memory_space<vmem>>
      tpu.enqueue_dma source(%dma_start3A_1188 : memref<5x128xf32, #tpu.memory_space<vmem>>) target(%dma_start3A_1185 : memref<5x128xf32, #tpu.memory_space<hbm>>) target_semaphore(%arg14 : memref<!tpu.dma_semaphore, #tpu.memory_space<semaphore_mem>>)
      %mul3A_1189 = arith.constant 8 : i32
      %mul3A_1190 = arith.muli %add3A_1031, %mul3A_1189 : i32
      %add3A_1191 = arith.addi %mul3A_4, %mul3A_1190 : i32
      %add3A_1192 = arith.constant 1 : i32
      %add3A_1193 = arith.addi %add3A_1191, %add3A_1192 : i32
      %dma_start3A_1194 = arith.constant 0 : i32
      %dma_start3A_1195 = arith.constant 30 : i32
      %dma_start3A_1196 = arith.constant 0 : i32
      %dma_start3A_1197 = tpu.memref_slice %arg8[%dma_start3A_1195, %dma_start3A_1196] : memref<240x128xf32, #tpu.memory_space<vmem>> -> memref<5x128xf32, #tpu.memory_space<vmem>>
      %dma_start3A_1198 = arith.constant 0 : i32
      %dma_start3A_1199 = arith.constant 0 : i32
      %dma_start3A_1200 = tpu.memref_slice %arg4[%add3A_1193, %dma_start3A_1194, %dma_start3A_1198, %dma_start3A_1199] : memref<16384x6x5x128xf32, #tpu.memory_space<hbm>> -> memref<1x1x5x128xf32, #tpu.memory_space<hbm>>
      %dma_start3A_1201 = tpu.memref_squeeze %dma_start3A_1200 : memref<1x1x5x128xf32, #tpu.memory_space<hbm>> -> memref<5x128xf32, #tpu.memory_space<hbm>>
      %dma_start3A_1202 = arith.constant 0 : i32
      %dma_start3A_1203 = arith.constant 0 : i32
      %dma_start3A_1204 = tpu.memref_slice %arg4[%add3A_1193, %dma_start3A_1194, %dma_start3A_1202, %dma_start3A_1203] : memref<16384x6x5x128xf32, #tpu.memory_space<hbm>> -> memref<1x1x5x128xf32, #tpu.memory_space<hbm>>
      %dma_start3A_1205 = tpu.memref_squeeze %dma_start3A_1204 : memref<1x1x5x128xf32, #tpu.memory_space<hbm>> -> memref<5x128xf32, #tpu.memory_space<hbm>>
      %dma_start3A_1206 = arith.constant 30 : i32
      %dma_start3A_1207 = arith.constant 0 : i32
      %dma_start3A_1208 = tpu.memref_slice %arg8[%dma_start3A_1206, %dma_start3A_1207] : memref<240x128xf32, #tpu.memory_space<vmem>> -> memref<5x128xf32, #tpu.memory_space<vmem>>
      tpu.enqueue_dma source(%dma_start3A_1208 : memref<5x128xf32, #tpu.memory_space<vmem>>) target(%dma_start3A_1205 : memref<5x128xf32, #tpu.memory_space<hbm>>) target_semaphore(%arg14 : memref<!tpu.dma_semaphore, #tpu.memory_space<semaphore_mem>>)
      %mul3A_1209 = arith.constant 8 : i32
      %mul3A_1210 = arith.muli %add3A_1031, %mul3A_1209 : i32
      %add3A_1211 = arith.addi %mul3A_4, %mul3A_1210 : i32
      %add3A_1212 = arith.constant 1 : i32
      %add3A_1213 = arith.addi %add3A_1211, %add3A_1212 : i32
      %dma_start3A_1214 = arith.constant 1 : i32
      %dma_start3A_1215 = arith.constant 35 : i32
      %dma_start3A_1216 = arith.constant 0 : i32
      %dma_start3A_1217 = tpu.memref_slice %arg8[%dma_start3A_1215, %dma_start3A_1216] : memref<240x128xf32, #tpu.memory_space<vmem>> -> memref<5x128xf32, #tpu.memory_space<vmem>>
      %dma_start3A_1218 = arith.constant 0 : i32
      %dma_start3A_1219 = arith.constant 0 : i32
      %dma_start3A_1220 = tpu.memref_slice %arg4[%add3A_1213, %dma_start3A_1214, %dma_start3A_1218, %dma_start3A_1219] : memref<16384x6x5x128xf32, #tpu.memory_space<hbm>> -> memref<1x1x5x128xf32, #tpu.memory_space<hbm>>
      %dma_start3A_1221 = tpu.memref_squeeze %dma_start3A_1220 : memref<1x1x5x128xf32, #tpu.memory_space<hbm>> -> memref<5x128xf32, #tpu.memory_space<hbm>>
      %dma_start3A_1222 = arith.constant 0 : i32
      %dma_start3A_1223 = arith.constant 0 : i32
      %dma_start3A_1224 = tpu.memref_slice %arg4[%add3A_1213, %dma_start3A_1214, %dma_start3A_1222, %dma_start3A_1223] : memref<16384x6x5x128xf32, #tpu.memory_space<hbm>> -> memref<1x1x5x128xf32, #tpu.memory_space<hbm>>
      %dma_start3A_1225 = tpu.memref_squeeze %dma_start3A_1224 : memref<1x1x5x128xf32, #tpu.memory_space<hbm>> -> memref<5x128xf32, #tpu.memory_space<hbm>>
      %dma_start3A_1226 = arith.constant 35 : i32
      %dma_start3A_1227 = arith.constant 0 : i32
      %dma_start3A_1228 = tpu.memref_slice %arg8[%dma_start3A_1226, %dma_start3A_1227] : memref<240x128xf32, #tpu.memory_space<vmem>> -> memref<5x128xf32, #tpu.memory_space<vmem>>
      tpu.enqueue_dma source(%dma_start3A_1228 : memref<5x128xf32, #tpu.memory_space<vmem>>) target(%dma_start3A_1225 : memref<5x128xf32, #tpu.memory_space<hbm>>) target_semaphore(%arg14 : memref<!tpu.dma_semaphore, #tpu.memory_space<semaphore_mem>>)
      %mul3A_1229 = arith.constant 8 : i32
      %mul3A_1230 = arith.muli %add3A_1031, %mul3A_1229 : i32
      %add3A_1231 = arith.addi %mul3A_4, %mul3A_1230 : i32
      %add3A_1232 = arith.constant 1 : i32
      %add3A_1233 = arith.addi %add3A_1231, %add3A_1232 : i32
      %dma_start3A_1234 = arith.constant 2 : i32
      %dma_start3A_1235 = arith.constant 40 : i32
      %dma_start3A_1236 = arith.constant 0 : i32
      %dma_start3A_1237 = tpu.memref_slice %arg8[%dma_start3A_1235, %dma_start3A_1236] : memref<240x128xf32, #tpu.memory_space<vmem>> -> memref<5x128xf32, #tpu.memory_space<vmem>>
      %dma_start3A_1238 = arith.constant 0 : i32
      %dma_start3A_1239 = arith.constant 0 : i32
      %dma_start3A_1240 = tpu.memref_slice %arg4[%add3A_1233, %dma_start3A_1234, %dma_start3A_1238, %dma_start3A_1239] : memref<16384x6x5x128xf32, #tpu.memory_space<hbm>> -> memref<1x1x5x128xf32, #tpu.memory_space<hbm>>
      %dma_start3A_1241 = tpu.memref_squeeze %dma_start3A_1240 : memref<1x1x5x128xf32, #tpu.memory_space<hbm>> -> memref<5x128xf32, #tpu.memory_space<hbm>>
      %dma_start3A_1242 = arith.constant 0 : i32
      %dma_start3A_1243 = arith.constant 0 : i32
      %dma_start3A_1244 = tpu.memref_slice %arg4[%add3A_1233, %dma_start3A_1234, %dma_start3A_1242, %dma_start3A_1243] : memref<16384x6x5x128xf32, #tpu.memory_space<hbm>> -> memref<1x1x5x128xf32, #tpu.memory_space<hbm>>
      %dma_start3A_1245 = tpu.memref_squeeze %dma_start3A_1244 : memref<1x1x5x128xf32, #tpu.memory_space<hbm>> -> memref<5x128xf32, #tpu.memory_space<hbm>>
      %dma_start3A_1246 = arith.constant 40 : i32
      %dma_start3A_1247 = arith.constant 0 : i32
      %dma_start3A_1248 = tpu.memref_slice %arg8[%dma_start3A_1246, %dma_start3A_1247] : memref<240x128xf32, #tpu.memory_space<vmem>> -> memref<5x128xf32, #tpu.memory_space<vmem>>
      tpu.enqueue_dma source(%dma_start3A_1248 : memref<5x128xf32, #tpu.memory_space<vmem>>) target(%dma_start3A_1245 : memref<5x128xf32, #tpu.memory_space<hbm>>) target_semaphore(%arg14 : memref<!tpu.dma_semaphore, #tpu.memory_space<semaphore_mem>>)
      %mul3A_1249 = arith.constant 8 : i32
      %mul3A_1250 = arith.muli %add3A_1031, %mul3A_1249 : i32
      %add3A_1251 = arith.addi %mul3A_4, %mul3A_1250 : i32
      %add3A_1252 = arith.constant 1 : i32
      %add3A_1253 = arith.addi %add3A_1251, %add3A_1252 : i32
      %dma_start3A_1254 = arith.constant 3 : i32
      %dma_start3A_1255 = arith.constant 45 : i32
      %dma_start3A_1256 = arith.constant 0 : i32
      %dma_start3A_1257 = tpu.memref_slice %arg8[%dma_start3A_1255, %dma_start3A_1256] : memref<240x128xf32, #tpu.memory_space<vmem>> -> memref<5x128xf32, #tpu.memory_space<vmem>>
      %dma_start3A_1258 = arith.constant 0 : i32
      %dma_start3A_1259 = arith.constant 0 : i32
      %dma_start3A_1260 = tpu.memref_slice %arg4[%add3A_1253, %dma_start3A_1254, %dma_start3A_1258, %dma_start3A_1259] : memref<16384x6x5x128xf32, #tpu.memory_space<hbm>> -> memref<1x1x5x128xf32, #tpu.memory_space<hbm>>
      %dma_start3A_1261 = tpu.memref_squeeze %dma_start3A_1260 : memref<1x1x5x128xf32, #tpu.memory_space<hbm>> -> memref<5x128xf32, #tpu.memory_space<hbm>>
      %dma_start3A_1262 = arith.constant 0 : i32
      %dma_start3A_1263 = arith.constant 0 : i32
      %dma_start3A_1264 = tpu.memref_slice %arg4[%add3A_1253, %dma_start3A_1254, %dma_start3A_1262, %dma_start3A_1263] : memref<16384x6x5x128xf32, #tpu.memory_space<hbm>> -> memref<1x1x5x128xf32, #tpu.memory_space<hbm>>
      %dma_start3A_1265 = tpu.memref_squeeze %dma_start3A_1264 : memref<1x1x5x128xf32, #tpu.memory_space<hbm>> -> memref<5x128xf32, #tpu.memory_space<hbm>>
      %dma_start3A_1266 = arith.constant 45 : i32
      %dma_start3A_1267 = arith.constant 0 : i32
      %dma_start3A_1268 = tpu.memref_slice %arg8[%dma_start3A_1266, %dma_start3A_1267] : memref<240x128xf32, #tpu.memory_space<vmem>> -> memref<5x128xf32, #tpu.memory_space<vmem>>
      tpu.enqueue_dma source(%dma_start3A_1268 : memref<5x128xf32, #tpu.memory_space<vmem>>) target(%dma_start3A_1265 : memref<5x128xf32, #tpu.memory_space<hbm>>) target_semaphore(%arg14 : memref<!tpu.dma_semaphore, #tpu.memory_space<semaphore_mem>>)
      %mul3A_1269 = arith.constant 8 : i32
      %mul3A_1270 = arith.muli %add3A_1031, %mul3A_1269 : i32
      %add3A_1271 = arith.addi %mul3A_4, %mul3A_1270 : i32
      %add3A_1272 = arith.constant 1 : i32
      %add3A_1273 = arith.addi %add3A_1271, %add3A_1272 : i32
      %dma_start3A_1274 = arith.constant 4 : i32
      %dma_start3A_1275 = arith.constant 50 : i32
      %dma_start3A_1276 = arith.constant 0 : i32
      %dma_start3A_1277 = tpu.memref_slice %arg8[%dma_start3A_1275, %dma_start3A_1276] : memref<240x128xf32, #tpu.memory_space<vmem>> -> memref<5x128xf32, #tpu.memory_space<vmem>>
      %dma_start3A_1278 = arith.constant 0 : i32
      %dma_start3A_1279 = arith.constant 0 : i32
      %dma_start3A_1280 = tpu.memref_slice %arg4[%add3A_1273, %dma_start3A_1274, %dma_start3A_1278, %dma_start3A_1279] : memref<16384x6x5x128xf32, #tpu.memory_space<hbm>> -> memref<1x1x5x128xf32, #tpu.memory_space<hbm>>
      %dma_start3A_1281 = tpu.memref_squeeze %dma_start3A_1280 : memref<1x1x5x128xf32, #tpu.memory_space<hbm>> -> memref<5x128xf32, #tpu.memory_space<hbm>>
      %dma_start3A_1282 = arith.constant 0 : i32
      %dma_start3A_1283 = arith.constant 0 : i32
      %dma_start3A_1284 = tpu.memref_slice %arg4[%add3A_1273, %dma_start3A_1274, %dma_start3A_1282, %dma_start3A_1283] : memref<16384x6x5x128xf32, #tpu.memory_space<hbm>> -> memref<1x1x5x128xf32, #tpu.memory_space<hbm>>
      %dma_start3A_1285 = tpu.memref_squeeze %dma_start3A_1284 : memref<1x1x5x128xf32, #tpu.memory_space<hbm>> -> memref<5x128xf32, #tpu.memory_space<hbm>>
      %dma_start3A_1286 = arith.constant 50 : i32
      %dma_start3A_1287 = arith.constant 0 : i32
      %dma_start3A_1288 = tpu.memref_slice %arg8[%dma_start3A_1286, %dma_start3A_1287] : memref<240x128xf32, #tpu.memory_space<vmem>> -> memref<5x128xf32, #tpu.memory_space<vmem>>
      tpu.enqueue_dma source(%dma_start3A_1288 : memref<5x128xf32, #tpu.memory_space<vmem>>) target(%dma_start3A_1285 : memref<5x128xf32, #tpu.memory_space<hbm>>) target_semaphore(%arg14 : memref<!tpu.dma_semaphore, #tpu.memory_space<semaphore_mem>>)
      %mul3A_1289 = arith.constant 8 : i32
      %mul3A_1290 = arith.muli %add3A_1031, %mul3A_1289 : i32
      %add3A_1291 = arith.addi %mul3A_4, %mul3A_1290 : i32
      %add3A_1292 = arith.constant 1 : i32
      %add3A_1293 = arith.addi %add3A_1291, %add3A_1292 : i32
      %dma_start3A_1294 = arith.constant 5 : i32
      %dma_start3A_1295 = arith.constant 55 : i32
      %dma_start3A_1296 = arith.constant 0 : i32
      %dma_start3A_1297 = tpu.memref_slice %arg8[%dma_start3A_1295, %dma_start3A_1296] : memref<240x128xf32, #tpu.memory_space<vmem>> -> memref<5x128xf32, #tpu.memory_space<vmem>>
      %dma_start3A_1298 = arith.constant 0 : i32
      %dma_start3A_1299 = arith.constant 0 : i32
      %dma_start3A_1300 = tpu.memref_slice %arg4[%add3A_1293, %dma_start3A_1294, %dma_start3A_1298, %dma_start3A_1299] : memref<16384x6x5x128xf32, #tpu.memory_space<hbm>> -> memref<1x1x5x128xf32, #tpu.memory_space<hbm>>
      %dma_start3A_1301 = tpu.memref_squeeze %dma_start3A_1300 : memref<1x1x5x128xf32, #tpu.memory_space<hbm>> -> memref<5x128xf32, #tpu.memory_space<hbm>>
      %dma_start3A_1302 = arith.constant 0 : i32
      %dma_start3A_1303 = arith.constant 0 : i32
      %dma_start3A_1304 = tpu.memref_slice %arg4[%add3A_1293, %dma_start3A_1294, %dma_start3A_1302, %dma_start3A_1303] : memref<16384x6x5x128xf32, #tpu.memory_space<hbm>> -> memref<1x1x5x128xf32, #tpu.memory_space<hbm>>
      %dma_start3A_1305 = tpu.memref_squeeze %dma_start3A_1304 : memref<1x1x5x128xf32, #tpu.memory_space<hbm>> -> memref<5x128xf32, #tpu.memory_space<hbm>>
      %dma_start3A_1306 = arith.constant 55 : i32
      %dma_start3A_1307 = arith.constant 0 : i32
      %dma_start3A_1308 = tpu.memref_slice %arg8[%dma_start3A_1306, %dma_start3A_1307] : memref<240x128xf32, #tpu.memory_space<vmem>> -> memref<5x128xf32, #tpu.memory_space<vmem>>
      tpu.enqueue_dma source(%dma_start3A_1308 : memref<5x128xf32, #tpu.memory_space<vmem>>) target(%dma_start3A_1305 : memref<5x128xf32, #tpu.memory_space<hbm>>) target_semaphore(%arg14 : memref<!tpu.dma_semaphore, #tpu.memory_space<semaphore_mem>>)
      %mul3A_1309 = arith.constant 8 : i32
      %mul3A_1310 = arith.muli %add3A_1031, %mul3A_1309 : i32
      %add3A_1311 = arith.addi %mul3A_4, %mul3A_1310 : i32
      %add3A_1312 = arith.constant 2 : i32
      %add3A_1313 = arith.addi %add3A_1311, %add3A_1312 : i32
      %dma_start3A_1314 = arith.constant 0 : i32
      %dma_start3A_1315 = arith.constant 60 : i32
      %dma_start3A_1316 = arith.constant 0 : i32
      %dma_start3A_1317 = tpu.memref_slice %arg8[%dma_start3A_1315, %dma_start3A_1316] : memref<240x128xf32, #tpu.memory_space<vmem>> -> memref<5x128xf32, #tpu.memory_space<vmem>>
      %dma_start3A_1318 = arith.constant 0 : i32
      %dma_start3A_1319 = arith.constant 0 : i32
      %dma_start3A_1320 = tpu.memref_slice %arg4[%add3A_1313, %dma_start3A_1314, %dma_start3A_1318, %dma_start3A_1319] : memref<16384x6x5x128xf32, #tpu.memory_space<hbm>> -> memref<1x1x5x128xf32, #tpu.memory_space<hbm>>
      %dma_start3A_1321 = tpu.memref_squeeze %dma_start3A_1320 : memref<1x1x5x128xf32, #tpu.memory_space<hbm>> -> memref<5x128xf32, #tpu.memory_space<hbm>>
      %dma_start3A_1322 = arith.constant 0 : i32
      %dma_start3A_1323 = arith.constant 0 : i32
      %dma_start3A_1324 = tpu.memref_slice %arg4[%add3A_1313, %dma_start3A_1314, %dma_start3A_1322, %dma_start3A_1323] : memref<16384x6x5x128xf32, #tpu.memory_space<hbm>> -> memref<1x1x5x128xf32, #tpu.memory_space<hbm>>
      %dma_start3A_1325 = tpu.memref_squeeze %dma_start3A_1324 : memref<1x1x5x128xf32, #tpu.memory_space<hbm>> -> memref<5x128xf32, #tpu.memory_space<hbm>>
      %dma_start3A_1326 = arith.constant 60 : i32
      %dma_start3A_1327 = arith.constant 0 : i32
      %dma_start3A_1328 = tpu.memref_slice %arg8[%dma_start3A_1326, %dma_start3A_1327] : memref<240x128xf32, #tpu.memory_space<vmem>> -> memref<5x128xf32, #tpu.memory_space<vmem>>
      tpu.enqueue_dma source(%dma_start3A_1328 : memref<5x128xf32, #tpu.memory_space<vmem>>) target(%dma_start3A_1325 : memref<5x128xf32, #tpu.memory_space<hbm>>) target_semaphore(%arg14 : memref<!tpu.dma_semaphore, #tpu.memory_space<semaphore_mem>>)
      %mul3A_1329 = arith.constant 8 : i32
      %mul3A_1330 = arith.muli %add3A_1031, %mul3A_1329 : i32
      %add3A_1331 = arith.addi %mul3A_4, %mul3A_1330 : i32
      %add3A_1332 = arith.constant 2 : i32
      %add3A_1333 = arith.addi %add3A_1331, %add3A_1332 : i32
      %dma_start3A_1334 = arith.constant 1 : i32
      %dma_start3A_1335 = arith.constant 65 : i32
      %dma_start3A_1336 = arith.constant 0 : i32
      %dma_start3A_1337 = tpu.memref_slice %arg8[%dma_start3A_1335, %dma_start3A_1336] : memref<240x128xf32, #tpu.memory_space<vmem>> -> memref<5x128xf32, #tpu.memory_space<vmem>>
      %dma_start3A_1338 = arith.constant 0 : i32
      %dma_start3A_1339 = arith.constant 0 : i32
      %dma_start3A_1340 = tpu.memref_slice %arg4[%add3A_1333, %dma_start3A_1334, %dma_start3A_1338, %dma_start3A_1339] : memref<16384x6x5x128xf32, #tpu.memory_space<hbm>> -> memref<1x1x5x128xf32, #tpu.memory_space<hbm>>
      %dma_start3A_1341 = tpu.memref_squeeze %dma_start3A_1340 : memref<1x1x5x128xf32, #tpu.memory_space<hbm>> -> memref<5x128xf32, #tpu.memory_space<hbm>>
      %dma_start3A_1342 = arith.constant 0 : i32
      %dma_start3A_1343 = arith.constant 0 : i32
      %dma_start3A_1344 = tpu.memref_slice %arg4[%add3A_1333, %dma_start3A_1334, %dma_start3A_1342, %dma_start3A_1343] : memref<16384x6x5x128xf32, #tpu.memory_space<hbm>> -> memref<1x1x5x128xf32, #tpu.memory_space<hbm>>
      %dma_start3A_1345 = tpu.memref_squeeze %dma_start3A_1344 : memref<1x1x5x128xf32, #tpu.memory_space<hbm>> -> memref<5x128xf32, #tpu.memory_space<hbm>>
      %dma_start3A_1346 = arith.constant 65 : i32
      %dma_start3A_1347 = arith.constant 0 : i32
      %dma_start3A_1348 = tpu.memref_slice %arg8[%dma_start3A_1346, %dma_start3A_1347] : memref<240x128xf32, #tpu.memory_space<vmem>> -> memref<5x128xf32, #tpu.memory_space<vmem>>
      tpu.enqueue_dma source(%dma_start3A_1348 : memref<5x128xf32, #tpu.memory_space<vmem>>) target(%dma_start3A_1345 : memref<5x128xf32, #tpu.memory_space<hbm>>) target_semaphore(%arg14 : memref<!tpu.dma_semaphore, #tpu.memory_space<semaphore_mem>>)
      %mul3A_1349 = arith.constant 8 : i32
      %mul3A_1350 = arith.muli %add3A_1031, %mul3A_1349 : i32
      %add3A_1351 = arith.addi %mul3A_4, %mul3A_1350 : i32
      %add3A_1352 = arith.constant 2 : i32
      %add3A_1353 = arith.addi %add3A_1351, %add3A_1352 : i32
      %dma_start3A_1354 = arith.constant 2 : i32
      %dma_start3A_1355 = arith.constant 70 : i32
      %dma_start3A_1356 = arith.constant 0 : i32
      %dma_start3A_1357 = tpu.memref_slice %arg8[%dma_start3A_1355, %dma_start3A_1356] : memref<240x128xf32, #tpu.memory_space<vmem>> -> memref<5x128xf32, #tpu.memory_space<vmem>>
      %dma_start3A_1358 = arith.constant 0 : i32
      %dma_start3A_1359 = arith.constant 0 : i32
      %dma_start3A_1360 = tpu.memref_slice %arg4[%add3A_1353, %dma_start3A_1354, %dma_start3A_1358, %dma_start3A_1359] : memref<16384x6x5x128xf32, #tpu.memory_space<hbm>> -> memref<1x1x5x128xf32, #tpu.memory_space<hbm>>
      %dma_start3A_1361 = tpu.memref_squeeze %dma_start3A_1360 : memref<1x1x5x128xf32, #tpu.memory_space<hbm>> -> memref<5x128xf32, #tpu.memory_space<hbm>>
      %dma_start3A_1362 = arith.constant 0 : i32
      %dma_start3A_1363 = arith.constant 0 : i32
      %dma_start3A_1364 = tpu.memref_slice %arg4[%add3A_1353, %dma_start3A_1354, %dma_start3A_1362, %dma_start3A_1363] : memref<16384x6x5x128xf32, #tpu.memory_space<hbm>> -> memref<1x1x5x128xf32, #tpu.memory_space<hbm>>
      %dma_start3A_1365 = tpu.memref_squeeze %dma_start3A_1364 : memref<1x1x5x128xf32, #tpu.memory_space<hbm>> -> memref<5x128xf32, #tpu.memory_space<hbm>>
      %dma_start3A_1366 = arith.constant 70 : i32
      %dma_start3A_1367 = arith.constant 0 : i32
      %dma_start3A_1368 = tpu.memref_slice %arg8[%dma_start3A_1366, %dma_start3A_1367] : memref<240x128xf32, #tpu.memory_space<vmem>> -> memref<5x128xf32, #tpu.memory_space<vmem>>
      tpu.enqueue_dma source(%dma_start3A_1368 : memref<5x128xf32, #tpu.memory_space<vmem>>) target(%dma_start3A_1365 : memref<5x128xf32, #tpu.memory_space<hbm>>) target_semaphore(%arg14 : memref<!tpu.dma_semaphore, #tpu.memory_space<semaphore_mem>>)
      %mul3A_1369 = arith.constant 8 : i32
      %mul3A_1370 = arith.muli %add3A_1031, %mul3A_1369 : i32
      %add3A_1371 = arith.addi %mul3A_4, %mul3A_1370 : i32
      %add3A_1372 = arith.constant 2 : i32
      %add3A_1373 = arith.addi %add3A_1371, %add3A_1372 : i32
      %dma_start3A_1374 = arith.constant 3 : i32
      %dma_start3A_1375 = arith.constant 75 : i32
      %dma_start3A_1376 = arith.constant 0 : i32
      %dma_start3A_1377 = tpu.memref_slice %arg8[%dma_start3A_1375, %dma_start3A_1376] : memref<240x128xf32, #tpu.memory_space<vmem>> -> memref<5x128xf32, #tpu.memory_space<vmem>>
      %dma_start3A_1378 = arith.constant 0 : i32
      %dma_start3A_1379 = arith.constant 0 : i32
      %dma_start3A_1380 = tpu.memref_slice %arg4[%add3A_1373, %dma_start3A_1374, %dma_start3A_1378, %dma_start3A_1379] : memref<16384x6x5x128xf32, #tpu.memory_space<hbm>> -> memref<1x1x5x128xf32, #tpu.memory_space<hbm>>
      %dma_start3A_1381 = tpu.memref_squeeze %dma_start3A_1380 : memref<1x1x5x128xf32, #tpu.memory_space<hbm>> -> memref<5x128xf32, #tpu.memory_space<hbm>>
      %dma_start3A_1382 = arith.constant 0 : i32
      %dma_start3A_1383 = arith.constant 0 : i32
      %dma_start3A_1384 = tpu.memref_slice %arg4[%add3A_1373, %dma_start3A_1374, %dma_start3A_1382, %dma_start3A_1383] : memref<16384x6x5x128xf32, #tpu.memory_space<hbm>> -> memref<1x1x5x128xf32, #tpu.memory_space<hbm>>
      %dma_start3A_1385 = tpu.memref_squeeze %dma_start3A_1384 : memref<1x1x5x128xf32, #tpu.memory_space<hbm>> -> memref<5x128xf32, #tpu.memory_space<hbm>>
      %dma_start3A_1386 = arith.constant 75 : i32
      %dma_start3A_1387 = arith.constant 0 : i32
      %dma_start3A_1388 = tpu.memref_slice %arg8[%dma_start3A_1386, %dma_start3A_1387] : memref<240x128xf32, #tpu.memory_space<vmem>> -> memref<5x128xf32, #tpu.memory_space<vmem>>
      tpu.enqueue_dma source(%dma_start3A_1388 : memref<5x128xf32, #tpu.memory_space<vmem>>) target(%dma_start3A_1385 : memref<5x128xf32, #tpu.memory_space<hbm>>) target_semaphore(%arg14 : memref<!tpu.dma_semaphore, #tpu.memory_space<semaphore_mem>>)
      %mul3A_1389 = arith.constant 8 : i32
      %mul3A_1390 = arith.muli %add3A_1031, %mul3A_1389 : i32
      %add3A_1391 = arith.addi %mul3A_4, %mul3A_1390 : i32
      %add3A_1392 = arith.constant 2 : i32
      %add3A_1393 = arith.addi %add3A_1391, %add3A_1392 : i32
      %dma_start3A_1394 = arith.constant 4 : i32
      %dma_start3A_1395 = arith.constant 80 : i32
      %dma_start3A_1396 = arith.constant 0 : i32
      %dma_start3A_1397 = tpu.memref_slice %arg8[%dma_start3A_1395, %dma_start3A_1396] : memref<240x128xf32, #tpu.memory_space<vmem>> -> memref<5x128xf32, #tpu.memory_space<vmem>>
      %dma_start3A_1398 = arith.constant 0 : i32
      %dma_start3A_1399 = arith.constant 0 : i32
      %dma_start3A_1400 = tpu.memref_slice %arg4[%add3A_1393, %dma_start3A_1394, %dma_start3A_1398, %dma_start3A_1399] : memref<16384x6x5x128xf32, #tpu.memory_space<hbm>> -> memref<1x1x5x128xf32, #tpu.memory_space<hbm>>
      %dma_start3A_1401 = tpu.memref_squeeze %dma_start3A_1400 : memref<1x1x5x128xf32, #tpu.memory_space<hbm>> -> memref<5x128xf32, #tpu.memory_space<hbm>>
      %dma_start3A_1402 = arith.constant 0 : i32
      %dma_start3A_1403 = arith.constant 0 : i32
      %dma_start3A_1404 = tpu.memref_slice %arg4[%add3A_1393, %dma_start3A_1394, %dma_start3A_1402, %dma_start3A_1403] : memref<16384x6x5x128xf32, #tpu.memory_space<hbm>> -> memref<1x1x5x128xf32, #tpu.memory_space<hbm>>
      %dma_start3A_1405 = tpu.memref_squeeze %dma_start3A_1404 : memref<1x1x5x128xf32, #tpu.memory_space<hbm>> -> memref<5x128xf32, #tpu.memory_space<hbm>>
      %dma_start3A_1406 = arith.constant 80 : i32
      %dma_start3A_1407 = arith.constant 0 : i32
      %dma_start3A_1408 = tpu.memref_slice %arg8[%dma_start3A_1406, %dma_start3A_1407] : memref<240x128xf32, #tpu.memory_space<vmem>> -> memref<5x128xf32, #tpu.memory_space<vmem>>
      tpu.enqueue_dma source(%dma_start3A_1408 : memref<5x128xf32, #tpu.memory_space<vmem>>) target(%dma_start3A_1405 : memref<5x128xf32, #tpu.memory_space<hbm>>) target_semaphore(%arg14 : memref<!tpu.dma_semaphore, #tpu.memory_space<semaphore_mem>>)
      %mul3A_1409 = arith.constant 8 : i32
      %mul3A_1410 = arith.muli %add3A_1031, %mul3A_1409 : i32
      %add3A_1411 = arith.addi %mul3A_4, %mul3A_1410 : i32
      %add3A_1412 = arith.constant 2 : i32
      %add3A_1413 = arith.addi %add3A_1411, %add3A_1412 : i32
      %dma_start3A_1414 = arith.constant 5 : i32
      %dma_start3A_1415 = arith.constant 85 : i32
      %dma_start3A_1416 = arith.constant 0 : i32
      %dma_start3A_1417 = tpu.memref_slice %arg8[%dma_start3A_1415, %dma_start3A_1416] : memref<240x128xf32, #tpu.memory_space<vmem>> -> memref<5x128xf32, #tpu.memory_space<vmem>>
      %dma_start3A_1418 = arith.constant 0 : i32
      %dma_start3A_1419 = arith.constant 0 : i32
      %dma_start3A_1420 = tpu.memref_slice %arg4[%add3A_1413, %dma_start3A_1414, %dma_start3A_1418, %dma_start3A_1419] : memref<16384x6x5x128xf32, #tpu.memory_space<hbm>> -> memref<1x1x5x128xf32, #tpu.memory_space<hbm>>
      %dma_start3A_1421 = tpu.memref_squeeze %dma_start3A_1420 : memref<1x1x5x128xf32, #tpu.memory_space<hbm>> -> memref<5x128xf32, #tpu.memory_space<hbm>>
      %dma_start3A_1422 = arith.constant 0 : i32
      %dma_start3A_1423 = arith.constant 0 : i32
      %dma_start3A_1424 = tpu.memref_slice %arg4[%add3A_1413, %dma_start3A_1414, %dma_start3A_1422, %dma_start3A_1423] : memref<16384x6x5x128xf32, #tpu.memory_space<hbm>> -> memref<1x1x5x128xf32, #tpu.memory_space<hbm>>
      %dma_start3A_1425 = tpu.memref_squeeze %dma_start3A_1424 : memref<1x1x5x128xf32, #tpu.memory_space<hbm>> -> memref<5x128xf32, #tpu.memory_space<hbm>>
      %dma_start3A_1426 = arith.constant 85 : i32
      %dma_start3A_1427 = arith.constant 0 : i32
      %dma_start3A_1428 = tpu.memref_slice %arg8[%dma_start3A_1426, %dma_start3A_1427] : memref<240x128xf32, #tpu.memory_space<vmem>> -> memref<5x128xf32, #tpu.memory_space<vmem>>
      tpu.enqueue_dma source(%dma_start3A_1428 : memref<5x128xf32, #tpu.memory_space<vmem>>) target(%dma_start3A_1425 : memref<5x128xf32, #tpu.memory_space<hbm>>) target_semaphore(%arg14 : memref<!tpu.dma_semaphore, #tpu.memory_space<semaphore_mem>>)
      %mul3A_1429 = arith.constant 8 : i32
      %mul3A_1430 = arith.muli %add3A_1031, %mul3A_1429 : i32
      %add3A_1431 = arith.addi %mul3A_4, %mul3A_1430 : i32
      %add3A_1432 = arith.constant 3 : i32
      %add3A_1433 = arith.addi %add3A_1431, %add3A_1432 : i32
      %dma_start3A_1434 = arith.constant 0 : i32
      %dma_start3A_1435 = arith.constant 90 : i32
      %dma_start3A_1436 = arith.constant 0 : i32
      %dma_start3A_1437 = tpu.memref_slice %arg8[%dma_start3A_1435, %dma_start3A_1436] : memref<240x128xf32, #tpu.memory_space<vmem>> -> memref<5x128xf32, #tpu.memory_space<vmem>>
      %dma_start3A_1438 = arith.constant 0 : i32
      %dma_start3A_1439 = arith.constant 0 : i32
      %dma_start3A_1440 = tpu.memref_slice %arg4[%add3A_1433, %dma_start3A_1434, %dma_start3A_1438, %dma_start3A_1439] : memref<16384x6x5x128xf32, #tpu.memory_space<hbm>> -> memref<1x1x5x128xf32, #tpu.memory_space<hbm>>
      %dma_start3A_1441 = tpu.memref_squeeze %dma_start3A_1440 : memref<1x1x5x128xf32, #tpu.memory_space<hbm>> -> memref<5x128xf32, #tpu.memory_space<hbm>>
      %dma_start3A_1442 = arith.constant 0 : i32
      %dma_start3A_1443 = arith.constant 0 : i32
      %dma_start3A_1444 = tpu.memref_slice %arg4[%add3A_1433, %dma_start3A_1434, %dma_start3A_1442, %dma_start3A_1443] : memref<16384x6x5x128xf32, #tpu.memory_space<hbm>> -> memref<1x1x5x128xf32, #tpu.memory_space<hbm>>
      %dma_start3A_1445 = tpu.memref_squeeze %dma_start3A_1444 : memref<1x1x5x128xf32, #tpu.memory_space<hbm>> -> memref<5x128xf32, #tpu.memory_space<hbm>>
      %dma_start3A_1446 = arith.constant 90 : i32
      %dma_start3A_1447 = arith.constant 0 : i32
      %dma_start3A_1448 = tpu.memref_slice %arg8[%dma_start3A_1446, %dma_start3A_1447] : memref<240x128xf32, #tpu.memory_space<vmem>> -> memref<5x128xf32, #tpu.memory_space<vmem>>
      tpu.enqueue_dma source(%dma_start3A_1448 : memref<5x128xf32, #tpu.memory_space<vmem>>) target(%dma_start3A_1445 : memref<5x128xf32, #tpu.memory_space<hbm>>) target_semaphore(%arg14 : memref<!tpu.dma_semaphore, #tpu.memory_space<semaphore_mem>>)
      %mul3A_1449 = arith.constant 8 : i32
      %mul3A_1450 = arith.muli %add3A_1031, %mul3A_1449 : i32
      %add3A_1451 = arith.addi %mul3A_4, %mul3A_1450 : i32
      %add3A_1452 = arith.constant 3 : i32
      %add3A_1453 = arith.addi %add3A_1451, %add3A_1452 : i32
      %dma_start3A_1454 = arith.constant 1 : i32
      %dma_start3A_1455 = arith.constant 95 : i32
      %dma_start3A_1456 = arith.constant 0 : i32
      %dma_start3A_1457 = tpu.memref_slice %arg8[%dma_start3A_1455, %dma_start3A_1456] : memref<240x128xf32, #tpu.memory_space<vmem>> -> memref<5x128xf32, #tpu.memory_space<vmem>>
      %dma_start3A_1458 = arith.constant 0 : i32
      %dma_start3A_1459 = arith.constant 0 : i32
      %dma_start3A_1460 = tpu.memref_slice %arg4[%add3A_1453, %dma_start3A_1454, %dma_start3A_1458, %dma_start3A_1459] : memref<16384x6x5x128xf32, #tpu.memory_space<hbm>> -> memref<1x1x5x128xf32, #tpu.memory_space<hbm>>
      %dma_start3A_1461 = tpu.memref_squeeze %dma_start3A_1460 : memref<1x1x5x128xf32, #tpu.memory_space<hbm>> -> memref<5x128xf32, #tpu.memory_space<hbm>>
      %dma_start3A_1462 = arith.constant 0 : i32
      %dma_start3A_1463 = arith.constant 0 : i32
      %dma_start3A_1464 = tpu.memref_slice %arg4[%add3A_1453, %dma_start3A_1454, %dma_start3A_1462, %dma_start3A_1463] : memref<16384x6x5x128xf32, #tpu.memory_space<hbm>> -> memref<1x1x5x128xf32, #tpu.memory_space<hbm>>
      %dma_start3A_1465 = tpu.memref_squeeze %dma_start3A_1464 : memref<1x1x5x128xf32, #tpu.memory_space<hbm>> -> memref<5x128xf32, #tpu.memory_space<hbm>>
      %dma_start3A_1466 = arith.constant 95 : i32
      %dma_start3A_1467 = arith.constant 0 : i32
      %dma_start3A_1468 = tpu.memref_slice %arg8[%dma_start3A_1466, %dma_start3A_1467] : memref<240x128xf32, #tpu.memory_space<vmem>> -> memref<5x128xf32, #tpu.memory_space<vmem>>
      tpu.enqueue_dma source(%dma_start3A_1468 : memref<5x128xf32, #tpu.memory_space<vmem>>) target(%dma_start3A_1465 : memref<5x128xf32, #tpu.memory_space<hbm>>) target_semaphore(%arg14 : memref<!tpu.dma_semaphore, #tpu.memory_space<semaphore_mem>>)
      %mul3A_1469 = arith.constant 8 : i32
      %mul3A_1470 = arith.muli %add3A_1031, %mul3A_1469 : i32
      %add3A_1471 = arith.addi %mul3A_4, %mul3A_1470 : i32
      %add3A_1472 = arith.constant 3 : i32
      %add3A_1473 = arith.addi %add3A_1471, %add3A_1472 : i32
      %dma_start3A_1474 = arith.constant 2 : i32
      %dma_start3A_1475 = arith.constant 100 : i32
      %dma_start3A_1476 = arith.constant 0 : i32
      %dma_start3A_1477 = tpu.memref_slice %arg8[%dma_start3A_1475, %dma_start3A_1476] : memref<240x128xf32, #tpu.memory_space<vmem>> -> memref<5x128xf32, #tpu.memory_space<vmem>>
      %dma_start3A_1478 = arith.constant 0 : i32
      %dma_start3A_1479 = arith.constant 0 : i32
      %dma_start3A_1480 = tpu.memref_slice %arg4[%add3A_1473, %dma_start3A_1474, %dma_start3A_1478, %dma_start3A_1479] : memref<16384x6x5x128xf32, #tpu.memory_space<hbm>> -> memref<1x1x5x128xf32, #tpu.memory_space<hbm>>
      %dma_start3A_1481 = tpu.memref_squeeze %dma_start3A_1480 : memref<1x1x5x128xf32, #tpu.memory_space<hbm>> -> memref<5x128xf32, #tpu.memory_space<hbm>>
      %dma_start3A_1482 = arith.constant 0 : i32
      %dma_start3A_1483 = arith.constant 0 : i32
      %dma_start3A_1484 = tpu.memref_slice %arg4[%add3A_1473, %dma_start3A_1474, %dma_start3A_1482, %dma_start3A_1483] : memref<16384x6x5x128xf32, #tpu.memory_space<hbm>> -> memref<1x1x5x128xf32, #tpu.memory_space<hbm>>
      %dma_start3A_1485 = tpu.memref_squeeze %dma_start3A_1484 : memref<1x1x5x128xf32, #tpu.memory_space<hbm>> -> memref<5x128xf32, #tpu.memory_space<hbm>>
      %dma_start3A_1486 = arith.constant 100 : i32
      %dma_start3A_1487 = arith.constant 0 : i32
      %dma_start3A_1488 = tpu.memref_slice %arg8[%dma_start3A_1486, %dma_start3A_1487] : memref<240x128xf32, #tpu.memory_space<vmem>> -> memref<5x128xf32, #tpu.memory_space<vmem>>
      tpu.enqueue_dma source(%dma_start3A_1488 : memref<5x128xf32, #tpu.memory_space<vmem>>) target(%dma_start3A_1485 : memref<5x128xf32, #tpu.memory_space<hbm>>) target_semaphore(%arg14 : memref<!tpu.dma_semaphore, #tpu.memory_space<semaphore_mem>>)
      %mul3A_1489 = arith.constant 8 : i32
      %mul3A_1490 = arith.muli %add3A_1031, %mul3A_1489 : i32
      %add3A_1491 = arith.addi %mul3A_4, %mul3A_1490 : i32
      %add3A_1492 = arith.constant 3 : i32
      %add3A_1493 = arith.addi %add3A_1491, %add3A_1492 : i32
      %dma_start3A_1494 = arith.constant 3 : i32
      %dma_start3A_1495 = arith.constant 105 : i32
      %dma_start3A_1496 = arith.constant 0 : i32
      %dma_start3A_1497 = tpu.memref_slice %arg8[%dma_start3A_1495, %dma_start3A_1496] : memref<240x128xf32, #tpu.memory_space<vmem>> -> memref<5x128xf32, #tpu.memory_space<vmem>>
      %dma_start3A_1498 = arith.constant 0 : i32
      %dma_start3A_1499 = arith.constant 0 : i32
      %dma_start3A_1500 = tpu.memref_slice %arg4[%add3A_1493, %dma_start3A_1494, %dma_start3A_1498, %dma_start3A_1499] : memref<16384x6x5x128xf32, #tpu.memory_space<hbm>> -> memref<1x1x5x128xf32, #tpu.memory_space<hbm>>
      %dma_start3A_1501 = tpu.memref_squeeze %dma_start3A_1500 : memref<1x1x5x128xf32, #tpu.memory_space<hbm>> -> memref<5x128xf32, #tpu.memory_space<hbm>>
      %dma_start3A_1502 = arith.constant 0 : i32
      %dma_start3A_1503 = arith.constant 0 : i32
      %dma_start3A_1504 = tpu.memref_slice %arg4[%add3A_1493, %dma_start3A_1494, %dma_start3A_1502, %dma_start3A_1503] : memref<16384x6x5x128xf32, #tpu.memory_space<hbm>> -> memref<1x1x5x128xf32, #tpu.memory_space<hbm>>
      %dma_start3A_1505 = tpu.memref_squeeze %dma_start3A_1504 : memref<1x1x5x128xf32, #tpu.memory_space<hbm>> -> memref<5x128xf32, #tpu.memory_space<hbm>>
      %dma_start3A_1506 = arith.constant 105 : i32
      %dma_start3A_1507 = arith.constant 0 : i32
      %dma_start3A_1508 = tpu.memref_slice %arg8[%dma_start3A_1506, %dma_start3A_1507] : memref<240x128xf32, #tpu.memory_space<vmem>> -> memref<5x128xf32, #tpu.memory_space<vmem>>
      tpu.enqueue_dma source(%dma_start3A_1508 : memref<5x128xf32, #tpu.memory_space<vmem>>) target(%dma_start3A_1505 : memref<5x128xf32, #tpu.memory_space<hbm>>) target_semaphore(%arg14 : memref<!tpu.dma_semaphore, #tpu.memory_space<semaphore_mem>>)
      %mul3A_1509 = arith.constant 8 : i32
      %mul3A_1510 = arith.muli %add3A_1031, %mul3A_1509 : i32
      %add3A_1511 = arith.addi %mul3A_4, %mul3A_1510 : i32
      %add3A_1512 = arith.constant 3 : i32
      %add3A_1513 = arith.addi %add3A_1511, %add3A_1512 : i32
      %dma_start3A_1514 = arith.constant 4 : i32
      %dma_start3A_1515 = arith.constant 110 : i32
      %dma_start3A_1516 = arith.constant 0 : i32
      %dma_start3A_1517 = tpu.memref_slice %arg8[%dma_start3A_1515, %dma_start3A_1516] : memref<240x128xf32, #tpu.memory_space<vmem>> -> memref<5x128xf32, #tpu.memory_space<vmem>>
      %dma_start3A_1518 = arith.constant 0 : i32
      %dma_start3A_1519 = arith.constant 0 : i32
      %dma_start3A_1520 = tpu.memref_slice %arg4[%add3A_1513, %dma_start3A_1514, %dma_start3A_1518, %dma_start3A_1519] : memref<16384x6x5x128xf32, #tpu.memory_space<hbm>> -> memref<1x1x5x128xf32, #tpu.memory_space<hbm>>
      %dma_start3A_1521 = tpu.memref_squeeze %dma_start3A_1520 : memref<1x1x5x128xf32, #tpu.memory_space<hbm>> -> memref<5x128xf32, #tpu.memory_space<hbm>>
      %dma_start3A_1522 = arith.constant 0 : i32
      %dma_start3A_1523 = arith.constant 0 : i32
      %dma_start3A_1524 = tpu.memref_slice %arg4[%add3A_1513, %dma_start3A_1514, %dma_start3A_1522, %dma_start3A_1523] : memref<16384x6x5x128xf32, #tpu.memory_space<hbm>> -> memref<1x1x5x128xf32, #tpu.memory_space<hbm>>
      %dma_start3A_1525 = tpu.memref_squeeze %dma_start3A_1524 : memref<1x1x5x128xf32, #tpu.memory_space<hbm>> -> memref<5x128xf32, #tpu.memory_space<hbm>>
      %dma_start3A_1526 = arith.constant 110 : i32
      %dma_start3A_1527 = arith.constant 0 : i32
      %dma_start3A_1528 = tpu.memref_slice %arg8[%dma_start3A_1526, %dma_start3A_1527] : memref<240x128xf32, #tpu.memory_space<vmem>> -> memref<5x128xf32, #tpu.memory_space<vmem>>
      tpu.enqueue_dma source(%dma_start3A_1528 : memref<5x128xf32, #tpu.memory_space<vmem>>) target(%dma_start3A_1525 : memref<5x128xf32, #tpu.memory_space<hbm>>) target_semaphore(%arg14 : memref<!tpu.dma_semaphore, #tpu.memory_space<semaphore_mem>>)
      %mul3A_1529 = arith.constant 8 : i32
      %mul3A_1530 = arith.muli %add3A_1031, %mul3A_1529 : i32
      %add3A_1531 = arith.addi %mul3A_4, %mul3A_1530 : i32
      %add3A_1532 = arith.constant 3 : i32
      %add3A_1533 = arith.addi %add3A_1531, %add3A_1532 : i32
      %dma_start3A_1534 = arith.constant 5 : i32
      %dma_start3A_1535 = arith.constant 115 : i32
      %dma_start3A_1536 = arith.constant 0 : i32
      %dma_start3A_1537 = tpu.memref_slice %arg8[%dma_start3A_1535, %dma_start3A_1536] : memref<240x128xf32, #tpu.memory_space<vmem>> -> memref<5x128xf32, #tpu.memory_space<vmem>>
      %dma_start3A_1538 = arith.constant 0 : i32
      %dma_start3A_1539 = arith.constant 0 : i32
      %dma_start3A_1540 = tpu.memref_slice %arg4[%add3A_1533, %dma_start3A_1534, %dma_start3A_1538, %dma_start3A_1539] : memref<16384x6x5x128xf32, #tpu.memory_space<hbm>> -> memref<1x1x5x128xf32, #tpu.memory_space<hbm>>
      %dma_start3A_1541 = tpu.memref_squeeze %dma_start3A_1540 : memref<1x1x5x128xf32, #tpu.memory_space<hbm>> -> memref<5x128xf32, #tpu.memory_space<hbm>>
      %dma_start3A_1542 = arith.constant 0 : i32
      %dma_start3A_1543 = arith.constant 0 : i32
      %dma_start3A_1544 = tpu.memref_slice %arg4[%add3A_1533, %dma_start3A_1534, %dma_start3A_1542, %dma_start3A_1543] : memref<16384x6x5x128xf32, #tpu.memory_space<hbm>> -> memref<1x1x5x128xf32, #tpu.memory_space<hbm>>
      %dma_start3A_1545 = tpu.memref_squeeze %dma_start3A_1544 : memref<1x1x5x128xf32, #tpu.memory_space<hbm>> -> memref<5x128xf32, #tpu.memory_space<hbm>>
      %dma_start3A_1546 = arith.constant 115 : i32
      %dma_start3A_1547 = arith.constant 0 : i32
      %dma_start3A_1548 = tpu.memref_slice %arg8[%dma_start3A_1546, %dma_start3A_1547] : memref<240x128xf32, #tpu.memory_space<vmem>> -> memref<5x128xf32, #tpu.memory_space<vmem>>
      tpu.enqueue_dma source(%dma_start3A_1548 : memref<5x128xf32, #tpu.memory_space<vmem>>) target(%dma_start3A_1545 : memref<5x128xf32, #tpu.memory_space<hbm>>) target_semaphore(%arg14 : memref<!tpu.dma_semaphore, #tpu.memory_space<semaphore_mem>>)
      %mul3A_1549 = arith.constant 8 : i32
      %mul3A_1550 = arith.muli %add3A_1031, %mul3A_1549 : i32
      %add3A_1551 = arith.addi %mul3A_4, %mul3A_1550 : i32
      %add3A_1552 = arith.constant 4 : i32
      %add3A_1553 = arith.addi %add3A_1551, %add3A_1552 : i32
      %dma_start3A_1554 = arith.constant 0 : i32
      %dma_start3A_1555 = arith.constant 120 : i32
      %dma_start3A_1556 = arith.constant 0 : i32
      %dma_start3A_1557 = tpu.memref_slice %arg8[%dma_start3A_1555, %dma_start3A_1556] : memref<240x128xf32, #tpu.memory_space<vmem>> -> memref<5x128xf32, #tpu.memory_space<vmem>>
      %dma_start3A_1558 = arith.constant 0 : i32
      %dma_start3A_1559 = arith.constant 0 : i32
      %dma_start3A_1560 = tpu.memref_slice %arg4[%add3A_1553, %dma_start3A_1554, %dma_start3A_1558, %dma_start3A_1559] : memref<16384x6x5x128xf32, #tpu.memory_space<hbm>> -> memref<1x1x5x128xf32, #tpu.memory_space<hbm>>
      %dma_start3A_1561 = tpu.memref_squeeze %dma_start3A_1560 : memref<1x1x5x128xf32, #tpu.memory_space<hbm>> -> memref<5x128xf32, #tpu.memory_space<hbm>>
      %dma_start3A_1562 = arith.constant 0 : i32
      %dma_start3A_1563 = arith.constant 0 : i32
      %dma_start3A_1564 = tpu.memref_slice %arg4[%add3A_1553, %dma_start3A_1554, %dma_start3A_1562, %dma_start3A_1563] : memref<16384x6x5x128xf32, #tpu.memory_space<hbm>> -> memref<1x1x5x128xf32, #tpu.memory_space<hbm>>
      %dma_start3A_1565 = tpu.memref_squeeze %dma_start3A_1564 : memref<1x1x5x128xf32, #tpu.memory_space<hbm>> -> memref<5x128xf32, #tpu.memory_space<hbm>>
      %dma_start3A_1566 = arith.constant 120 : i32
      %dma_start3A_1567 = arith.constant 0 : i32
      %dma_start3A_1568 = tpu.memref_slice %arg8[%dma_start3A_1566, %dma_start3A_1567] : memref<240x128xf32, #tpu.memory_space<vmem>> -> memref<5x128xf32, #tpu.memory_space<vmem>>
      tpu.enqueue_dma source(%dma_start3A_1568 : memref<5x128xf32, #tpu.memory_space<vmem>>) target(%dma_start3A_1565 : memref<5x128xf32, #tpu.memory_space<hbm>>) target_semaphore(%arg14 : memref<!tpu.dma_semaphore, #tpu.memory_space<semaphore_mem>>)
      %mul3A_1569 = arith.constant 8 : i32
      %mul3A_1570 = arith.muli %add3A_1031, %mul3A_1569 : i32
      %add3A_1571 = arith.addi %mul3A_4, %mul3A_1570 : i32
      %add3A_1572 = arith.constant 4 : i32
      %add3A_1573 = arith.addi %add3A_1571, %add3A_1572 : i32
      %dma_start3A_1574 = arith.constant 1 : i32
      %dma_start3A_1575 = arith.constant 125 : i32
      %dma_start3A_1576 = arith.constant 0 : i32
      %dma_start3A_1577 = tpu.memref_slice %arg8[%dma_start3A_1575, %dma_start3A_1576] : memref<240x128xf32, #tpu.memory_space<vmem>> -> memref<5x128xf32, #tpu.memory_space<vmem>>
      %dma_start3A_1578 = arith.constant 0 : i32
      %dma_start3A_1579 = arith.constant 0 : i32
      %dma_start3A_1580 = tpu.memref_slice %arg4[%add3A_1573, %dma_start3A_1574, %dma_start3A_1578, %dma_start3A_1579] : memref<16384x6x5x128xf32, #tpu.memory_space<hbm>> -> memref<1x1x5x128xf32, #tpu.memory_space<hbm>>
      %dma_start3A_1581 = tpu.memref_squeeze %dma_start3A_1580 : memref<1x1x5x128xf32, #tpu.memory_space<hbm>> -> memref<5x128xf32, #tpu.memory_space<hbm>>
      %dma_start3A_1582 = arith.constant 0 : i32
      %dma_start3A_1583 = arith.constant 0 : i32
      %dma_start3A_1584 = tpu.memref_slice %arg4[%add3A_1573, %dma_start3A_1574, %dma_start3A_1582, %dma_start3A_1583] : memref<16384x6x5x128xf32, #tpu.memory_space<hbm>> -> memref<1x1x5x128xf32, #tpu.memory_space<hbm>>
      %dma_start3A_1585 = tpu.memref_squeeze %dma_start3A_1584 : memref<1x1x5x128xf32, #tpu.memory_space<hbm>> -> memref<5x128xf32, #tpu.memory_space<hbm>>
      %dma_start3A_1586 = arith.constant 125 : i32
      %dma_start3A_1587 = arith.constant 0 : i32
      %dma_start3A_1588 = tpu.memref_slice %arg8[%dma_start3A_1586, %dma_start3A_1587] : memref<240x128xf32, #tpu.memory_space<vmem>> -> memref<5x128xf32, #tpu.memory_space<vmem>>
      tpu.enqueue_dma source(%dma_start3A_1588 : memref<5x128xf32, #tpu.memory_space<vmem>>) target(%dma_start3A_1585 : memref<5x128xf32, #tpu.memory_space<hbm>>) target_semaphore(%arg14 : memref<!tpu.dma_semaphore, #tpu.memory_space<semaphore_mem>>)
      %mul3A_1589 = arith.constant 8 : i32
      %mul3A_1590 = arith.muli %add3A_1031, %mul3A_1589 : i32
      %add3A_1591 = arith.addi %mul3A_4, %mul3A_1590 : i32
      %add3A_1592 = arith.constant 4 : i32
      %add3A_1593 = arith.addi %add3A_1591, %add3A_1592 : i32
      %dma_start3A_1594 = arith.constant 2 : i32
      %dma_start3A_1595 = arith.constant 130 : i32
      %dma_start3A_1596 = arith.constant 0 : i32
      %dma_start3A_1597 = tpu.memref_slice %arg8[%dma_start3A_1595, %dma_start3A_1596] : memref<240x128xf32, #tpu.memory_space<vmem>> -> memref<5x128xf32, #tpu.memory_space<vmem>>
      %dma_start3A_1598 = arith.constant 0 : i32
      %dma_start3A_1599 = arith.constant 0 : i32
      %dma_start3A_1600 = tpu.memref_slice %arg4[%add3A_1593, %dma_start3A_1594, %dma_start3A_1598, %dma_start3A_1599] : memref<16384x6x5x128xf32, #tpu.memory_space<hbm>> -> memref<1x1x5x128xf32, #tpu.memory_space<hbm>>
      %dma_start3A_1601 = tpu.memref_squeeze %dma_start3A_1600 : memref<1x1x5x128xf32, #tpu.memory_space<hbm>> -> memref<5x128xf32, #tpu.memory_space<hbm>>
      %dma_start3A_1602 = arith.constant 0 : i32
      %dma_start3A_1603 = arith.constant 0 : i32
      %dma_start3A_1604 = tpu.memref_slice %arg4[%add3A_1593, %dma_start3A_1594, %dma_start3A_1602, %dma_start3A_1603] : memref<16384x6x5x128xf32, #tpu.memory_space<hbm>> -> memref<1x1x5x128xf32, #tpu.memory_space<hbm>>
      %dma_start3A_1605 = tpu.memref_squeeze %dma_start3A_1604 : memref<1x1x5x128xf32, #tpu.memory_space<hbm>> -> memref<5x128xf32, #tpu.memory_space<hbm>>
      %dma_start3A_1606 = arith.constant 130 : i32
      %dma_start3A_1607 = arith.constant 0 : i32
      %dma_start3A_1608 = tpu.memref_slice %arg8[%dma_start3A_1606, %dma_start3A_1607] : memref<240x128xf32, #tpu.memory_space<vmem>> -> memref<5x128xf32, #tpu.memory_space<vmem>>
      tpu.enqueue_dma source(%dma_start3A_1608 : memref<5x128xf32, #tpu.memory_space<vmem>>) target(%dma_start3A_1605 : memref<5x128xf32, #tpu.memory_space<hbm>>) target_semaphore(%arg14 : memref<!tpu.dma_semaphore, #tpu.memory_space<semaphore_mem>>)
      %mul3A_1609 = arith.constant 8 : i32
      %mul3A_1610 = arith.muli %add3A_1031, %mul3A_1609 : i32
      %add3A_1611 = arith.addi %mul3A_4, %mul3A_1610 : i32
      %add3A_1612 = arith.constant 4 : i32
      %add3A_1613 = arith.addi %add3A_1611, %add3A_1612 : i32
      %dma_start3A_1614 = arith.constant 3 : i32
      %dma_start3A_1615 = arith.constant 135 : i32
      %dma_start3A_1616 = arith.constant 0 : i32
      %dma_start3A_1617 = tpu.memref_slice %arg8[%dma_start3A_1615, %dma_start3A_1616] : memref<240x128xf32, #tpu.memory_space<vmem>> -> memref<5x128xf32, #tpu.memory_space<vmem>>
      %dma_start3A_1618 = arith.constant 0 : i32
      %dma_start3A_1619 = arith.constant 0 : i32
      %dma_start3A_1620 = tpu.memref_slice %arg4[%add3A_1613, %dma_start3A_1614, %dma_start3A_1618, %dma_start3A_1619] : memref<16384x6x5x128xf32, #tpu.memory_space<hbm>> -> memref<1x1x5x128xf32, #tpu.memory_space<hbm>>
      %dma_start3A_1621 = tpu.memref_squeeze %dma_start3A_1620 : memref<1x1x5x128xf32, #tpu.memory_space<hbm>> -> memref<5x128xf32, #tpu.memory_space<hbm>>
      %dma_start3A_1622 = arith.constant 0 : i32
      %dma_start3A_1623 = arith.constant 0 : i32
      %dma_start3A_1624 = tpu.memref_slice %arg4[%add3A_1613, %dma_start3A_1614, %dma_start3A_1622, %dma_start3A_1623] : memref<16384x6x5x128xf32, #tpu.memory_space<hbm>> -> memref<1x1x5x128xf32, #tpu.memory_space<hbm>>
      %dma_start3A_1625 = tpu.memref_squeeze %dma_start3A_1624 : memref<1x1x5x128xf32, #tpu.memory_space<hbm>> -> memref<5x128xf32, #tpu.memory_space<hbm>>
      %dma_start3A_1626 = arith.constant 135 : i32
      %dma_start3A_1627 = arith.constant 0 : i32
      %dma_start3A_1628 = tpu.memref_slice %arg8[%dma_start3A_1626, %dma_start3A_1627] : memref<240x128xf32, #tpu.memory_space<vmem>> -> memref<5x128xf32, #tpu.memory_space<vmem>>
      tpu.enqueue_dma source(%dma_start3A_1628 : memref<5x128xf32, #tpu.memory_space<vmem>>) target(%dma_start3A_1625 : memref<5x128xf32, #tpu.memory_space<hbm>>) target_semaphore(%arg14 : memref<!tpu.dma_semaphore, #tpu.memory_space<semaphore_mem>>)
      %mul3A_1629 = arith.constant 8 : i32
      %mul3A_1630 = arith.muli %add3A_1031, %mul3A_1629 : i32
      %add3A_1631 = arith.addi %mul3A_4, %mul3A_1630 : i32
      %add3A_1632 = arith.constant 4 : i32
      %add3A_1633 = arith.addi %add3A_1631, %add3A_1632 : i32
      %dma_start3A_1634 = arith.constant 4 : i32
      %dma_start3A_1635 = arith.constant 140 : i32
      %dma_start3A_1636 = arith.constant 0 : i32
      %dma_start3A_1637 = tpu.memref_slice %arg8[%dma_start3A_1635, %dma_start3A_1636] : memref<240x128xf32, #tpu.memory_space<vmem>> -> memref<5x128xf32, #tpu.memory_space<vmem>>
      %dma_start3A_1638 = arith.constant 0 : i32
      %dma_start3A_1639 = arith.constant 0 : i32
      %dma_start3A_1640 = tpu.memref_slice %arg4[%add3A_1633, %dma_start3A_1634, %dma_start3A_1638, %dma_start3A_1639] : memref<16384x6x5x128xf32, #tpu.memory_space<hbm>> -> memref<1x1x5x128xf32, #tpu.memory_space<hbm>>
      %dma_start3A_1641 = tpu.memref_squeeze %dma_start3A_1640 : memref<1x1x5x128xf32, #tpu.memory_space<hbm>> -> memref<5x128xf32, #tpu.memory_space<hbm>>
      %dma_start3A_1642 = arith.constant 0 : i32
      %dma_start3A_1643 = arith.constant 0 : i32
      %dma_start3A_1644 = tpu.memref_slice %arg4[%add3A_1633, %dma_start3A_1634, %dma_start3A_1642, %dma_start3A_1643] : memref<16384x6x5x128xf32, #tpu.memory_space<hbm>> -> memref<1x1x5x128xf32, #tpu.memory_space<hbm>>
      %dma_start3A_1645 = tpu.memref_squeeze %dma_start3A_1644 : memref<1x1x5x128xf32, #tpu.memory_space<hbm>> -> memref<5x128xf32, #tpu.memory_space<hbm>>
      %dma_start3A_1646 = arith.constant 140 : i32
      %dma_start3A_1647 = arith.constant 0 : i32
      %dma_start3A_1648 = tpu.memref_slice %arg8[%dma_start3A_1646, %dma_start3A_1647] : memref<240x128xf32, #tpu.memory_space<vmem>> -> memref<5x128xf32, #tpu.memory_space<vmem>>
      tpu.enqueue_dma source(%dma_start3A_1648 : memref<5x128xf32, #tpu.memory_space<vmem>>) target(%dma_start3A_1645 : memref<5x128xf32, #tpu.memory_space<hbm>>) target_semaphore(%arg14 : memref<!tpu.dma_semaphore, #tpu.memory_space<semaphore_mem>>)
      %mul3A_1649 = arith.constant 8 : i32
      %mul3A_1650 = arith.muli %add3A_1031, %mul3A_1649 : i32
      %add3A_1651 = arith.addi %mul3A_4, %mul3A_1650 : i32
      %add3A_1652 = arith.constant 4 : i32
      %add3A_1653 = arith.addi %add3A_1651, %add3A_1652 : i32
      %dma_start3A_1654 = arith.constant 5 : i32
      %dma_start3A_1655 = arith.constant 145 : i32
      %dma_start3A_1656 = arith.constant 0 : i32
      %dma_start3A_1657 = tpu.memref_slice %arg8[%dma_start3A_1655, %dma_start3A_1656] : memref<240x128xf32, #tpu.memory_space<vmem>> -> memref<5x128xf32, #tpu.memory_space<vmem>>
      %dma_start3A_1658 = arith.constant 0 : i32
      %dma_start3A_1659 = arith.constant 0 : i32
      %dma_start3A_1660 = tpu.memref_slice %arg4[%add3A_1653, %dma_start3A_1654, %dma_start3A_1658, %dma_start3A_1659] : memref<16384x6x5x128xf32, #tpu.memory_space<hbm>> -> memref<1x1x5x128xf32, #tpu.memory_space<hbm>>
      %dma_start3A_1661 = tpu.memref_squeeze %dma_start3A_1660 : memref<1x1x5x128xf32, #tpu.memory_space<hbm>> -> memref<5x128xf32, #tpu.memory_space<hbm>>
      %dma_start3A_1662 = arith.constant 0 : i32
      %dma_start3A_1663 = arith.constant 0 : i32
      %dma_start3A_1664 = tpu.memref_slice %arg4[%add3A_1653, %dma_start3A_1654, %dma_start3A_1662, %dma_start3A_1663] : memref<16384x6x5x128xf32, #tpu.memory_space<hbm>> -> memref<1x1x5x128xf32, #tpu.memory_space<hbm>>
      %dma_start3A_1665 = tpu.memref_squeeze %dma_start3A_1664 : memref<1x1x5x128xf32, #tpu.memory_space<hbm>> -> memref<5x128xf32, #tpu.memory_space<hbm>>
      %dma_start3A_1666 = arith.constant 145 : i32
      %dma_start3A_1667 = arith.constant 0 : i32
      %dma_start3A_1668 = tpu.memref_slice %arg8[%dma_start3A_1666, %dma_start3A_1667] : memref<240x128xf32, #tpu.memory_space<vmem>> -> memref<5x128xf32, #tpu.memory_space<vmem>>
      tpu.enqueue_dma source(%dma_start3A_1668 : memref<5x128xf32, #tpu.memory_space<vmem>>) target(%dma_start3A_1665 : memref<5x128xf32, #tpu.memory_space<hbm>>) target_semaphore(%arg14 : memref<!tpu.dma_semaphore, #tpu.memory_space<semaphore_mem>>)
      %mul3A_1669 = arith.constant 8 : i32
      %mul3A_1670 = arith.muli %add3A_1031, %mul3A_1669 : i32
      %add3A_1671 = arith.addi %mul3A_4, %mul3A_1670 : i32
      %add3A_1672 = arith.constant 5 : i32
      %add3A_1673 = arith.addi %add3A_1671, %add3A_1672 : i32
      %dma_start3A_1674 = arith.constant 0 : i32
      %dma_start3A_1675 = arith.constant 150 : i32
      %dma_start3A_1676 = arith.constant 0 : i32
      %dma_start3A_1677 = tpu.memref_slice %arg8[%dma_start3A_1675, %dma_start3A_1676] : memref<240x128xf32, #tpu.memory_space<vmem>> -> memref<5x128xf32, #tpu.memory_space<vmem>>
      %dma_start3A_1678 = arith.constant 0 : i32
      %dma_start3A_1679 = arith.constant 0 : i32
      %dma_start3A_1680 = tpu.memref_slice %arg4[%add3A_1673, %dma_start3A_1674, %dma_start3A_1678, %dma_start3A_1679] : memref<16384x6x5x128xf32, #tpu.memory_space<hbm>> -> memref<1x1x5x128xf32, #tpu.memory_space<hbm>>
      %dma_start3A_1681 = tpu.memref_squeeze %dma_start3A_1680 : memref<1x1x5x128xf32, #tpu.memory_space<hbm>> -> memref<5x128xf32, #tpu.memory_space<hbm>>
      %dma_start3A_1682 = arith.constant 0 : i32
      %dma_start3A_1683 = arith.constant 0 : i32
      %dma_start3A_1684 = tpu.memref_slice %arg4[%add3A_1673, %dma_start3A_1674, %dma_start3A_1682, %dma_start3A_1683] : memref<16384x6x5x128xf32, #tpu.memory_space<hbm>> -> memref<1x1x5x128xf32, #tpu.memory_space<hbm>>
      %dma_start3A_1685 = tpu.memref_squeeze %dma_start3A_1684 : memref<1x1x5x128xf32, #tpu.memory_space<hbm>> -> memref<5x128xf32, #tpu.memory_space<hbm>>
      %dma_start3A_1686 = arith.constant 150 : i32
      %dma_start3A_1687 = arith.constant 0 : i32
      %dma_start3A_1688 = tpu.memref_slice %arg8[%dma_start3A_1686, %dma_start3A_1687] : memref<240x128xf32, #tpu.memory_space<vmem>> -> memref<5x128xf32, #tpu.memory_space<vmem>>
      tpu.enqueue_dma source(%dma_start3A_1688 : memref<5x128xf32, #tpu.memory_space<vmem>>) target(%dma_start3A_1685 : memref<5x128xf32, #tpu.memory_space<hbm>>) target_semaphore(%arg14 : memref<!tpu.dma_semaphore, #tpu.memory_space<semaphore_mem>>)
      %mul3A_1689 = arith.constant 8 : i32
      %mul3A_1690 = arith.muli %add3A_1031, %mul3A_1689 : i32
      %add3A_1691 = arith.addi %mul3A_4, %mul3A_1690 : i32
      %add3A_1692 = arith.constant 5 : i32
      %add3A_1693 = arith.addi %add3A_1691, %add3A_1692 : i32
      %dma_start3A_1694 = arith.constant 1 : i32
      %dma_start3A_1695 = arith.constant 155 : i32
      %dma_start3A_1696 = arith.constant 0 : i32
      %dma_start3A_1697 = tpu.memref_slice %arg8[%dma_start3A_1695, %dma_start3A_1696] : memref<240x128xf32, #tpu.memory_space<vmem>> -> memref<5x128xf32, #tpu.memory_space<vmem>>
      %dma_start3A_1698 = arith.constant 0 : i32
      %dma_start3A_1699 = arith.constant 0 : i32
      %dma_start3A_1700 = tpu.memref_slice %arg4[%add3A_1693, %dma_start3A_1694, %dma_start3A_1698, %dma_start3A_1699] : memref<16384x6x5x128xf32, #tpu.memory_space<hbm>> -> memref<1x1x5x128xf32, #tpu.memory_space<hbm>>
      %dma_start3A_1701 = tpu.memref_squeeze %dma_start3A_1700 : memref<1x1x5x128xf32, #tpu.memory_space<hbm>> -> memref<5x128xf32, #tpu.memory_space<hbm>>
      %dma_start3A_1702 = arith.constant 0 : i32
      %dma_start3A_1703 = arith.constant 0 : i32
      %dma_start3A_1704 = tpu.memref_slice %arg4[%add3A_1693, %dma_start3A_1694, %dma_start3A_1702, %dma_start3A_1703] : memref<16384x6x5x128xf32, #tpu.memory_space<hbm>> -> memref<1x1x5x128xf32, #tpu.memory_space<hbm>>
      %dma_start3A_1705 = tpu.memref_squeeze %dma_start3A_1704 : memref<1x1x5x128xf32, #tpu.memory_space<hbm>> -> memref<5x128xf32, #tpu.memory_space<hbm>>
      %dma_start3A_1706 = arith.constant 155 : i32
      %dma_start3A_1707 = arith.constant 0 : i32
      %dma_start3A_1708 = tpu.memref_slice %arg8[%dma_start3A_1706, %dma_start3A_1707] : memref<240x128xf32, #tpu.memory_space<vmem>> -> memref<5x128xf32, #tpu.memory_space<vmem>>
      tpu.enqueue_dma source(%dma_start3A_1708 : memref<5x128xf32, #tpu.memory_space<vmem>>) target(%dma_start3A_1705 : memref<5x128xf32, #tpu.memory_space<hbm>>) target_semaphore(%arg14 : memref<!tpu.dma_semaphore, #tpu.memory_space<semaphore_mem>>)
      %mul3A_1709 = arith.constant 8 : i32
      %mul3A_1710 = arith.muli %add3A_1031, %mul3A_1709 : i32
      %add3A_1711 = arith.addi %mul3A_4, %mul3A_1710 : i32
      %add3A_1712 = arith.constant 5 : i32
      %add3A_1713 = arith.addi %add3A_1711, %add3A_1712 : i32
      %dma_start3A_1714 = arith.constant 2 : i32
      %dma_start3A_1715 = arith.constant 160 : i32
      %dma_start3A_1716 = arith.constant 0 : i32
      %dma_start3A_1717 = tpu.memref_slice %arg8[%dma_start3A_1715, %dma_start3A_1716] : memref<240x128xf32, #tpu.memory_space<vmem>> -> memref<5x128xf32, #tpu.memory_space<vmem>>
      %dma_start3A_1718 = arith.constant 0 : i32
      %dma_start3A_1719 = arith.constant 0 : i32
      %dma_start3A_1720 = tpu.memref_slice %arg4[%add3A_1713, %dma_start3A_1714, %dma_start3A_1718, %dma_start3A_1719] : memref<16384x6x5x128xf32, #tpu.memory_space<hbm>> -> memref<1x1x5x128xf32, #tpu.memory_space<hbm>>
      %dma_start3A_1721 = tpu.memref_squeeze %dma_start3A_1720 : memref<1x1x5x128xf32, #tpu.memory_space<hbm>> -> memref<5x128xf32, #tpu.memory_space<hbm>>
      %dma_start3A_1722 = arith.constant 0 : i32
      %dma_start3A_1723 = arith.constant 0 : i32
      %dma_start3A_1724 = tpu.memref_slice %arg4[%add3A_1713, %dma_start3A_1714, %dma_start3A_1722, %dma_start3A_1723] : memref<16384x6x5x128xf32, #tpu.memory_space<hbm>> -> memref<1x1x5x128xf32, #tpu.memory_space<hbm>>
      %dma_start3A_1725 = tpu.memref_squeeze %dma_start3A_1724 : memref<1x1x5x128xf32, #tpu.memory_space<hbm>> -> memref<5x128xf32, #tpu.memory_space<hbm>>
      %dma_start3A_1726 = arith.constant 160 : i32
      %dma_start3A_1727 = arith.constant 0 : i32
      %dma_start3A_1728 = tpu.memref_slice %arg8[%dma_start3A_1726, %dma_start3A_1727] : memref<240x128xf32, #tpu.memory_space<vmem>> -> memref<5x128xf32, #tpu.memory_space<vmem>>
      tpu.enqueue_dma source(%dma_start3A_1728 : memref<5x128xf32, #tpu.memory_space<vmem>>) target(%dma_start3A_1725 : memref<5x128xf32, #tpu.memory_space<hbm>>) target_semaphore(%arg14 : memref<!tpu.dma_semaphore, #tpu.memory_space<semaphore_mem>>)
      %mul3A_1729 = arith.constant 8 : i32
      %mul3A_1730 = arith.muli %add3A_1031, %mul3A_1729 : i32
      %add3A_1731 = arith.addi %mul3A_4, %mul3A_1730 : i32
      %add3A_1732 = arith.constant 5 : i32
      %add3A_1733 = arith.addi %add3A_1731, %add3A_1732 : i32
      %dma_start3A_1734 = arith.constant 3 : i32
      %dma_start3A_1735 = arith.constant 165 : i32
      %dma_start3A_1736 = arith.constant 0 : i32
      %dma_start3A_1737 = tpu.memref_slice %arg8[%dma_start3A_1735, %dma_start3A_1736] : memref<240x128xf32, #tpu.memory_space<vmem>> -> memref<5x128xf32, #tpu.memory_space<vmem>>
      %dma_start3A_1738 = arith.constant 0 : i32
      %dma_start3A_1739 = arith.constant 0 : i32
      %dma_start3A_1740 = tpu.memref_slice %arg4[%add3A_1733, %dma_start3A_1734, %dma_start3A_1738, %dma_start3A_1739] : memref<16384x6x5x128xf32, #tpu.memory_space<hbm>> -> memref<1x1x5x128xf32, #tpu.memory_space<hbm>>
      %dma_start3A_1741 = tpu.memref_squeeze %dma_start3A_1740 : memref<1x1x5x128xf32, #tpu.memory_space<hbm>> -> memref<5x128xf32, #tpu.memory_space<hbm>>
      %dma_start3A_1742 = arith.constant 0 : i32
      %dma_start3A_1743 = arith.constant 0 : i32
      %dma_start3A_1744 = tpu.memref_slice %arg4[%add3A_1733, %dma_start3A_1734, %dma_start3A_1742, %dma_start3A_1743] : memref<16384x6x5x128xf32, #tpu.memory_space<hbm>> -> memref<1x1x5x128xf32, #tpu.memory_space<hbm>>
      %dma_start3A_1745 = tpu.memref_squeeze %dma_start3A_1744 : memref<1x1x5x128xf32, #tpu.memory_space<hbm>> -> memref<5x128xf32, #tpu.memory_space<hbm>>
      %dma_start3A_1746 = arith.constant 165 : i32
      %dma_start3A_1747 = arith.constant 0 : i32
      %dma_start3A_1748 = tpu.memref_slice %arg8[%dma_start3A_1746, %dma_start3A_1747] : memref<240x128xf32, #tpu.memory_space<vmem>> -> memref<5x128xf32, #tpu.memory_space<vmem>>
      tpu.enqueue_dma source(%dma_start3A_1748 : memref<5x128xf32, #tpu.memory_space<vmem>>) target(%dma_start3A_1745 : memref<5x128xf32, #tpu.memory_space<hbm>>) target_semaphore(%arg14 : memref<!tpu.dma_semaphore, #tpu.memory_space<semaphore_mem>>)
      %mul3A_1749 = arith.constant 8 : i32
      %mul3A_1750 = arith.muli %add3A_1031, %mul3A_1749 : i32
      %add3A_1751 = arith.addi %mul3A_4, %mul3A_1750 : i32
      %add3A_1752 = arith.constant 5 : i32
      %add3A_1753 = arith.addi %add3A_1751, %add3A_1752 : i32
      %dma_start3A_1754 = arith.constant 4 : i32
      %dma_start3A_1755 = arith.constant 170 : i32
      %dma_start3A_1756 = arith.constant 0 : i32
      %dma_start3A_1757 = tpu.memref_slice %arg8[%dma_start3A_1755, %dma_start3A_1756] : memref<240x128xf32, #tpu.memory_space<vmem>> -> memref<5x128xf32, #tpu.memory_space<vmem>>
      %dma_start3A_1758 = arith.constant 0 : i32
      %dma_start3A_1759 = arith.constant 0 : i32
      %dma_start3A_1760 = tpu.memref_slice %arg4[%add3A_1753, %dma_start3A_1754, %dma_start3A_1758, %dma_start3A_1759] : memref<16384x6x5x128xf32, #tpu.memory_space<hbm>> -> memref<1x1x5x128xf32, #tpu.memory_space<hbm>>
      %dma_start3A_1761 = tpu.memref_squeeze %dma_start3A_1760 : memref<1x1x5x128xf32, #tpu.memory_space<hbm>> -> memref<5x128xf32, #tpu.memory_space<hbm>>
      %dma_start3A_1762 = arith.constant 0 : i32
      %dma_start3A_1763 = arith.constant 0 : i32
      %dma_start3A_1764 = tpu.memref_slice %arg4[%add3A_1753, %dma_start3A_1754, %dma_start3A_1762, %dma_start3A_1763] : memref<16384x6x5x128xf32, #tpu.memory_space<hbm>> -> memref<1x1x5x128xf32, #tpu.memory_space<hbm>>
      %dma_start3A_1765 = tpu.memref_squeeze %dma_start3A_1764 : memref<1x1x5x128xf32, #tpu.memory_space<hbm>> -> memref<5x128xf32, #tpu.memory_space<hbm>>
      %dma_start3A_1766 = arith.constant 170 : i32
      %dma_start3A_1767 = arith.constant 0 : i32
      %dma_start3A_1768 = tpu.memref_slice %arg8[%dma_start3A_1766, %dma_start3A_1767] : memref<240x128xf32, #tpu.memory_space<vmem>> -> memref<5x128xf32, #tpu.memory_space<vmem>>
      tpu.enqueue_dma source(%dma_start3A_1768 : memref<5x128xf32, #tpu.memory_space<vmem>>) target(%dma_start3A_1765 : memref<5x128xf32, #tpu.memory_space<hbm>>) target_semaphore(%arg14 : memref<!tpu.dma_semaphore, #tpu.memory_space<semaphore_mem>>)
      %mul3A_1769 = arith.constant 8 : i32
      %mul3A_1770 = arith.muli %add3A_1031, %mul3A_1769 : i32
      %add3A_1771 = arith.addi %mul3A_4, %mul3A_1770 : i32
      %add3A_1772 = arith.constant 5 : i32
      %add3A_1773 = arith.addi %add3A_1771, %add3A_1772 : i32
      %dma_start3A_1774 = arith.constant 5 : i32
      %dma_start3A_1775 = arith.constant 175 : i32
      %dma_start3A_1776 = arith.constant 0 : i32
      %dma_start3A_1777 = tpu.memref_slice %arg8[%dma_start3A_1775, %dma_start3A_1776] : memref<240x128xf32, #tpu.memory_space<vmem>> -> memref<5x128xf32, #tpu.memory_space<vmem>>
      %dma_start3A_1778 = arith.constant 0 : i32
      %dma_start3A_1779 = arith.constant 0 : i32
      %dma_start3A_1780 = tpu.memref_slice %arg4[%add3A_1773, %dma_start3A_1774, %dma_start3A_1778, %dma_start3A_1779] : memref<16384x6x5x128xf32, #tpu.memory_space<hbm>> -> memref<1x1x5x128xf32, #tpu.memory_space<hbm>>
      %dma_start3A_1781 = tpu.memref_squeeze %dma_start3A_1780 : memref<1x1x5x128xf32, #tpu.memory_space<hbm>> -> memref<5x128xf32, #tpu.memory_space<hbm>>
      %dma_start3A_1782 = arith.constant 0 : i32
      %dma_start3A_1783 = arith.constant 0 : i32
      %dma_start3A_1784 = tpu.memref_slice %arg4[%add3A_1773, %dma_start3A_1774, %dma_start3A_1782, %dma_start3A_1783] : memref<16384x6x5x128xf32, #tpu.memory_space<hbm>> -> memref<1x1x5x128xf32, #tpu.memory_space<hbm>>
      %dma_start3A_1785 = tpu.memref_squeeze %dma_start3A_1784 : memref<1x1x5x128xf32, #tpu.memory_space<hbm>> -> memref<5x128xf32, #tpu.memory_space<hbm>>
      %dma_start3A_1786 = arith.constant 175 : i32
      %dma_start3A_1787 = arith.constant 0 : i32
      %dma_start3A_1788 = tpu.memref_slice %arg8[%dma_start3A_1786, %dma_start3A_1787] : memref<240x128xf32, #tpu.memory_space<vmem>> -> memref<5x128xf32, #tpu.memory_space<vmem>>
      tpu.enqueue_dma source(%dma_start3A_1788 : memref<5x128xf32, #tpu.memory_space<vmem>>) target(%dma_start3A_1785 : memref<5x128xf32, #tpu.memory_space<hbm>>) target_semaphore(%arg14 : memref<!tpu.dma_semaphore, #tpu.memory_space<semaphore_mem>>)
      %mul3A_1789 = arith.constant 8 : i32
      %mul3A_1790 = arith.muli %add3A_1031, %mul3A_1789 : i32
      %add3A_1791 = arith.addi %mul3A_4, %mul3A_1790 : i32
      %add3A_1792 = arith.constant 6 : i32
      %add3A_1793 = arith.addi %add3A_1791, %add3A_1792 : i32
      %dma_start3A_1794 = arith.constant 0 : i32
      %dma_start3A_1795 = arith.constant 180 : i32
      %dma_start3A_1796 = arith.constant 0 : i32
      %dma_start3A_1797 = tpu.memref_slice %arg8[%dma_start3A_1795, %dma_start3A_1796] : memref<240x128xf32, #tpu.memory_space<vmem>> -> memref<5x128xf32, #tpu.memory_space<vmem>>
      %dma_start3A_1798 = arith.constant 0 : i32
      %dma_start3A_1799 = arith.constant 0 : i32
      %dma_start3A_1800 = tpu.memref_slice %arg4[%add3A_1793, %dma_start3A_1794, %dma_start3A_1798, %dma_start3A_1799] : memref<16384x6x5x128xf32, #tpu.memory_space<hbm>> -> memref<1x1x5x128xf32, #tpu.memory_space<hbm>>
      %dma_start3A_1801 = tpu.memref_squeeze %dma_start3A_1800 : memref<1x1x5x128xf32, #tpu.memory_space<hbm>> -> memref<5x128xf32, #tpu.memory_space<hbm>>
      %dma_start3A_1802 = arith.constant 0 : i32
      %dma_start3A_1803 = arith.constant 0 : i32
      %dma_start3A_1804 = tpu.memref_slice %arg4[%add3A_1793, %dma_start3A_1794, %dma_start3A_1802, %dma_start3A_1803] : memref<16384x6x5x128xf32, #tpu.memory_space<hbm>> -> memref<1x1x5x128xf32, #tpu.memory_space<hbm>>
      %dma_start3A_1805 = tpu.memref_squeeze %dma_start3A_1804 : memref<1x1x5x128xf32, #tpu.memory_space<hbm>> -> memref<5x128xf32, #tpu.memory_space<hbm>>
      %dma_start3A_1806 = arith.constant 180 : i32
      %dma_start3A_1807 = arith.constant 0 : i32
      %dma_start3A_1808 = tpu.memref_slice %arg8[%dma_start3A_1806, %dma_start3A_1807] : memref<240x128xf32, #tpu.memory_space<vmem>> -> memref<5x128xf32, #tpu.memory_space<vmem>>
      tpu.enqueue_dma source(%dma_start3A_1808 : memref<5x128xf32, #tpu.memory_space<vmem>>) target(%dma_start3A_1805 : memref<5x128xf32, #tpu.memory_space<hbm>>) target_semaphore(%arg14 : memref<!tpu.dma_semaphore, #tpu.memory_space<semaphore_mem>>)
      %mul3A_1809 = arith.constant 8 : i32
      %mul3A_1810 = arith.muli %add3A_1031, %mul3A_1809 : i32
      %add3A_1811 = arith.addi %mul3A_4, %mul3A_1810 : i32
      %add3A_1812 = arith.constant 6 : i32
      %add3A_1813 = arith.addi %add3A_1811, %add3A_1812 : i32
      %dma_start3A_1814 = arith.constant 1 : i32
      %dma_start3A_1815 = arith.constant 185 : i32
      %dma_start3A_1816 = arith.constant 0 : i32
      %dma_start3A_1817 = tpu.memref_slice %arg8[%dma_start3A_1815, %dma_start3A_1816] : memref<240x128xf32, #tpu.memory_space<vmem>> -> memref<5x128xf32, #tpu.memory_space<vmem>>
      %dma_start3A_1818 = arith.constant 0 : i32
      %dma_start3A_1819 = arith.constant 0 : i32
      %dma_start3A_1820 = tpu.memref_slice %arg4[%add3A_1813, %dma_start3A_1814, %dma_start3A_1818, %dma_start3A_1819] : memref<16384x6x5x128xf32, #tpu.memory_space<hbm>> -> memref<1x1x5x128xf32, #tpu.memory_space<hbm>>
      %dma_start3A_1821 = tpu.memref_squeeze %dma_start3A_1820 : memref<1x1x5x128xf32, #tpu.memory_space<hbm>> -> memref<5x128xf32, #tpu.memory_space<hbm>>
      %dma_start3A_1822 = arith.constant 0 : i32
      %dma_start3A_1823 = arith.constant 0 : i32
      %dma_start3A_1824 = tpu.memref_slice %arg4[%add3A_1813, %dma_start3A_1814, %dma_start3A_1822, %dma_start3A_1823] : memref<16384x6x5x128xf32, #tpu.memory_space<hbm>> -> memref<1x1x5x128xf32, #tpu.memory_space<hbm>>
      %dma_start3A_1825 = tpu.memref_squeeze %dma_start3A_1824 : memref<1x1x5x128xf32, #tpu.memory_space<hbm>> -> memref<5x128xf32, #tpu.memory_space<hbm>>
      %dma_start3A_1826 = arith.constant 185 : i32
      %dma_start3A_1827 = arith.constant 0 : i32
      %dma_start3A_1828 = tpu.memref_slice %arg8[%dma_start3A_1826, %dma_start3A_1827] : memref<240x128xf32, #tpu.memory_space<vmem>> -> memref<5x128xf32, #tpu.memory_space<vmem>>
      tpu.enqueue_dma source(%dma_start3A_1828 : memref<5x128xf32, #tpu.memory_space<vmem>>) target(%dma_start3A_1825 : memref<5x128xf32, #tpu.memory_space<hbm>>) target_semaphore(%arg14 : memref<!tpu.dma_semaphore, #tpu.memory_space<semaphore_mem>>)
      %mul3A_1829 = arith.constant 8 : i32
      %mul3A_1830 = arith.muli %add3A_1031, %mul3A_1829 : i32
      %add3A_1831 = arith.addi %mul3A_4, %mul3A_1830 : i32
      %add3A_1832 = arith.constant 6 : i32
      %add3A_1833 = arith.addi %add3A_1831, %add3A_1832 : i32
      %dma_start3A_1834 = arith.constant 2 : i32
      %dma_start3A_1835 = arith.constant 190 : i32
      %dma_start3A_1836 = arith.constant 0 : i32
      %dma_start3A_1837 = tpu.memref_slice %arg8[%dma_start3A_1835, %dma_start3A_1836] : memref<240x128xf32, #tpu.memory_space<vmem>> -> memref<5x128xf32, #tpu.memory_space<vmem>>
      %dma_start3A_1838 = arith.constant 0 : i32
      %dma_start3A_1839 = arith.constant 0 : i32
      %dma_start3A_1840 = tpu.memref_slice %arg4[%add3A_1833, %dma_start3A_1834, %dma_start3A_1838, %dma_start3A_1839] : memref<16384x6x5x128xf32, #tpu.memory_space<hbm>> -> memref<1x1x5x128xf32, #tpu.memory_space<hbm>>
      %dma_start3A_1841 = tpu.memref_squeeze %dma_start3A_1840 : memref<1x1x5x128xf32, #tpu.memory_space<hbm>> -> memref<5x128xf32, #tpu.memory_space<hbm>>
      %dma_start3A_1842 = arith.constant 0 : i32
      %dma_start3A_1843 = arith.constant 0 : i32
      %dma_start3A_1844 = tpu.memref_slice %arg4[%add3A_1833, %dma_start3A_1834, %dma_start3A_1842, %dma_start3A_1843] : memref<16384x6x5x128xf32, #tpu.memory_space<hbm>> -> memref<1x1x5x128xf32, #tpu.memory_space<hbm>>
      %dma_start3A_1845 = tpu.memref_squeeze %dma_start3A_1844 : memref<1x1x5x128xf32, #tpu.memory_space<hbm>> -> memref<5x128xf32, #tpu.memory_space<hbm>>
      %dma_start3A_1846 = arith.constant 190 : i32
      %dma_start3A_1847 = arith.constant 0 : i32
      %dma_start3A_1848 = tpu.memref_slice %arg8[%dma_start3A_1846, %dma_start3A_1847] : memref<240x128xf32, #tpu.memory_space<vmem>> -> memref<5x128xf32, #tpu.memory_space<vmem>>
      tpu.enqueue_dma source(%dma_start3A_1848 : memref<5x128xf32, #tpu.memory_space<vmem>>) target(%dma_start3A_1845 : memref<5x128xf32, #tpu.memory_space<hbm>>) target_semaphore(%arg14 : memref<!tpu.dma_semaphore, #tpu.memory_space<semaphore_mem>>)
      %mul3A_1849 = arith.constant 8 : i32
      %mul3A_1850 = arith.muli %add3A_1031, %mul3A_1849 : i32
      %add3A_1851 = arith.addi %mul3A_4, %mul3A_1850 : i32
      %add3A_1852 = arith.constant 6 : i32
      %add3A_1853 = arith.addi %add3A_1851, %add3A_1852 : i32
      %dma_start3A_1854 = arith.constant 3 : i32
      %dma_start3A_1855 = arith.constant 195 : i32
      %dma_start3A_1856 = arith.constant 0 : i32
      %dma_start3A_1857 = tpu.memref_slice %arg8[%dma_start3A_1855, %dma_start3A_1856] : memref<240x128xf32, #tpu.memory_space<vmem>> -> memref<5x128xf32, #tpu.memory_space<vmem>>
      %dma_start3A_1858 = arith.constant 0 : i32
      %dma_start3A_1859 = arith.constant 0 : i32
      %dma_start3A_1860 = tpu.memref_slice %arg4[%add3A_1853, %dma_start3A_1854, %dma_start3A_1858, %dma_start3A_1859] : memref<16384x6x5x128xf32, #tpu.memory_space<hbm>> -> memref<1x1x5x128xf32, #tpu.memory_space<hbm>>
      %dma_start3A_1861 = tpu.memref_squeeze %dma_start3A_1860 : memref<1x1x5x128xf32, #tpu.memory_space<hbm>> -> memref<5x128xf32, #tpu.memory_space<hbm>>
      %dma_start3A_1862 = arith.constant 0 : i32
      %dma_start3A_1863 = arith.constant 0 : i32
      %dma_start3A_1864 = tpu.memref_slice %arg4[%add3A_1853, %dma_start3A_1854, %dma_start3A_1862, %dma_start3A_1863] : memref<16384x6x5x128xf32, #tpu.memory_space<hbm>> -> memref<1x1x5x128xf32, #tpu.memory_space<hbm>>
      %dma_start3A_1865 = tpu.memref_squeeze %dma_start3A_1864 : memref<1x1x5x128xf32, #tpu.memory_space<hbm>> -> memref<5x128xf32, #tpu.memory_space<hbm>>
      %dma_start3A_1866 = arith.constant 195 : i32
      %dma_start3A_1867 = arith.constant 0 : i32
      %dma_start3A_1868 = tpu.memref_slice %arg8[%dma_start3A_1866, %dma_start3A_1867] : memref<240x128xf32, #tpu.memory_space<vmem>> -> memref<5x128xf32, #tpu.memory_space<vmem>>
      tpu.enqueue_dma source(%dma_start3A_1868 : memref<5x128xf32, #tpu.memory_space<vmem>>) target(%dma_start3A_1865 : memref<5x128xf32, #tpu.memory_space<hbm>>) target_semaphore(%arg14 : memref<!tpu.dma_semaphore, #tpu.memory_space<semaphore_mem>>)
      %mul3A_1869 = arith.constant 8 : i32
      %mul3A_1870 = arith.muli %add3A_1031, %mul3A_1869 : i32
      %add3A_1871 = arith.addi %mul3A_4, %mul3A_1870 : i32
      %add3A_1872 = arith.constant 6 : i32
      %add3A_1873 = arith.addi %add3A_1871, %add3A_1872 : i32
      %dma_start3A_1874 = arith.constant 4 : i32
      %dma_start3A_1875 = arith.constant 200 : i32
      %dma_start3A_1876 = arith.constant 0 : i32
      %dma_start3A_1877 = tpu.memref_slice %arg8[%dma_start3A_1875, %dma_start3A_1876] : memref<240x128xf32, #tpu.memory_space<vmem>> -> memref<5x128xf32, #tpu.memory_space<vmem>>
      %dma_start3A_1878 = arith.constant 0 : i32
      %dma_start3A_1879 = arith.constant 0 : i32
      %dma_start3A_1880 = tpu.memref_slice %arg4[%add3A_1873, %dma_start3A_1874, %dma_start3A_1878, %dma_start3A_1879] : memref<16384x6x5x128xf32, #tpu.memory_space<hbm>> -> memref<1x1x5x128xf32, #tpu.memory_space<hbm>>
      %dma_start3A_1881 = tpu.memref_squeeze %dma_start3A_1880 : memref<1x1x5x128xf32, #tpu.memory_space<hbm>> -> memref<5x128xf32, #tpu.memory_space<hbm>>
      %dma_start3A_1882 = arith.constant 0 : i32
      %dma_start3A_1883 = arith.constant 0 : i32
      %dma_start3A_1884 = tpu.memref_slice %arg4[%add3A_1873, %dma_start3A_1874, %dma_start3A_1882, %dma_start3A_1883] : memref<16384x6x5x128xf32, #tpu.memory_space<hbm>> -> memref<1x1x5x128xf32, #tpu.memory_space<hbm>>
      %dma_start3A_1885 = tpu.memref_squeeze %dma_start3A_1884 : memref<1x1x5x128xf32, #tpu.memory_space<hbm>> -> memref<5x128xf32, #tpu.memory_space<hbm>>
      %dma_start3A_1886 = arith.constant 200 : i32
      %dma_start3A_1887 = arith.constant 0 : i32
      %dma_start3A_1888 = tpu.memref_slice %arg8[%dma_start3A_1886, %dma_start3A_1887] : memref<240x128xf32, #tpu.memory_space<vmem>> -> memref<5x128xf32, #tpu.memory_space<vmem>>
      tpu.enqueue_dma source(%dma_start3A_1888 : memref<5x128xf32, #tpu.memory_space<vmem>>) target(%dma_start3A_1885 : memref<5x128xf32, #tpu.memory_space<hbm>>) target_semaphore(%arg14 : memref<!tpu.dma_semaphore, #tpu.memory_space<semaphore_mem>>)
      %mul3A_1889 = arith.constant 8 : i32
      %mul3A_1890 = arith.muli %add3A_1031, %mul3A_1889 : i32
      %add3A_1891 = arith.addi %mul3A_4, %mul3A_1890 : i32
      %add3A_1892 = arith.constant 6 : i32
      %add3A_1893 = arith.addi %add3A_1891, %add3A_1892 : i32
      %dma_start3A_1894 = arith.constant 5 : i32
      %dma_start3A_1895 = arith.constant 205 : i32
      %dma_start3A_1896 = arith.constant 0 : i32
      %dma_start3A_1897 = tpu.memref_slice %arg8[%dma_start3A_1895, %dma_start3A_1896] : memref<240x128xf32, #tpu.memory_space<vmem>> -> memref<5x128xf32, #tpu.memory_space<vmem>>
      %dma_start3A_1898 = arith.constant 0 : i32
      %dma_start3A_1899 = arith.constant 0 : i32
      %dma_start3A_1900 = tpu.memref_slice %arg4[%add3A_1893, %dma_start3A_1894, %dma_start3A_1898, %dma_start3A_1899] : memref<16384x6x5x128xf32, #tpu.memory_space<hbm>> -> memref<1x1x5x128xf32, #tpu.memory_space<hbm>>
      %dma_start3A_1901 = tpu.memref_squeeze %dma_start3A_1900 : memref<1x1x5x128xf32, #tpu.memory_space<hbm>> -> memref<5x128xf32, #tpu.memory_space<hbm>>
      %dma_start3A_1902 = arith.constant 0 : i32
      %dma_start3A_1903 = arith.constant 0 : i32
      %dma_start3A_1904 = tpu.memref_slice %arg4[%add3A_1893, %dma_start3A_1894, %dma_start3A_1902, %dma_start3A_1903] : memref<16384x6x5x128xf32, #tpu.memory_space<hbm>> -> memref<1x1x5x128xf32, #tpu.memory_space<hbm>>
      %dma_start3A_1905 = tpu.memref_squeeze %dma_start3A_1904 : memref<1x1x5x128xf32, #tpu.memory_space<hbm>> -> memref<5x128xf32, #tpu.memory_space<hbm>>
      %dma_start3A_1906 = arith.constant 205 : i32
      %dma_start3A_1907 = arith.constant 0 : i32
      %dma_start3A_1908 = tpu.memref_slice %arg8[%dma_start3A_1906, %dma_start3A_1907] : memref<240x128xf32, #tpu.memory_space<vmem>> -> memref<5x128xf32, #tpu.memory_space<vmem>>
      tpu.enqueue_dma source(%dma_start3A_1908 : memref<5x128xf32, #tpu.memory_space<vmem>>) target(%dma_start3A_1905 : memref<5x128xf32, #tpu.memory_space<hbm>>) target_semaphore(%arg14 : memref<!tpu.dma_semaphore, #tpu.memory_space<semaphore_mem>>)
      %mul3A_1909 = arith.constant 8 : i32
      %mul3A_1910 = arith.muli %add3A_1031, %mul3A_1909 : i32
      %add3A_1911 = arith.addi %mul3A_4, %mul3A_1910 : i32
      %add3A_1912 = arith.constant 7 : i32
      %add3A_1913 = arith.addi %add3A_1911, %add3A_1912 : i32
      %dma_start3A_1914 = arith.constant 0 : i32
      %dma_start3A_1915 = arith.constant 210 : i32
      %dma_start3A_1916 = arith.constant 0 : i32
      %dma_start3A_1917 = tpu.memref_slice %arg8[%dma_start3A_1915, %dma_start3A_1916] : memref<240x128xf32, #tpu.memory_space<vmem>> -> memref<5x128xf32, #tpu.memory_space<vmem>>
      %dma_start3A_1918 = arith.constant 0 : i32
      %dma_start3A_1919 = arith.constant 0 : i32
      %dma_start3A_1920 = tpu.memref_slice %arg4[%add3A_1913, %dma_start3A_1914, %dma_start3A_1918, %dma_start3A_1919] : memref<16384x6x5x128xf32, #tpu.memory_space<hbm>> -> memref<1x1x5x128xf32, #tpu.memory_space<hbm>>
      %dma_start3A_1921 = tpu.memref_squeeze %dma_start3A_1920 : memref<1x1x5x128xf32, #tpu.memory_space<hbm>> -> memref<5x128xf32, #tpu.memory_space<hbm>>
      %dma_start3A_1922 = arith.constant 0 : i32
      %dma_start3A_1923 = arith.constant 0 : i32
      %dma_start3A_1924 = tpu.memref_slice %arg4[%add3A_1913, %dma_start3A_1914, %dma_start3A_1922, %dma_start3A_1923] : memref<16384x6x5x128xf32, #tpu.memory_space<hbm>> -> memref<1x1x5x128xf32, #tpu.memory_space<hbm>>
      %dma_start3A_1925 = tpu.memref_squeeze %dma_start3A_1924 : memref<1x1x5x128xf32, #tpu.memory_space<hbm>> -> memref<5x128xf32, #tpu.memory_space<hbm>>
      %dma_start3A_1926 = arith.constant 210 : i32
      %dma_start3A_1927 = arith.constant 0 : i32
      %dma_start3A_1928 = tpu.memref_slice %arg8[%dma_start3A_1926, %dma_start3A_1927] : memref<240x128xf32, #tpu.memory_space<vmem>> -> memref<5x128xf32, #tpu.memory_space<vmem>>
      tpu.enqueue_dma source(%dma_start3A_1928 : memref<5x128xf32, #tpu.memory_space<vmem>>) target(%dma_start3A_1925 : memref<5x128xf32, #tpu.memory_space<hbm>>) target_semaphore(%arg14 : memref<!tpu.dma_semaphore, #tpu.memory_space<semaphore_mem>>)
      %mul3A_1929 = arith.constant 8 : i32
      %mul3A_1930 = arith.muli %add3A_1031, %mul3A_1929 : i32
      %add3A_1931 = arith.addi %mul3A_4, %mul3A_1930 : i32
      %add3A_1932 = arith.constant 7 : i32
      %add3A_1933 = arith.addi %add3A_1931, %add3A_1932 : i32
      %dma_start3A_1934 = arith.constant 1 : i32
      %dma_start3A_1935 = arith.constant 215 : i32
      %dma_start3A_1936 = arith.constant 0 : i32
      %dma_start3A_1937 = tpu.memref_slice %arg8[%dma_start3A_1935, %dma_start3A_1936] : memref<240x128xf32, #tpu.memory_space<vmem>> -> memref<5x128xf32, #tpu.memory_space<vmem>>
      %dma_start3A_1938 = arith.constant 0 : i32
      %dma_start3A_1939 = arith.constant 0 : i32
      %dma_start3A_1940 = tpu.memref_slice %arg4[%add3A_1933, %dma_start3A_1934, %dma_start3A_1938, %dma_start3A_1939] : memref<16384x6x5x128xf32, #tpu.memory_space<hbm>> -> memref<1x1x5x128xf32, #tpu.memory_space<hbm>>
      %dma_start3A_1941 = tpu.memref_squeeze %dma_start3A_1940 : memref<1x1x5x128xf32, #tpu.memory_space<hbm>> -> memref<5x128xf32, #tpu.memory_space<hbm>>
      %dma_start3A_1942 = arith.constant 0 : i32
      %dma_start3A_1943 = arith.constant 0 : i32
      %dma_start3A_1944 = tpu.memref_slice %arg4[%add3A_1933, %dma_start3A_1934, %dma_start3A_1942, %dma_start3A_1943] : memref<16384x6x5x128xf32, #tpu.memory_space<hbm>> -> memref<1x1x5x128xf32, #tpu.memory_space<hbm>>
      %dma_start3A_1945 = tpu.memref_squeeze %dma_start3A_1944 : memref<1x1x5x128xf32, #tpu.memory_space<hbm>> -> memref<5x128xf32, #tpu.memory_space<hbm>>
      %dma_start3A_1946 = arith.constant 215 : i32
      %dma_start3A_1947 = arith.constant 0 : i32
      %dma_start3A_1948 = tpu.memref_slice %arg8[%dma_start3A_1946, %dma_start3A_1947] : memref<240x128xf32, #tpu.memory_space<vmem>> -> memref<5x128xf32, #tpu.memory_space<vmem>>
      tpu.enqueue_dma source(%dma_start3A_1948 : memref<5x128xf32, #tpu.memory_space<vmem>>) target(%dma_start3A_1945 : memref<5x128xf32, #tpu.memory_space<hbm>>) target_semaphore(%arg14 : memref<!tpu.dma_semaphore, #tpu.memory_space<semaphore_mem>>)
      %mul3A_1949 = arith.constant 8 : i32
      %mul3A_1950 = arith.muli %add3A_1031, %mul3A_1949 : i32
      %add3A_1951 = arith.addi %mul3A_4, %mul3A_1950 : i32
      %add3A_1952 = arith.constant 7 : i32
      %add3A_1953 = arith.addi %add3A_1951, %add3A_1952 : i32
      %dma_start3A_1954 = arith.constant 2 : i32
      %dma_start3A_1955 = arith.constant 220 : i32
      %dma_start3A_1956 = arith.constant 0 : i32
      %dma_start3A_1957 = tpu.memref_slice %arg8[%dma_start3A_1955, %dma_start3A_1956] : memref<240x128xf32, #tpu.memory_space<vmem>> -> memref<5x128xf32, #tpu.memory_space<vmem>>
      %dma_start3A_1958 = arith.constant 0 : i32
      %dma_start3A_1959 = arith.constant 0 : i32
      %dma_start3A_1960 = tpu.memref_slice %arg4[%add3A_1953, %dma_start3A_1954, %dma_start3A_1958, %dma_start3A_1959] : memref<16384x6x5x128xf32, #tpu.memory_space<hbm>> -> memref<1x1x5x128xf32, #tpu.memory_space<hbm>>
      %dma_start3A_1961 = tpu.memref_squeeze %dma_start3A_1960 : memref<1x1x5x128xf32, #tpu.memory_space<hbm>> -> memref<5x128xf32, #tpu.memory_space<hbm>>
      %dma_start3A_1962 = arith.constant 0 : i32
      %dma_start3A_1963 = arith.constant 0 : i32
      %dma_start3A_1964 = tpu.memref_slice %arg4[%add3A_1953, %dma_start3A_1954, %dma_start3A_1962, %dma_start3A_1963] : memref<16384x6x5x128xf32, #tpu.memory_space<hbm>> -> memref<1x1x5x128xf32, #tpu.memory_space<hbm>>
      %dma_start3A_1965 = tpu.memref_squeeze %dma_start3A_1964 : memref<1x1x5x128xf32, #tpu.memory_space<hbm>> -> memref<5x128xf32, #tpu.memory_space<hbm>>
      %dma_start3A_1966 = arith.constant 220 : i32
      %dma_start3A_1967 = arith.constant 0 : i32
      %dma_start3A_1968 = tpu.memref_slice %arg8[%dma_start3A_1966, %dma_start3A_1967] : memref<240x128xf32, #tpu.memory_space<vmem>> -> memref<5x128xf32, #tpu.memory_space<vmem>>
      tpu.enqueue_dma source(%dma_start3A_1968 : memref<5x128xf32, #tpu.memory_space<vmem>>) target(%dma_start3A_1965 : memref<5x128xf32, #tpu.memory_space<hbm>>) target_semaphore(%arg14 : memref<!tpu.dma_semaphore, #tpu.memory_space<semaphore_mem>>)
      %mul3A_1969 = arith.constant 8 : i32
      %mul3A_1970 = arith.muli %add3A_1031, %mul3A_1969 : i32
      %add3A_1971 = arith.addi %mul3A_4, %mul3A_1970 : i32
      %add3A_1972 = arith.constant 7 : i32
      %add3A_1973 = arith.addi %add3A_1971, %add3A_1972 : i32
      %dma_start3A_1974 = arith.constant 3 : i32
      %dma_start3A_1975 = arith.constant 225 : i32
      %dma_start3A_1976 = arith.constant 0 : i32
      %dma_start3A_1977 = tpu.memref_slice %arg8[%dma_start3A_1975, %dma_start3A_1976] : memref<240x128xf32, #tpu.memory_space<vmem>> -> memref<5x128xf32, #tpu.memory_space<vmem>>
      %dma_start3A_1978 = arith.constant 0 : i32
      %dma_start3A_1979 = arith.constant 0 : i32
      %dma_start3A_1980 = tpu.memref_slice %arg4[%add3A_1973, %dma_start3A_1974, %dma_start3A_1978, %dma_start3A_1979] : memref<16384x6x5x128xf32, #tpu.memory_space<hbm>> -> memref<1x1x5x128xf32, #tpu.memory_space<hbm>>
      %dma_start3A_1981 = tpu.memref_squeeze %dma_start3A_1980 : memref<1x1x5x128xf32, #tpu.memory_space<hbm>> -> memref<5x128xf32, #tpu.memory_space<hbm>>
      %dma_start3A_1982 = arith.constant 0 : i32
      %dma_start3A_1983 = arith.constant 0 : i32
      %dma_start3A_1984 = tpu.memref_slice %arg4[%add3A_1973, %dma_start3A_1974, %dma_start3A_1982, %dma_start3A_1983] : memref<16384x6x5x128xf32, #tpu.memory_space<hbm>> -> memref<1x1x5x128xf32, #tpu.memory_space<hbm>>
      %dma_start3A_1985 = tpu.memref_squeeze %dma_start3A_1984 : memref<1x1x5x128xf32, #tpu.memory_space<hbm>> -> memref<5x128xf32, #tpu.memory_space<hbm>>
      %dma_start3A_1986 = arith.constant 225 : i32
      %dma_start3A_1987 = arith.constant 0 : i32
      %dma_start3A_1988 = tpu.memref_slice %arg8[%dma_start3A_1986, %dma_start3A_1987] : memref<240x128xf32, #tpu.memory_space<vmem>> -> memref<5x128xf32, #tpu.memory_space<vmem>>
      tpu.enqueue_dma source(%dma_start3A_1988 : memref<5x128xf32, #tpu.memory_space<vmem>>) target(%dma_start3A_1985 : memref<5x128xf32, #tpu.memory_space<hbm>>) target_semaphore(%arg14 : memref<!tpu.dma_semaphore, #tpu.memory_space<semaphore_mem>>)
      %mul3A_1989 = arith.constant 8 : i32
      %mul3A_1990 = arith.muli %add3A_1031, %mul3A_1989 : i32
      %add3A_1991 = arith.addi %mul3A_4, %mul3A_1990 : i32
      %add3A_1992 = arith.constant 7 : i32
      %add3A_1993 = arith.addi %add3A_1991, %add3A_1992 : i32
      %dma_start3A_1994 = arith.constant 4 : i32
      %dma_start3A_1995 = arith.constant 230 : i32
      %dma_start3A_1996 = arith.constant 0 : i32
      %dma_start3A_1997 = tpu.memref_slice %arg8[%dma_start3A_1995, %dma_start3A_1996] : memref<240x128xf32, #tpu.memory_space<vmem>> -> memref<5x128xf32, #tpu.memory_space<vmem>>
      %dma_start3A_1998 = arith.constant 0 : i32
      %dma_start3A_1999 = arith.constant 0 : i32
      %dma_start3A_2000 = tpu.memref_slice %arg4[%add3A_1993, %dma_start3A_1994, %dma_start3A_1998, %dma_start3A_1999] : memref<16384x6x5x128xf32, #tpu.memory_space<hbm>> -> memref<1x1x5x128xf32, #tpu.memory_space<hbm>>
      %dma_start3A_2001 = tpu.memref_squeeze %dma_start3A_2000 : memref<1x1x5x128xf32, #tpu.memory_space<hbm>> -> memref<5x128xf32, #tpu.memory_space<hbm>>
      %dma_start3A_2002 = arith.constant 0 : i32
      %dma_start3A_2003 = arith.constant 0 : i32
      %dma_start3A_2004 = tpu.memref_slice %arg4[%add3A_1993, %dma_start3A_1994, %dma_start3A_2002, %dma_start3A_2003] : memref<16384x6x5x128xf32, #tpu.memory_space<hbm>> -> memref<1x1x5x128xf32, #tpu.memory_space<hbm>>
      %dma_start3A_2005 = tpu.memref_squeeze %dma_start3A_2004 : memref<1x1x5x128xf32, #tpu.memory_space<hbm>> -> memref<5x128xf32, #tpu.memory_space<hbm>>
      %dma_start3A_2006 = arith.constant 230 : i32
      %dma_start3A_2007 = arith.constant 0 : i32
      %dma_start3A_2008 = tpu.memref_slice %arg8[%dma_start3A_2006, %dma_start3A_2007] : memref<240x128xf32, #tpu.memory_space<vmem>> -> memref<5x128xf32, #tpu.memory_space<vmem>>
      tpu.enqueue_dma source(%dma_start3A_2008 : memref<5x128xf32, #tpu.memory_space<vmem>>) target(%dma_start3A_2005 : memref<5x128xf32, #tpu.memory_space<hbm>>) target_semaphore(%arg14 : memref<!tpu.dma_semaphore, #tpu.memory_space<semaphore_mem>>)
      %mul3A_2009 = arith.constant 8 : i32
      %mul3A_2010 = arith.muli %add3A_1031, %mul3A_2009 : i32
      %add3A_2011 = arith.addi %mul3A_4, %mul3A_2010 : i32
      %add3A_2012 = arith.constant 7 : i32
      %add3A_2013 = arith.addi %add3A_2011, %add3A_2012 : i32
      %dma_start3A_2014 = arith.constant 5 : i32
      %dma_start3A_2015 = arith.constant 235 : i32
      %dma_start3A_2016 = arith.constant 0 : i32
      %dma_start3A_2017 = tpu.memref_slice %arg8[%dma_start3A_2015, %dma_start3A_2016] : memref<240x128xf32, #tpu.memory_space<vmem>> -> memref<5x128xf32, #tpu.memory_space<vmem>>
      %dma_start3A_2018 = arith.constant 0 : i32
      %dma_start3A_2019 = arith.constant 0 : i32
      %dma_start3A_2020 = tpu.memref_slice %arg4[%add3A_2013, %dma_start3A_2014, %dma_start3A_2018, %dma_start3A_2019] : memref<16384x6x5x128xf32, #tpu.memory_space<hbm>> -> memref<1x1x5x128xf32, #tpu.memory_space<hbm>>
      %dma_start3A_2021 = tpu.memref_squeeze %dma_start3A_2020 : memref<1x1x5x128xf32, #tpu.memory_space<hbm>> -> memref<5x128xf32, #tpu.memory_space<hbm>>
      %dma_start3A_2022 = arith.constant 0 : i32
      %dma_start3A_2023 = arith.constant 0 : i32
      %dma_start3A_2024 = tpu.memref_slice %arg4[%add3A_2013, %dma_start3A_2014, %dma_start3A_2022, %dma_start3A_2023] : memref<16384x6x5x128xf32, #tpu.memory_space<hbm>> -> memref<1x1x5x128xf32, #tpu.memory_space<hbm>>
      %dma_start3A_2025 = tpu.memref_squeeze %dma_start3A_2024 : memref<1x1x5x128xf32, #tpu.memory_space<hbm>> -> memref<5x128xf32, #tpu.memory_space<hbm>>
      %dma_start3A_2026 = arith.constant 235 : i32
      %dma_start3A_2027 = arith.constant 0 : i32
      %dma_start3A_2028 = tpu.memref_slice %arg8[%dma_start3A_2026, %dma_start3A_2027] : memref<240x128xf32, #tpu.memory_space<vmem>> -> memref<5x128xf32, #tpu.memory_space<vmem>>
      tpu.enqueue_dma source(%dma_start3A_2028 : memref<5x128xf32, #tpu.memory_space<vmem>>) target(%dma_start3A_2025 : memref<5x128xf32, #tpu.memory_space<hbm>>) target_semaphore(%arg14 : memref<!tpu.dma_semaphore, #tpu.memory_space<semaphore_mem>>)
    }
    %scan3A_18 = arith.constant 32 : i32
    %dma_wait3A = arith.constant 0 : i32
    %dma_wait3A_19 = arith.constant 0 : i32
    %dma_wait3A_20 = tpu.memref_slice %arg2[%dma_wait3A, %dma_wait3A_19] : memref<3360x128xf32, #tpu.memory_space<hbm>> -> memref<240x128xf32, #tpu.memory_space<hbm>>
    %dma_wait3A_21 = arith.constant 0 : i32
    %dma_wait3A_22 = arith.constant 0 : i32
    %dma_wait3A_23 = tpu.memref_slice %arg2[%dma_wait3A_21, %dma_wait3A_22] : memref<3360x128xf32, #tpu.memory_space<hbm>> -> memref<240x128xf32, #tpu.memory_space<hbm>>
    tpu.wait_dma2 semaphore(%arg13 : memref<!tpu.dma_semaphore, #tpu.memory_space<semaphore_mem>>) src(%dma_wait3A_23 : memref<240x128xf32, #tpu.memory_space<hbm>>) dst(%arg7 : memref<240x128xf32, #tpu.memory_space<vmem>>)
    %dma_wait3A_24 = arith.constant 0 : i32
    %dma_wait3A_25 = arith.constant 0 : i32
    %dma_wait3A_26 = tpu.memref_slice %arg2[%dma_wait3A_24, %dma_wait3A_25] : memref<3360x128xf32, #tpu.memory_space<hbm>> -> memref<240x128xf32, #tpu.memory_space<hbm>>
    %dma_wait3A_27 = arith.constant 0 : i32
    %dma_wait3A_28 = arith.constant 0 : i32
    %dma_wait3A_29 = tpu.memref_slice %arg2[%dma_wait3A_27, %dma_wait3A_28] : memref<3360x128xf32, #tpu.memory_space<hbm>> -> memref<240x128xf32, #tpu.memory_space<hbm>>
    tpu.wait_dma2 semaphore(%arg14 : memref<!tpu.dma_semaphore, #tpu.memory_space<semaphore_mem>>) src(%dma_wait3A_29 : memref<240x128xf32, #tpu.memory_space<hbm>>) dst(%arg8 : memref<240x128xf32, #tpu.memory_space<vmem>>)
    return
  }
}

module attributes {stable_mosaic.version = 14 : i64} {
  func.func @_tc_prep_body(%arg0: memref<3840x128xi32, #tpu.memory_space<vmem>>, %arg1: memref<3840x128xi32, #tpu.memory_space<vmem>>, %arg2: memref<6x128xf32, #tpu.memory_space<vmem>>, %arg3: memref<5x128xf32, #tpu.memory_space<vmem>>, %arg4: memref<4x128xf32, #tpu.memory_space<vmem>>, %arg5: memref<28x128xf32, #tpu.memory_space<vmem>>, %arg6: memref<3840x128xi32, #tpu.memory_space<vmem>>, %arg7: memref<30x4x28x128xf32, #tpu.memory_space<vmem>>) attributes {dimension_semantics = [], scalar_prefetch = 0 : i64, scratch_operands = 0 : i64, tpu.core_type = #tpu.core_type<tc>} {
    %iota3A = tpu.iota {dimensions = array<i32: 0>} : vector<3840x128xi32>
    %iota3A_0 = tpu.iota {dimensions = array<i32: 1>} : vector<3840x128xi32>
    %mul3A = arith.constant 128 : i32
    %mul3A_1 = vector.broadcast %mul3A : i32 to vector<3840x128xi32>
    %mul3A_2 = arith.muli %iota3A, %mul3A_1 : vector<3840x128xi32>
    %add3A = arith.addi %mul3A_2, %iota3A_0 : vector<3840x128xi32>
    %jit3A = arith.constant 30 : i32
    %eq3A = arith.constant 0 : i32
    %eq3A_3 = arith.cmpi eq, %jit3A, %eq3A : i32
    %jit3A_4 = arith.constant 1 : i32
    %select_n3A = arith.select %eq3A_3, %jit3A_4, %jit3A : i32
    %rem3A = vector.broadcast %select_n3A : i32 to vector<3840x128xi32>
    %rem3A_5 = arith.remsi %add3A, %rem3A : vector<3840x128xi32>
    %ne3A = arith.constant 0 : i32
    %ne3A_6 = vector.broadcast %ne3A : i32 to vector<3840x128xi32>
    %ne3A_7 = arith.cmpi ne, %rem3A_5, %ne3A_6 : vector<3840x128xi32>
    %lt3A = arith.constant 0 : i32
    %lt3A_8 = vector.broadcast %lt3A : i32 to vector<3840x128xi32>
    %lt3A_9 = arith.cmpi slt, %rem3A_5, %lt3A_8 : vector<3840x128xi32>
    %lt3A_10 = arith.constant 0 : i32
    %lt3A_11 = arith.cmpi slt, %select_n3A, %lt3A_10 : i32
    %ne3A_12 = vector.broadcast %lt3A_11 : i1 to vector<3840x128xi1>
    %ne3A_13 = vector.broadcast %ne3A_12 : vector<3840x128xi1> to vector<3840x128xi1>
    %ne3A_14 = arith.xori %lt3A_9, %ne3A_13 : vector<3840x128xi1>
    %and3A = arith.andi %ne3A_14, %ne3A_7 : vector<3840x128xi1>
    %add3A_15 = vector.broadcast %select_n3A : i32 to vector<3840x128xi32>
    %add3A_16 = arith.addi %rem3A_5, %add3A_15 : vector<3840x128xi32>
    %select_n3A_17 = arith.select %and3A, %add3A_16, %rem3A_5 : vector<3840x128xi1>, vector<3840x128xi32>
    %mul3A_18 = arith.constant 112 : i32
    %mul3A_19 = vector.broadcast %mul3A_18 : i32 to vector<3840x128xi32>
    %mul3A_20 = arith.muli %select_n3A_17, %mul3A_19 : vector<3840x128xi32>
    %get3A = arith.constant 0 : index
    %get3A_21 = arith.constant 0 : index
    %get3A_22 = vector.load %arg0[%get3A, %get3A_21] : memref<3840x128xi32, #tpu.memory_space<vmem>>, vector<3840x128xi32>
    %mul3A_23 = arith.constant 28 : i32
    %mul3A_24 = vector.broadcast %mul3A_23 : i32 to vector<3840x128xi32>
    %mul3A_25 = arith.muli %get3A_22, %mul3A_24 : vector<3840x128xi32>
    %add3A_26 = arith.addi %mul3A_20, %mul3A_25 : vector<3840x128xi32>
    %get3A_27 = arith.constant 0 : index
    %get3A_28 = arith.constant 0 : index
    %get3A_29 = vector.load %arg1[%get3A_27, %get3A_28] : memref<3840x128xi32, #tpu.memory_space<vmem>>, vector<3840x128xi32>
    %add3A_30 = arith.addi %add3A_26, %get3A_29 : vector<3840x128xi32>
    %swap3A = arith.constant 0 : index
    %swap3A_31 = arith.constant 0 : index
    %swap3A_32 = vector.load %arg6[%swap3A, %swap3A_31] : memref<3840x128xi32, #tpu.memory_space<vmem>>, vector<3840x128xi32>
    tpu.vector_store %arg6[%swap3A, %swap3A_31], %add3A_30 {strides = array<i32>} : memref<3840x128xi32, #tpu.memory_space<vmem>>, vector<3840x128xi32>,
    %get3A_33 = arith.constant 0 : index
    %get3A_34 = arith.constant 0 : index
    %get3A_35 = vector.load %arg2[%get3A_33, %get3A_34] : memref<6x128xf32, #tpu.memory_space<vmem>>, vector<6x128xf32>
    %broadcast_in_dim3A = vector.shape_cast %get3A_35 : vector<6x128xf32> to vector<6x1x128xf32>
    %get3A_36 = arith.constant 0 : index
    %get3A_37 = arith.constant 0 : index
    %get3A_38 = vector.load %arg3[%get3A_36, %get3A_37] : memref<5x128xf32, #tpu.memory_space<vmem>>, vector<5x128xf32>
    %broadcast_in_dim3A_39 = vector.shape_cast %get3A_38 : vector<5x128xf32> to vector<1x5x128xf32>
    %add3A_40 = vector.broadcast %broadcast_in_dim3A : vector<6x1x128xf32> to vector<6x5x128xf32>
    %add3A_41 = vector.broadcast %broadcast_in_dim3A_39 : vector<1x5x128xf32> to vector<6x5x128xf32>
    %add3A_42 = arith.addf %add3A_40, %add3A_41 : vector<6x5x128xf32>
    %reshape3A = vector.shape_cast %add3A_42 : vector<6x5x128xf32> to vector<30x128xf32>
    %broadcast_in_dim3A_43 = vector.shape_cast %reshape3A : vector<30x128xf32> to vector<30x1x1x128xf32>
    %get3A_44 = arith.constant 0 : index
    %get3A_45 = arith.constant 0 : index
    %get3A_46 = vector.load %arg4[%get3A_44, %get3A_45] : memref<4x128xf32, #tpu.memory_space<vmem>>, vector<4x128xf32>
    %broadcast_in_dim3A_47 = vector.shape_cast %get3A_46 : vector<4x128xf32> to vector<1x4x1x128xf32>
    %add3A_48 = vector.broadcast %broadcast_in_dim3A_43 : vector<30x1x1x128xf32> to vector<30x4x1x128xf32>
    %add3A_49 = vector.broadcast %broadcast_in_dim3A_47 : vector<1x4x1x128xf32> to vector<30x4x1x128xf32>
    %add3A_50 = arith.addf %add3A_48, %add3A_49 : vector<30x4x1x128xf32>
    %get3A_51 = arith.constant 0 : index
    %get3A_52 = arith.constant 0 : index
    %get3A_53 = vector.load %arg5[%get3A_51, %get3A_52] : memref<28x128xf32, #tpu.memory_space<vmem>>, vector<28x128xf32>
    %broadcast_in_dim3A_54 = vector.shape_cast %get3A_53 : vector<28x128xf32> to vector<1x1x28x128xf32>
    %add3A_55 = vector.broadcast %add3A_50 : vector<30x4x1x128xf32> to vector<30x4x28x128xf32>
    %add3A_56 = vector.broadcast %broadcast_in_dim3A_54 : vector<1x1x28x128xf32> to vector<30x4x28x128xf32>
    %add3A_57 = arith.addf %add3A_55, %add3A_56 : vector<30x4x28x128xf32>
    %swap3A_58 = arith.constant 0 : index
    %swap3A_59 = arith.constant 0 : index
    %swap3A_60 = arith.constant 0 : index
    %swap3A_61 = arith.constant 0 : index
    %swap3A_62 = vector.load %arg7[%swap3A_58, %swap3A_59, %swap3A_60, %swap3A_61] : memref<30x4x28x128xf32, #tpu.memory_space<vmem>>, vector<30x4x28x128xf32>
    tpu.vector_store %arg7[%swap3A_58, %swap3A_59, %swap3A_60, %swap3A_61], %add3A_57 {strides = array<i32>} : memref<30x4x28x128xf32, #tpu.memory_space<vmem>>, vector<30x4x28x128xf32>,
    return
  }
}

</mosaic_0001>

<sc_bundles>
// kernel: kernel.4.cloned.1.call-start
scs
__scs_entry_jumppad:
0x0: {  	(pc) =	sbr.rel $0x88, $3  }
0x1: {  	(tag) =	ssettag $0x0;
	lr =	simm.s32 $0x1  }
0x2: {  	[smem:$0x3F9C] =	sst lr;
	_ =	strace $0xD0000000  }
0x3: {  	_ = 	snop  }
0x4: {  	_ = 	snop  }
0x5: {  	_ = 	snop  }
0x6: {  	_ = 	snop  }
0x7: {  	_ = 	snop  }
__scs_overlays_trampoline_lowered:
0x8: {  	[smem:$0x3FAB] =	sst s0  }
0x9: {  	[smem:$0x3FAC] =	sst s1  }
0xa: {  	[smem:$0x3FAD] =	sst s2  }
0xb: {  	[smem:$0x3FAE] =	sst s3  }
0xc: {  	[smem:$0x3FAF] =	sst s4  }
0xd: {  	[smem:$0x3FB0] =	sst s5  }
0xe: {  	[smem:$0x3FB1] =	sst s6  }
0xf: {  	[smem:$0x3FB2] =	sst s7  }
0x10: {  	[smem:$0x3FB3] =	sst s8  }
0x11: {  	[smem:$0x3FB4] =	sst s9;
	s0 =	simm.s32 @!p0 $0x0  }
0x12: {  	s1 =	sld [smem:$0x3F9A];
	s0 =	simm.s32 @p0 $0x1  }
0x13: {  	[smem:$0x3FB5] =	sst s0;
	s0 =	simm.s32 @!p1 $0x0  }
0x14: {  	s2 =	sld [smem:$0x3F99];
	s0 =	simm.s32 @p1 $0x1  }
0x15: {  	[smem:$0x3FB6] =	sst s0;
	s0 =	simm.s32 @!p2 $0x0  }
0x16: {  	s3 =	sld [smem:$0x3FDB];
	s0 =	simm.s32 @p2 $0x1  }
0x17: {  	s4 =	simm.s32 $0x1BF5;
	[smem:$0x3FB8] =	sst s0  }
0x18: {  	s0 =	sld [smem:$0x3F9B];
	_ =	swait.ge [sflag:s4], $0x0  }
0x19: {  	s7 =	sld [smem:$0x3F9C]  }
0x1a: {  	s8 =	sadd.s32 $0xFFFFE003, lr  }
0x1b: {  	s9 =	sadd.s32 $0xFFFFFEF7, lr;
	s5 =	simm.s32 $0xFFFFFFFF;
	p2 =	slt.u32 s8, $0xFFFFF086  }
0x1c: {  	p1 =	slt.u32 s9, $0xF7A;
	s5 =	simm.s32 @!p2 $0x0  }
0x1d: {  	s5 =	simm.s32 @p1 $0x1;
	p0 =	seq.s32 s7, s2  }
0x1e: {  	s7 =	smul.u32 @!p0 $0xF7A, s2;
	p2 =	seq.s32 @!p0 s5, $0x0  }
0x1f: {  	s9 =	smul.u32 $0xF7A, s1;
	s8 =	simm.s32 @!p0 $0x1BF5;
	p2 =	por !p2, p0  }
0x20: {  	[sflag:s8] =	ssyncset.s32 @!p0 $0xFFFFF086;
	s6 =	sadd.s32 @!p0 s3, s7;
	s7 =	simm.s32 @!p0 $0x108  }
0x21: {  	s3 =	sadd.s32 s3, s9;
	s6 =	sadd.s32 @!p0 $0x88, s6;
	s7 =	simm.s32 @p2 $0x1082  }
0x22: {  	[simem:s7], [sflag:s8] =	dma.local @!p0 [hbm:s6], $0xF7A  }
0x23: {  	s9 =	sor.u32 $0xD0000000, s2;
	s6 =	simm.s32 $0x108;
	_ =	swait.ge @!p0 [sflag:s8], $0x0  }
0x24: {  	s3 =	sadd.s32 $0x88, s3;
	s6 =	simm.s32 @!p1 $0x1082;
	[sflag:s4] =	ssyncset.s32 $0xFFFFF086  }
0x25: {  	[simem:s6], [sflag:s4] =	dma.local [hbm:s3], $0xF7A  }
0x26: {  	[smem:$0x3F9C] =	sst s1;
	(tag) =	ssettag s2;
	_ =	strace s9  }
0x27: {  	s1 =	sld [smem:$0x3FAC]  }
0x28: {  	s2 =	sld [smem:$0x3FAD]  }
0x29: {  	s4 =	sld [smem:$0x3FAF]  }
0x2a: {  	p0 =	seq.s32 s5, $0x0;
	s5 =	sld [smem:$0x3FB0]  }
0x2b: {  	s6 =	sld [smem:$0x3FB1]  }
0x2c: {  	s7 =	sld [smem:$0x3FB2]  }
0x2d: {  	s3 =	simm.s32 $0x108;
	s8 =	sld [smem:$0x3FB3]  }
0x2e: {  	s3 =	simm.s32 @!p0 $0x1082;
	s9 =	sld [smem:$0x3FB4]  }
0x2f: {  	lr =	sadd.s32 s0, s3;
	s0 =	sld [smem:$0x3FAB]  }
0x30: {  	s3 =	sld [smem:$0x3FAE]  }
0x31: {  	[smem:$0x3FB7] =	sst s10  }
0x32: {  	s10 =	sld [smem:$0x3FB5];
	_ =	sdelay $0x3  }
0x33: {  	p0 =	seq.s32 s10, $0x1;
	s10 =	sld [smem:$0x3FB7];
	_ =	sdelay $0x3  }
0x34: {  	[smem:$0x3FB7] =	sst s10  }
0x35: {  	s10 =	sld [smem:$0x3FB6];
	_ =	sdelay $0x3  }
0x36: {  	p1 =	seq.s32 s10, $0x1;
	s10 =	sld [smem:$0x3FB7];
	_ =	sdelay $0x3  }
0x37: {  	[smem:$0x3FB7] =	sst s10  }
0x38: {  	s10 =	sld [smem:$0x3FB8]  }
0x39: {  	_ = 	snop;
	(pc) =	sbr.ind lr, $3  }
0x3a: {  	_ = 	snop  }
0x3b: {  	_ = 	snop  }
0x3c: {  	p2 =	seq.s32 s10, $0x1;
	s10 =	sld [smem:$0x3FB7]  }
0x3d: {  	_ =	shalt  }
0x3e: {  	_ =	shalt  }
0x3f: {  	_ =	shalt  }
0x40: {  	_ =	shalt  }
0x41: {  	_ =	shalt  }
0x42: {  	_ =	shalt  }
0x43: {  	_ =	shalt  }
0x44: {  	_ =	shalt  }
0x45: {  	_ =	shalt  }
0x46: {  	_ =	shalt  }
0x47: {  	_ =	shalt  }
0x48: {  	_ =	shalt  }
0x49: {  	_ =	shalt  }
0x4a: {  	_ =	shalt  }
0x4b: {  	_ =	shalt  }
0x4c: {  	_ =	shalt  }
0x4d: {  	_ =	shalt  }
0x4e: {  	_ =	shalt  }
0x4f: {  	_ =	shalt  }
0x50: {  	_ =	shalt  }
0x51: {  	_ =	shalt  }
0x52: {  	_ =	shalt  }
0x53: {  	_ =	shalt  }
0x54: {  	_ =	shalt  }
0x55: {  	_ =	shalt  }
0x56: {  	_ =	shalt  }
0x57: {  	_ =	shalt  }
0x58: {  	_ =	shalt  }
0x59: {  	_ =	shalt  }
0x5a: {  	_ =	shalt  }
0x5b: {  	_ =	shalt  }
0x5c: {  	_ =	shalt  }
0x5d: {  	_ =	shalt  }
0x5e: {  	_ =	shalt  }
0x5f: {  	_ =	shalt  }
0x60: {  	_ =	shalt  }
0x61: {  	_ =	shalt  }
0x62: {  	_ =	shalt  }
0x63: {  	_ =	shalt  }
0x64: {  	_ =	shalt  }
0x65: {  	_ =	shalt  }
0x66: {  	_ =	shalt  }
0x67: {  	_ =	shalt  }
0x68: {  	_ =	shalt  }
0x69: {  	_ =	shalt  }
0x6a: {  	_ =	shalt  }
0x6b: {  	_ =	shalt  }
0x6c: {  	_ =	shalt  }
0x6d: {  	_ =	shalt  }
0x6e: {  	_ =	shalt  }
0x6f: {  	_ =	shalt  }
0x70: {  	_ =	shalt  }
0x71: {  	_ =	shalt  }
0x72: {  	_ =	shalt  }
0x73: {  	_ =	shalt  }
0x74: {  	_ =	shalt  }
0x75: {  	_ =	shalt  }
0x76: {  	_ =	shalt  }
0x77: {  	_ =	shalt  }
0x78: {  	_ =	shalt  }
0x79: {  	_ =	shalt  }
0x7a: {  	_ =	shalt  }
0x7b: {  	_ =	shalt  }
0x7c: {  	_ =	shalt  }
0x7d: {  	_ =	shalt  }
0x7e: {  	_ =	shalt  }
0x7f: {  	_ =	shalt  }
0x80: {  	_ =	shalt  }
0x81: {  	_ =	shalt  }
0x82: {  	_ =	shalt  }
0x83: {  	_ =	shalt  }
0x84: {  	_ =	shalt  }
0x85: {  	_ =	shalt  }
0x86: {  	_ =	shalt  }
0x87: {  	_ =	shalt  }
.Lfunc_end0:
.L_simem_size_0:
called_computation_lowered:
.L_overlay_start_0:
0x88: {  	s2 =	sld [smem:$0x3FD9]  }
0x89: {  	s3 =	sld [smem:$0x3FFE];
	_ =	sdelay $0x1  }
0x8a: {  	s1 =	srdreg.scid  }
0x8b: {  	s0 =	sand.u32 $0x1, s1  }
0x8c: {  	s17 =	sshll.u32 s0, $0xA;
	s2 =	sadd.s32 s3, s2  }
0x8d: {  	s2 =	sadd.s32 s2, s17  }
0x8e: {  	[smem:$0x3FC3] =	sst s2  }
0x8f: {  	_ = 	snop  }
0x90: {  	s2 =	sld [smem:$0x3FD0];
	(tm) =	ssettm $0x1  }
0x91: {  	s18 =	sld [smem:$0x3FFB];
	_ =	sdelay $0x3  }
0x92: {  	_ =	strace s18  }
0x93: {  	s3 =	sld [smem:$0x3FFC];
	_ =	sdelay $0x3  }
0x94: {  	_ =	strace s3  }
0x95: {  	s3 =	sld [smem:$0x3FFD];
	_ =	sdelay $0x3  }
0x96: {  	_ =	strace s3  }
0x97: {  	_ =	strace $0x8FFFFFFF  }
0x98: {  	s19 =	sld [smem:$0x3FDB];
	_ =	sdelay $0x1  }
0x99: {  	s4 =	simm.s32 $_scs_section_size  }
0x9a: {  	s5 =	simm.s32 $_size__tile_overlayer_lowered;
	s6 =	simm.s32 $_tile_overlayer_lowered  }
0x9b: {  	s22 =	simm.s32 $0x1BFF;
	s21 =	sshll.u32 s6, $0x1;
	s3 =	sadd.s32 s4, s19  }
0x9c: {  	s7 =	simm.s32 $0x0;
	s20 =	sshll.u32 s5, $0x1;
	s5 =	sadd.s32 s21, s3  }
0x9d: {  	[timem:s7], [sflag:s22] =	dma.local [hbm:s5], s20  }
0x9e: {  	_ =	swait.ge [sflag:s22], s20  }
0x9f: {  	s4 =	ssub.s32 $0x0, s20;
	[sflag:s22] =	ssyncset.done $0x0  }
0xa0: {  	[sflag:s22] =	ssyncadd.s32 s4;
	_ =	sdelay $0x1  }
0xa1: {  	s23 =	simm.s32 $0x1B8B  }
0xa2: {  	_ =	swait.ge [sflag:s23], $0x1  }
0xa3: {  	[sflag:s23] =	ssyncset.done $0x0  }
0xa4: {  	s25 =	simm.s32 $0x1B8E;
	s24 =	sld [smem:$0x3FFE];
	[sflag:s23] =	ssyncadd.s32 $0xFFFFFFFF  }
0xa5: {  	s26 =	simm.s32 $execute0_lowered;
	[smem:$0x3FD2] =	sst s25  }
0xa6: {  	s5 =	sshll.u32 s26, $0x1;
	_ =	strace $0x80000046;
	[dreg:$0x1] =	wrdreg $0xFFFFFFFF  }
0xa7: {  	s28 =	simm.s32 $_size_execute0_lowered;
	s3 =	sadd.s32 s3, s5;
	[dreg:$0x0] =	wrdreg $0x0  }
0xa8: {  	s5 =	sshll.u32 s28, $0x1;
	[dreg:$0x2] =	wrdreg s3  }
0xa9: {  	[dreg:$0x3] =	wrdreg s5  }
0xaa: {  	[dreg:$0x4] =	wrdreg $0xC0  }
0xab: {  	_ =	task [dreg:s7], $0x5FFFF  }
0xac: {  	[dreg:$0x1] =	wrdreg $0xFFFFFFFF  }
0xad: {  	[dreg:$0x0] =	wrdreg $0x60  }
0xae: {  	[dreg:$0x2] =	wrdreg s24  }
0xaf: {  	[dreg:$0x3] =	wrdreg s2  }
0xb0: {  	[dreg:$0x4] =	wrdreg $0x9  }
0xb1: {  	_ =	task.clear_ibuf [dreg:s7], $0x5FFFF;
	_ =	strace $0x90000046  }
0xb2: {  	s29 =	simm.s32 $0x9;
	_ =	strace $0x80000048  }
0xb3: {  	_ =	swait.ge [sflag:s29], $0x1  }
0xb4: {  	[sflag:s29] =	ssyncadd.s32 $0xFFFFFFFF  }
0xb5: {  	_ =	strace $0x90000048  }
0xb6: {  	_ =	sfence  }
0xb7: {  	s30 =	sld [smem:$0x0];
	_ =	sdelay $0x2  }
0xb8: {  	s31 =	sshll.u32 s1, $0xD;
	s1 =	sshrl.u32 s1, $0x2  }
0xb9: {  	s3 =	sand.u32 $0x4000, s31;
	s1 =	sadd.s32 s1, s30  }
0xba: {  	s0 =	sor.u32 s3, s0;
	s1 =	sshll.u32 s1, $0x11  }
0xbb: {  	s0 =	sor.u32 s1, s0  }
0xbc: {  	s0 =	sadd.s32 $0x8F2B, s0  }
0xbd: {  	[sflag:s0] =	ssyncadd.remote.s32 $0x1  }
0xbe: {  	_ =	sfence.sel $0xFFFF  }
0xbf: {  	[dreg:$0x0] =	wrdreg $0xFFFFFFFF;
	(pc) =	sbr.abs _section_cstart, $3  }
0xc0: {  	[dreg:$0x1] =	wrdreg $0xFFFFFFFF  }
0xc1: {  	_ =	task.clear_ibuf [dreg:s7], $0x2FFFF;
	_ =	strace $0x9FFFFFFF  }
0xc2: {  	(tm) =	ssettm $0x7FFFFFFF  }
0xc3: {  	_ =	shalt  }
tec
execute0_lowered:
.L_overlay_start_1:
0x0: {  	(tag) =	ssettag $0x1  }
0x1: {  	s1 =	srdreg.scid;
	s0 =	stileid.u32  }
0x2: {  	s6 =	sand.u32 $0x1, s1;
	s26 =	smul.u32 $0x600000, s0  }
0x3: {  	s3 =	rddreg [dreg:$0x0];
	s2 =	smul.u32 $0x300000, s6  }
0x4: {  	s8 =	rddreg [dreg:$0x1]  }
0x5: {  	s1 =	rddreg [dreg:$0x2];
	s4 =	sadd.s32 s2, s26  }
0x6: {  	s5 =	sadd.s32 $0xE400, s3;
	s2 =	simm.s32 $0x0;
	s7 =	sor.u32 $0xC000, s4  }
0x7: {  	[smem:$0x7FF] =	sst s2;
	s9 =	sor.u32 $0x10000, s4;
	s29 =	sor.u32 $0x10400, s4  }
0x8: {  	s10 =	sor.u32 $0x10800, s4;
	s11 =	sor.u32 $0x10C00, s4;
	s13 =	sor.u32 $0x11000, s4  }
0x9: {  	s14 =	sor.u32 $0x11400, s4;
	s18 =	sor.u32 $0x11800, s4;
	s20 =	sor.u32 $0x11C00, s4  }
0xa: {  	s21 =	sor.u32 $0x12000, s4;
	s25 =	sor.u32 $0x12400, s4;
	s7 =	sshrl.u32 s7, $0x3  }
0xb: {  	_ =	strace $0x80000047;
	s28 =	sshrl.u32 s9, $0x3;
	s9 =	sshrl.u32 s29, $0x3  }
0xc: {  	s31 =	sshrl.u32 s10, $0x3;
	s12 =	sshrl.u32 s11, $0x3;
	s16 =	sshrl.u32 s14, $0x3  }
0xd: {  	s19 =	sshrl.u32 s18, $0x3;
	s23 =	sshrl.u32 s21, $0x3;
	s26 =	sshrl.u32 s25, $0x3  }
0xe: {  	s29 =	sor.u32 $0x12C00, s4;
	s11 =	sor.u32 $0x13000, s4;
	s14 =	sor.u32 $0x13800, s4  }
0xf: {  	s18 =	sor.u32 $0x13C00, s4;
	s21 =	sor.u32 $0x14400, s4;
	s25 =	sor.u32 $0x14800, s4  }
0x10: {  	s7 =	sadd.s32 s7, s5;
	s30 =	sadd.s32 s9, s5;
	s10 =	sadd.s32 s31, s5  }
0x11: {  	s9 =	sshrl.u32 s13, $0x3;
	s17 =	sadd.s32 s16, s5;
	s24 =	sadd.s32 s23, s5  }
0x12: {  	s31 =	sshrl.u32 s29, $0x3;
	s13 =	sor.u32 $0x13400, s4;
	[dreg:$0x3] =	wrdreg s7  }
0x13: {  	s16 =	sshrl.u32 s14, $0x3;
	s23 =	sshrl.u32 s21, $0x3;
	[dreg:$0x5] =	wrdreg s30  }
0x14: {  	s29 =	sor.u32 $0x15000, s4;
	s14 =	sor.u32 $0x15C00, s4;
	[dreg:$0x6] =	wrdreg s10  }
0x15: {  	s21 =	sor.u32 $0x16800, s4;
	s7 =	sadd.s32 s28, s5;
	[dreg:$0x9] =	wrdreg s17  }
0x16: {  	s15 =	sadd.s32 s9, s5;
	s9 =	sshrl.u32 s20, $0x3;
	[dreg:$0xc] =	wrdreg s24  }
0x17: {  	s28 =	sor.u32 $0x12800, s4;
	s10 =	sadd.s32 s31, s5;
	s17 =	sadd.s32 s16, s5  }
0x18: {  	s20 =	sor.u32 $0x14000, s4;
	s24 =	sadd.s32 s23, s5;
	s31 =	sshrl.u32 s29, $0x3  }
0x19: {  	s16 =	sshrl.u32 s14, $0x3;
	s23 =	sshrl.u32 s21, $0x3;
	[dreg:$0x4] =	wrdreg s7  }
0x1a: {  	s29 =	sor.u32 $0x17400, s4;
	s14 =	sor.u32 $0xA800, s4;
	[dreg:$0x8] =	wrdreg s15  }
0x1b: {  	s21 =	sor.u32 $0xB400, s4;
	s7 =	sadd.s32 s12, s5;
	[dreg:$0xf] =	wrdreg s10  }
0x1c: {  	s22 =	sadd.s32 s9, s5;
	s9 =	sshrl.u32 s28, $0x3;
	[dreg:$0x12] =	wrdreg s17  }
0x1d: {  	s12 =	sshrl.u32 s11, $0x3;
	[dreg:$0x15] =	wrdreg s24;
	s28 =	sor.u32 $0x14C00, s4  }
0x1e: {  	s10 =	sadd.s32 s31, s5;
	s11 =	sor.u32 $0x15400, s4;
	s17 =	sadd.s32 s16, s5  }
0x1f: {  	s24 =	sadd.s32 s23, s5;
	s31 =	sshrl.u32 s29, $0x3;
	[dreg:$0x7] =	wrdreg s7  }
0x20: {  	s16 =	sshrl.u32 s14, $0x3;
	s23 =	sshrl.u32 s21, $0x3;
	[dreg:$0xb] =	wrdreg s22  }
0x21: {  	s7 =	sadd.s32 s19, s5;
	s30 =	sadd.s32 s9, s5;
	[dreg:$0x18] =	wrdreg s10  }
0x22: {  	s9 =	sshrl.u32 s13, $0x3;
	s19 =	sshrl.u32 s18, $0x3;
	[dreg:$0x1b] =	wrdreg s17  }
0x23: {  	s13 =	sor.u32 $0x15800, s4;
	s18 =	sor.u32 $0x16000, s4;
	[dreg:$0x1e] =	wrdreg s24  }
0x24: {  	s10 =	sadd.s32 s31, s5;
	s17 =	sadd.s32 s16, s5;
	[dreg:$0xa] =	wrdreg s7  }
0x25: {  	s24 =	sadd.s32 s23, s5;
	s7 =	sadd.s32 s26, s5;
	[dreg:$0xe] =	wrdreg s30  }
0x26: {  	s15 =	sadd.s32 s9, s5;
	s9 =	sshrl.u32 s20, $0x3;
	[smem:$0x78D] =	sst s10  }
0x27: {  	s26 =	sshrl.u32 s25, $0x3;
	s20 =	sor.u32 $0x16400, s4;
	[smem:$0x790] =	sst s17  }
0x28: {  	s25 =	sor.u32 $0x16C00, s4;
	[smem:$0x793] =	sst s24;
	s10 =	sor.u32 $0x9400, s4  }
0x29: {  	s17 =	sor.u32 $0xA000, s4;
	s24 =	sor.u32 $0x8400, s4;
	[dreg:$0xd] =	wrdreg s7  }
0x2a: {  	s7 =	sadd.s32 s12, s5;
	[dreg:$0x11] =	wrdreg s15;
	s22 =	sadd.s32 s9, s5  }
0x2b: {  	s9 =	sshrl.u32 s28, $0x3;
	s12 =	sshrl.u32 s11, $0x3;
	s28 =	sor.u32 $0x17000, s4  }
0x2c: {  	s11 =	sor.u32 $0x17800, s4;
	[dreg:$0x10] =	wrdreg s7;
	s7 =	sadd.s32 s19, s5  }
0x2d: {  	[dreg:$0x14] =	wrdreg s22;
	s30 =	sadd.s32 s9, s5;
	s9 =	sshrl.u32 s13, $0x3  }
0x2e: {  	s19 =	sshrl.u32 s18, $0x3;
	s13 =	sor.u32 $0x17C00, s4;
	[dreg:$0x13] =	wrdreg s7  }
0x2f: {  	s18 =	sor.u32 $0xAC00, s4;
	s7 =	sadd.s32 s26, s5;
	[dreg:$0x17] =	wrdreg s30  }
0x30: {  	s15 =	sadd.s32 s9, s5;
	s9 =	sshrl.u32 s20, $0x3;
	[dreg:$0x16] =	wrdreg s7  }
0x31: {  	s26 =	sshrl.u32 s25, $0x3;
	s7 =	sadd.s32 s12, s5;
	[dreg:$0x1a] =	wrdreg s15  }
0x32: {  	s22 =	sadd.s32 s9, s5;
	s12 =	sshrl.u32 s11, $0x3;
	[dreg:$0x19] =	wrdreg s7  }
0x33: {  	s11 =	sshrl.u32 s10, $0x3;
	s10 =	simm.s32 $0x980;
	[dreg:$0x1d] =	wrdreg s22  }
0x34: {  	s9 =	sshrl.u32 s28, $0x3;
	s7 =	sadd.s32 s19, s5;
	[smem:$0x7A3] =	sst s10  }
0x35: {  	s30 =	sadd.s32 s9, s5;
	s19 =	sshrl.u32 s18, $0x3;
	[dreg:$0x1c] =	wrdreg s7  }
0x36: {  	s18 =	sshrl.u32 s17, $0x3;
	s17 =	simm.s32 $0x1B00;
	[smem:$0x78C] =	sst s30  }
0x37: {  	s25 =	sor.u32 $0xB800, s4;
	s10 =	simm.s32 $0x4800;
	[smem:$0x7AA] =	sst s17  }
0x38: {  	s9 =	sshrl.u32 s13, $0x3;
	s7 =	sadd.s32 s26, s5;
	[smem:$0x7BB] =	sst s10  }
0x39: {  	s15 =	sadd.s32 s9, s5;
	s26 =	sshrl.u32 s25, $0x3;
	[dreg:$0x1f] =	wrdreg s7  }
0x3a: {  	s25 =	sshrl.u32 s24, $0x3;
	s24 =	simm.s32 $0x2C80;
	[smem:$0x78F] =	sst s15  }
0x3b: {  	s17 =	simm.s32 $0x5980;
	[smem:$0x7B1] =	sst s24  }
0x3c: {  	s20 =	sor.u32 $0xB000, s4;
	s10 =	simm.s32 $0x8400;
	[smem:$0x7C2] =	sst s17  }
0x3d: {  	s9 =	sshrl.u32 s20, $0x3;
	s7 =	sadd.s32 s12, s5;
	[smem:$0x7D3] =	sst s10  }
0x3e: {  	s13 =	sor.u32 $0x9C00, s4;
	s22 =	sadd.s32 s9, s5;
	[smem:$0x78E] =	sst s7  }
0x3f: {  	s15 =	sshrl.u32 s13, $0x3;
	s13 =	simm.s32 $0x1100;
	[smem:$0x792] =	sst s22  }
0x40: {  	s24 =	simm.s32 $0x6B00;
	[smem:$0x7A6] =	sst s13  }
0x41: {  	s29 =	sor.u32 $0x9000, s4;
	s17 =	simm.s32 $0x9580;
	[smem:$0x7C9] =	sst s24  }
0x42: {  	s28 =	sor.u32 $0xBC00, s4;
	s10 =	simm.s32 $0xB100;
	[smem:$0x7DA] =	sst s17  }
0x43: {  	s9 =	sshrl.u32 s28, $0x3;
	s7 =	sadd.s32 s19, s5;
	[smem:$0x7E5] =	sst s10  }
0x44: {  	s31 =	sshrl.u32 s29, $0x3;
	s30 =	sadd.s32 s9, s5;
	[smem:$0x791] =	sst s7  }
0x45: {  	s9 =	sadd.s32 s31, s5;
	[smem:$0x795] =	sst s30  }
0x46: {  	s16 =	sadd.s32 s15, s5;
	[smem:$0x796] =	sst s9  }
0x47: {  	s20 =	sor.u32 $0x8000, s4;
	s15 =	simm.s32 $0x1600;
	[smem:$0x799] =	sst s16  }
0x48: {  	s22 =	sshrl.u32 s20, $0x3;
	s20 =	simm.s32 $0x2280;
	[smem:$0x7A8] =	sst s15  }
0x49: {  	s13 =	simm.s32 $0x4F80;
	[smem:$0x7AD] =	sst s20  }
0x4a: {  	s24 =	simm.s32 $0xA700;
	[smem:$0x7BE] =	sst s13  }
0x4b: {  	s17 =	simm.s32 $0xC280;
	[smem:$0x7E1] =	sst s24  }
0x4c: {  	s7 =	sadd.s32 s26, s5;
	[smem:$0x7EB] =	sst s17  }
0x4d: {  	s12 =	sor.u32 $0x9800, s4;
	s23 =	sadd.s32 s22, s5;
	[smem:$0x794] =	sst s7  }
0x4e: {  	s9 =	sshrl.u32 s12, $0x3;
	s12 =	simm.s32 $0xE80;
	[smem:$0x79C] =	sst s23  }
0x4f: {  	s16 =	simm.s32 $0x1880;
	[smem:$0x7A5] =	sst s12  }
0x50: {  	s28 =	sor.u32 $0x8C00, s4;
	s22 =	simm.s32 $0x2780;
	[smem:$0x7A9] =	sst s16  }
0x51: {  	s30 =	sshrl.u32 s28, $0x3;
	s28 =	simm.s32 $0x3400;
	[smem:$0x7AF] =	sst s22  }
0x52: {  	s15 =	simm.s32 $0x5480;
	[smem:$0x7B4] =	sst s28  }
0x53: {  	s20 =	simm.s32 $0x6100;
	[smem:$0x7C0] =	sst s15  }
0x54: {  	s13 =	simm.s32 $0x8B80;
	[smem:$0x7C5] =	sst s20  }
0x55: {  	s24 =	simm.s32 $0xCF00;
	[smem:$0x7D6] =	sst s13  }
0x56: {  	s17 =	simm.s32 $0xED00;
	[smem:$0x7F0] =	sst s24  }
0x57: {  	s19 =	sor.u32 $0xA400, s4;
	s7 =	sadd.s32 s11, s5;
	[smem:$0x7FC] =	sst s17  }
0x58: {  	s26 =	sor.u32 $0x8800, s4;
	s14 =	sadd.s32 s9, s5;
	[smem:$0x797] =	sst s7  }
0x59: {  	s4 =	sshrl.u32 s4, $0x3;
	s31 =	sadd.s32 s30, s5;
	[smem:$0x798] =	sst s14  }
0x5a: {  	s4 =	sadd.s32 s4, s5;
	[smem:$0x79F] =	sst s31  }
0x5b: {  	s11 =	simm.s32 $0xC00;
	[smem:$0x7A0] =	sst s4  }
0x5c: {  	s9 =	sshrl.u32 s19, $0x3;
	s19 =	simm.s32 $0x2000;
	[smem:$0x7A4] =	sst s11  }
0x5d: {  	s23 =	simm.s32 $0x2A00;
	[smem:$0x7AC] =	sst s19  }
0x5e: {  	s30 =	simm.s32 $0x3900;
	[smem:$0x7B0] =	sst s23  }
0x5f: {  	s12 =	simm.s32 $0x4D00;
	[smem:$0x7B6] =	sst s30  }
0x60: {  	s16 =	simm.s32 $0x5700;
	[smem:$0x7BD] =	sst s12  }
0x61: {  	s22 =	simm.s32 $0x6600;
	[smem:$0x7C1] =	sst s16  }
0x62: {  	s28 =	simm.s32 $0x7280;
	[smem:$0x7C7] =	sst s22  }
0x63: {  	s15 =	simm.s32 $0x9080;
	[smem:$0x7CC] =	sst s28  }
0x64: {  	s20 =	simm.s32 $0x9D00;
	[smem:$0x7D8] =	sst s15  }
0x65: {  	s13 =	simm.s32 $0xBB00;
	[smem:$0x7DD] =	sst s20  }
0x66: {  	s7 =	sadd.s32 s18, s5;
	[smem:$0x7E8] =	sst s13  }
0x67: {  	s21 =	sadd.s32 s9, s5;
	[smem:$0x79A] =	sst s7  }
0x68: {  	s14 =	simm.s32 $0x1380;
	[smem:$0x79B] =	sst s21  }
0x69: {  	s18 =	simm.s32 $0x1D80;
	[smem:$0x7A7] =	sst s14  }
0x6a: {  	s9 =	sshrl.u32 s26, $0x3;
	s26 =	simm.s32 $0x3180;
	[smem:$0x7AB] =	sst s18  }
0x6b: {  	s31 =	simm.s32 $0x3B80;
	[smem:$0x7B3] =	sst s26  }
0x6c: {  	s11 =	simm.s32 $0x4A80;
	[smem:$0x7B7] =	sst s31  }
0x6d: {  	s19 =	simm.s32 $0x5E80;
	[smem:$0x7BC] =	sst s11  }
0x6e: {  	s23 =	simm.s32 $0x6880;
	[smem:$0x7C4] =	sst s19  }
0x6f: {  	s30 =	simm.s32 $0x7780;
	[smem:$0x7C8] =	sst s23  }
0x70: {  	s12 =	simm.s32 $0x8900;
	[smem:$0x7CE] =	sst s30  }
0x71: {  	s16 =	simm.s32 $0x9300;
	[smem:$0x7D5] =	sst s12  }
0x72: {  	s22 =	simm.s32 $0xA200;
	[smem:$0x7D9] =	sst s16  }
0x73: {  	s28 =	simm.s32 $0xAC00;
	[smem:$0x7DF] =	sst s22  }
0x74: {  	s15 =	simm.s32 $0xBD80;
	[smem:$0x7E3] =	sst s28  }
0x75: {  	s20 =	simm.s32 $0xC780;
	[smem:$0x7E9] =	sst s15  }
0x76: {  	s13 =	simm.s32 $0xE300;
	[smem:$0x7ED] =	sst s20  }
0x77: {  	s7 =	sadd.s32 s25, s5;
	[smem:$0x7F8] =	sst s13  }
0x78: {  	s29 =	sadd.s32 s9, s5;
	[smem:$0x79D] =	sst s7  }
0x79: {  	s9 =	simm.s32 $0x700;
	[smem:$0x79E] =	sst s29  }
0x7a: {  	s21 =	simm.s32 $0x2500;
	[smem:$0x7A2] =	sst s9  }
0x7b: {  	s25 =	simm.s32 $0x2F00;
	[smem:$0x7AE] =	sst s21  }
0x7c: {  	s5 =	simm.s32 $0x4080;
	[smem:$0x7B2] =	sst s25  }
0x7d: {  	s14 =	simm.s32 $0x5200;
	[smem:$0x7B8] =	sst s5  }
0x7e: {  	s18 =	simm.s32 $0x5C00;
	[smem:$0x7BF] =	sst s14  }
0x7f: {  	s26 =	simm.s32 $0x7000;
	[smem:$0x7C3] =	sst s18  }
0x80: {  	s31 =	simm.s32 $0x178;
	[smem:$0x7CB] =	sst s26  }
0x81: {  	s11 =	simm.s32 $0x8680;
	[smem:$0x7CF] =	sst s31  }
0x82: {  	s19 =	simm.s32 $0x9A80;
	[smem:$0x7D4] =	sst s11  }
0x83: {  	s23 =	simm.s32 $0xA480;
	[smem:$0x7DC] =	sst s19  }
0x84: {  	s30 =	simm.s32 $0xAE80;
	[smem:$0x7E0] =	sst s23  }
0x85: {  	s12 =	simm.s32 $0xB880;
	[smem:$0x7E4] =	sst s30  }
0x86: {  	s16 =	simm.s32 $0xC000;
	[smem:$0x7E7] =	sst s12  }
0x87: {  	s28 =	simm.s32 $0xD680;
	[smem:$0x7EA] =	sst s16  }
0x88: {  	s15 =	simm.s32 $0xE800;
	[smem:$0x7F3] =	sst s28  }
0x89: {  	s7 =	simm.s32 $0x480;
	[smem:$0x7FA] =	sst s15  }
0x8a: {  	s29 =	simm.s32 $0x3680;
	[smem:$0x7A1] =	sst s7  }
0x8b: {  	s9 =	simm.s32 $0x4580;
	[smem:$0x7B5] =	sst s29  }
0x8c: {  	s21 =	simm.s32 $0x6380;
	[smem:$0x7BA] =	sst s9  }
0x8d: {  	s25 =	simm.s32 $0x6D80;
	[smem:$0x7C6] =	sst s21  }
0x8e: {  	s5 =	simm.s32 $0x7C80;
	[smem:$0x7CA] =	sst s25  }
0x8f: {  	s14 =	simm.s32 $0x8E00;
	[smem:$0x7D0] =	sst s5  }
0x90: {  	s18 =	simm.s32 $0x9800;
	[smem:$0x7D7] =	sst s14  }
0x91: {  	s3 =	sadd.s32 $0x1200, s3;
	s11 =	simm.s32 $0xB380;
	[smem:$0x7DB] =	sst s18  }
0x92: {  	s17 =	simm.s32 $0xB600;
	s19 =	simm.s32 $0xC500;
	[smem:$0x7E6] =	sst s11  }
0x93: {  	s13 =	simm.s32 $0x3E00;
	s23 =	simm.s32 $0xCC80;
	[smem:$0x7EC] =	sst s19  }
0x94: {  	s20 =	simm.s32 $0x6;
	s30 =	simm.s32 $0xDB80;
	[smem:$0x7EF] =	sst s23  }
0x95: {  	s26 =	ssub.s32 $0x2, s6;
	s12 =	simm.s32 $0xE080;
	[smem:$0x7F5] =	sst s30  }
0x96: {  	s31 =	sshll.u32 s0, $0x1;
	s16 =	simm.s32 $0xEA80;
	[smem:$0x7F7] =	sst s12  }
0x97: {  	s15 =	simm.s32 $0x2;
	s7 =	simm.s32 $0x4300;
	[smem:$0x7FB] =	sst s16  }
0x98: {  	s29 =	simm.s32 $0x7500;
	s9 =	simm.s32 $0x8180;
	[smem:$0x7B9] =	sst s7  }
0x99: {  	s21 =	simm.s32 $0x9F80;
	s18 =	smul.u32 $0x7800, s0;
	[smem:$0x7CD] =	sst s29  }
0x9a: {  	s25 =	simm.s32 $0xA980;
	s11 =	smul.u32 $0x3C00, s6;
	[smem:$0x7D2] =	sst s9  }
0x9b: {  	s12 =	simm.s32 $0x200;
	s16 =	simm.s32 $0x7A00;
	[smem:$0x7DE] =	sst s21  }
0x9c: {  	s19 =	simm.s32 $0xEF80;
	s7 =	simm.s32 $0x7F00;
	[smem:$0x7E2] =	sst s25  }
0x9d: {  	s29 =	sshrl.u32 s26, $0x1;
	s9 =	sor.u32 s6, s31;
	s21 =	simm.s32 $0xCA00  }
0x9e: {  	s25 =	simm.s32 $0xD180;
	s31 =	simm.s32 $0xDE00;
	[smem:$0x7FD] =	sst s19  }
0x9f: {  	s19 =	simm.s32 $0x5;
	[smem:$0x7D1] =	sst s7;
	s9 =	smul.u32 $0x3C00, s9  }
0xa0: {  	s7 =	ssub.s32 s26, s29;
	s22 =	sadd.s32 s11, s18;
	[smem:$0x7EE] =	sst s21  }
0xa1: {  	[smem:$0x7F1] =	sst s25;
	s26 =	simm.s32 $0xD400;
	s29 =	simm.s32 $0xD900  }
0xa2: {  	[smem:$0x7F6] =	sst s31;
	s11 =	simm.s32 $0x78;
	s18 =	simm.s32 $0x4  }
0xa3: {  	s21 =	simm.s32 $0x0;
	s6 =	smax.u32 s7, $0x1;
	[smem:$0x7F2] =	sst s26  }
0xa4: {  	s10 =	sor.u32 $0x2D0, s22;
	[smem:$0x7F4] =	sst s29;
	s14 =	sshrl.u32 s9, $0x3  }
0xa5: {  	s10 =	sshrl.u32 s10, $0x3;
	s9 =	sor.u32 $0x1E0, s22;
	s4 =	sadd.s32 s8, s14  }
0xa6: {  	s7 =	sadd.s32 s10, s8;
	s9 =	sshrl.u32 s9, $0x3;
	s10 =	simm.s32 $0x1  }
0xa7: {  	s14 =	simm.s32 $0xE580;
	s5 =	sadd.s32 $0x1E, s4;
	s8 =	sadd.s32 s9, s8  }
0xa8: {  	s9 =	simm.s32 $0x100;
	[smem:$0x7F9] =	sst s14;
	s14 =	simm.s32 $0x3  }
.LBB2_1:
0xa9: {  	[tilespmem:s2], [sflag:$0x1] =	stream.linear.gather [hbm4b:s4+s2], $0xF0, $0x38;
	[tilespmem:$0xF200] =	vst v63  }
0xaa: {  	s22 =	simm.s32 $0x0;
	s23 =	smov.u32 s8;
	s24 =	smov.u32 s7  }
0xab: {  	[tilespmem:s9], [sflag:$0x2] =	stream.linear.gather [hbm4b:s5+s2], $0xF0, $0x38;
	[tilespmem:$0xF200] =	vst v63  }
.LBB2_2:
0xac: {  	_ =	swait.ge [sflag:s10], $0xF0  }
0xad: {  	p0 =	seq.s32 s22, $0x0;
	[sflag:s10] =	ssyncset.done $0x0  }
0xae: {  	s25 =	simm.s32 @!p0 $0x5;
	[sflag:s10] =	ssyncadd.s32 $0xFFFFFF10  }
0xaf: {  	_ =	swait.ge @!p0 [sflag:s25], $0x7800  }
0xb0: {  	[sflag:s25] =	ssyncset.done @!p0 $0x0  }
0xb1: {  	[sflag:s25] =	ssyncadd.s32 @!p0 $0xFFFF8800  }
0xb2: {  	[tilespmem:s12], [sflag:$0x3] =	stream.indirect.gather [hbm4b:s3+s11], $0x80, s2, s11, $0xb8;
	[tilespmem:$0xF200] =	vst v63  }
0xb3: {  	_ = 	snop  }
0xb4: {  	[tilespmem:s13], [sflag:$0x3] =	stream.indirect.gather [hbm4b:s3+s11], $0x80, s11, s11, $0xb8;
	[tilespmem:$0xF200] =	vst v63  }
0xb5: {  	_ =	swait.ge [sflag:s14], $0x7800  }
0xb6: {  	p1 =	seq.s32 s22, $0x5D000;
	[sflag:s14] =	ssyncset.done $0x0;
	s26 =	sld [smem:$0x7A0]  }
0xb7: {  	s25 =	simm.s32 @!p1 $0x0;
	[sflag:s14] =	ssyncadd.s32 $0xFFFF8800  }
0xb8: {  	[tilespmem:s25], [sflag:$0x1] =	stream.linear.gather @!p1 [hbm4b:s23+s25], $0xF0, $0x38;
	[tilespmem:$0xF200] =	vst v63  }
0xb9: {  	s28 =	sld [smem:$0x7A1];
	s26 =	sadd.s32 s22, s26  }
0xba: {  	[hbm4b:s26+s2] =	stream.linear.scatter [tilespmem:s12], [sflag:$0x5], $0x280, $0x38;
	[tilespmem:$0xF200] =	vst v63  }
0xbb: {  	s30 =	sld [smem:$0x7A2];
	s29 =	sadd.s32 $0x80, s26  }
0xbc: {  	[hbm4b:s29+s2] =	stream.linear.scatter [tilespmem:s28], [sflag:$0x5], $0x280, $0x38;
	[tilespmem:$0xF200] =	vst v63  }
0xbd: {  	s31 =	sadd.s32 $0x100, s26;
	s29 =	sld [smem:$0x7A3]  }
0xbe: {  	[hbm4b:s31+s2] =	stream.linear.scatter [tilespmem:s30], [sflag:$0x5], $0x280, $0x38;
	[tilespmem:$0xF200] =	vst v63  }
0xbf: {  	s31 =	sadd.s32 $0x180, s26;
	s30 =	sld [smem:$0x7A4]  }
0xc0: {  	[hbm4b:s31+s2] =	stream.linear.scatter [tilespmem:s29], [sflag:$0x5], $0x280, $0x38;
	[tilespmem:$0xF200] =	vst v63  }
0xc1: {  	s31 =	sadd.s32 $0x200, s26;
	s29 =	sld [smem:$0x7A5]  }
0xc2: {  	[hbm4b:s31+s2] =	stream.linear.scatter [tilespmem:s30], [sflag:$0x5], $0x280, $0x38;
	[tilespmem:$0xF200] =	vst v63  }
0xc3: {  	s31 =	sadd.s32 $0x280, s26;
	s30 =	sld [smem:$0x7A6]  }
0xc4: {  	[hbm4b:s31+s2] =	stream.linear.scatter [tilespmem:s29], [sflag:$0x5], $0x280, $0x38;
	[tilespmem:$0xF200] =	vst v63  }
0xc5: {  	s31 =	sadd.s32 $0x300, s26;
	s29 =	sld [smem:$0x7A7]  }
0xc6: {  	[hbm4b:s31+s2] =	stream.linear.scatter [tilespmem:s30], [sflag:$0x5], $0x280, $0x38;
	[tilespmem:$0xF200] =	vst v63  }
0xc7: {  	s31 =	sadd.s32 $0x380, s26;
	s30 =	sld [smem:$0x7A8]  }
0xc8: {  	[hbm4b:s31+s2] =	stream.linear.scatter [tilespmem:s29], [sflag:$0x5], $0x280, $0x38;
	[tilespmem:$0xF200] =	vst v63  }
0xc9: {  	s31 =	sadd.s32 $0x400, s26;
	s29 =	sld [smem:$0x7A9]  }
0xca: {  	[hbm4b:s31+s2] =	stream.linear.scatter [tilespmem:s30], [sflag:$0x5], $0x280, $0x38;
	[tilespmem:$0xF200] =	vst v63  }
0xcb: {  	s31 =	sadd.s32 $0x480, s26;
	s30 =	sld [smem:$0x7AA]  }
0xcc: {  	[hbm4b:s31+s2] =	stream.linear.scatter [tilespmem:s29], [sflag:$0x5], $0x280, $0x38;
	[tilespmem:$0xF200] =	vst v63  }
0xcd: {  	s31 =	sadd.s32 $0x500, s26;
	s29 =	sld [smem:$0x7AB]  }
0xce: {  	[hbm4b:s31+s2] =	stream.linear.scatter [tilespmem:s30], [sflag:$0x5], $0x280, $0x38;
	[tilespmem:$0xF200] =	vst v63  }
0xcf: {  	s31 =	sadd.s32 $0x580, s26;
	s30 =	sld [smem:$0x7AC]  }
0xd0: {  	[hbm4b:s31+s2] =	stream.linear.scatter [tilespmem:s29], [sflag:$0x5], $0x280, $0x38;
	[tilespmem:$0xF200] =	vst v63  }
0xd1: {  	s31 =	sadd.s32 $0x600, s26;
	s29 =	sld [smem:$0x7AD]  }
0xd2: {  	[hbm4b:s31+s2] =	stream.linear.scatter [tilespmem:s30], [sflag:$0x5], $0x280, $0x38;
	[tilespmem:$0xF200] =	vst v63  }
0xd3: {  	s31 =	sadd.s32 $0x680, s26;
	s30 =	sld [smem:$0x7AE]  }
0xd4: {  	[hbm4b:s31+s2] =	stream.linear.scatter [tilespmem:s29], [sflag:$0x5], $0x280, $0x38;
	[tilespmem:$0xF200] =	vst v63  }
0xd5: {  	s31 =	sadd.s32 $0x700, s26;
	s29 =	sld [smem:$0x7AF]  }
0xd6: {  	[hbm4b:s31+s2] =	stream.linear.scatter [tilespmem:s30], [sflag:$0x5], $0x280, $0x38;
	[tilespmem:$0xF200] =	vst v63  }
0xd7: {  	s31 =	sadd.s32 $0x780, s26;
	s30 =	sld [smem:$0x7B0]  }
0xd8: {  	[hbm4b:s31+s2] =	stream.linear.scatter [tilespmem:s29], [sflag:$0x5], $0x280, $0x38;
	[tilespmem:$0xF200] =	vst v63  }
0xd9: {  	s31 =	sadd.s32 $0x800, s26;
	s29 =	sld [smem:$0x7B1]  }
0xda: {  	[hbm4b:s31+s2] =	stream.linear.scatter [tilespmem:s30], [sflag:$0x5], $0x280, $0x38;
	[tilespmem:$0xF200] =	vst v63  }
0xdb: {  	s31 =	sadd.s32 $0x880, s26;
	s30 =	sld [smem:$0x7B2]  }
0xdc: {  	[hbm4b:s31+s2] =	stream.linear.scatter [tilespmem:s29], [sflag:$0x5], $0x280, $0x38;
	[tilespmem:$0xF200] =	vst v63  }
0xdd: {  	s31 =	sadd.s32 $0x900, s26;
	s29 =	sld [smem:$0x7B3]  }
0xde: {  	[hbm4b:s31+s2] =	stream.linear.scatter [tilespmem:s30], [sflag:$0x5], $0x280, $0x38;
	[tilespmem:$0xF200] =	vst v63  }
0xdf: {  	s31 =	sadd.s32 $0x980, s26;
	s30 =	sld [smem:$0x7B4]  }
0xe0: {  	[hbm4b:s31+s2] =	stream.linear.scatter [tilespmem:s29], [sflag:$0x5], $0x280, $0x38;
	[tilespmem:$0xF200] =	vst v63  }
0xe1: {  	s31 =	sadd.s32 $0xA00, s26;
	s29 =	sld [smem:$0x7B5]  }
0xe2: {  	[hbm4b:s31+s2] =	stream.linear.scatter [tilespmem:s30], [sflag:$0x5], $0x280, $0x38;
	[tilespmem:$0xF200] =	vst v63  }
0xe3: {  	s31 =	sadd.s32 $0xA80, s26;
	s30 =	sld [smem:$0x7B6]  }
0xe4: {  	[hbm4b:s31+s2] =	stream.linear.scatter [tilespmem:s29], [sflag:$0x5], $0x280, $0x38;
	[tilespmem:$0xF200] =	vst v63  }
0xe5: {  	s31 =	sadd.s32 $0xB00, s26;
	s29 =	sld [smem:$0x7B7]  }
0xe6: {  	[hbm4b:s31+s2] =	stream.linear.scatter [tilespmem:s30], [sflag:$0x5], $0x280, $0x38;
	[tilespmem:$0xF200] =	vst v63  }
0xe7: {  	s31 =	sadd.s32 $0xB80, s26  }
0xe8: {  	[hbm4b:s31+s2] =	stream.linear.scatter [tilespmem:s29], [sflag:$0x5], $0x280, $0x38;
	[tilespmem:$0xF200] =	vst v63  }
0xe9: {  	s30 =	sadd.s32 $0xC00, s26;
	s29 =	sld [smem:$0x7B8]  }
0xea: {  	[hbm4b:s30+s2] =	stream.linear.scatter [tilespmem:s13], [sflag:$0x5], $0x280, $0x38;
	[tilespmem:$0xF200] =	vst v63  }
0xeb: {  	s31 =	sadd.s32 $0xC80, s26;
	s30 =	sld [smem:$0x7B9]  }
0xec: {  	[hbm4b:s31+s2] =	stream.linear.scatter [tilespmem:s29], [sflag:$0x5], $0x280, $0x38;
	[tilespmem:$0xF200] =	vst v63  }
0xed: {  	s31 =	sadd.s32 $0xD00, s26;
	s29 =	sld [smem:$0x7BA]  }
0xee: {  	[hbm4b:s31+s2] =	stream.linear.scatter [tilespmem:s30], [sflag:$0x5], $0x280, $0x38;
	[tilespmem:$0xF200] =	vst v63  }
0xef: {  	s31 =	sadd.s32 $0xD80, s26;
	s30 =	sld [smem:$0x7BB]  }
0xf0: {  	[hbm4b:s31+s2] =	stream.linear.scatter [tilespmem:s29], [sflag:$0x5], $0x280, $0x38;
	[tilespmem:$0xF200] =	vst v63  }
0xf1: {  	s31 =	sadd.s32 $0xE00, s26;
	s29 =	sld [smem:$0x7BC]  }
0xf2: {  	[hbm4b:s31+s2] =	stream.linear.scatter [tilespmem:s30], [sflag:$0x5], $0x280, $0x38;
	[tilespmem:$0xF200] =	vst v63  }
0xf3: {  	s31 =	sadd.s32 $0xE80, s26;
	s30 =	sld [smem:$0x7BD]  }
0xf4: {  	[hbm4b:s31+s2] =	stream.linear.scatter [tilespmem:s29], [sflag:$0x5], $0x280, $0x38;
	[tilespmem:$0xF200] =	vst v63  }
0xf5: {  	s31 =	sld [smem:$0x7BE]  }
0xf6: {  	s28 =	sadd.s32 $0xF00, s26;
	s29 =	sld [smem:$0x79D]  }
0xf7: {  	[hbm4b:s28+s2] =	stream.linear.scatter [tilespmem:s30], [sflag:$0x5], $0x280, $0x38;
	[tilespmem:$0xF200] =	vst v63  }
0xf8: {  	s30 =	sld [smem:$0x79C]  }
0xf9: {  	s26 =	sadd.s32 $0xF80, s26;
	s28 =	sld [smem:$0x7BF]  }
0xfa: {  	[hbm4b:s26+s2] =	stream.linear.scatter [tilespmem:s31], [sflag:$0x5], $0x280, $0x38;
	[tilespmem:$0xF200] =	vst v63  }
0xfb: {  	s31 =	sld [smem:$0x7C0]  }
0xfc: {  	s26 =	sadd.s32 s22, s30;
	s30 =	sld [smem:$0x79E]  }
0xfd: {  	[hbm4b:s26+s2] =	stream.linear.scatter [tilespmem:s28], [sflag:$0x5], $0x280, $0x38;
	[tilespmem:$0xF200] =	vst v63  }
0xfe: {  	s29 =	sadd.s32 s22, s29;
	s28 =	sld [smem:$0x7C1]  }
0xff: {  	[hbm4b:s29+s2] =	stream.linear.scatter [tilespmem:s31], [sflag:$0x5], $0x280, $0x38;
	[tilespmem:$0xF200] =	vst v63  }
0x100: {  	s29 =	sld [smem:$0x79F]  }
0x101: {  	s31 =	sld [smem:$0x7C2]  }
0x102: {  	s26 =	sadd.s32 s22, s30;
	s30 =	sld [smem:$0x796]  }
0x103: {  	[hbm4b:s26+s2] =	stream.linear.scatter [tilespmem:s28], [sflag:$0x5], $0x280, $0x38;
	[tilespmem:$0xF200] =	vst v63  }
0x104: {  	s28 =	sld [smem:$0x7C3]  }
0x105: {  	s29 =	sadd.s32 s22, s29;
	s26 =	sadd.s32 s22, s30;
	s30 =	sld [smem:$0x798]  }
0x106: {  	[hbm4b:s29+s2] =	stream.linear.scatter [tilespmem:s31], [sflag:$0x5], $0x280, $0x38;
	[tilespmem:$0xF200] =	vst v63  }
0x107: {  	s29 =	sld [smem:$0x797]  }
0x108: {  	s31 =	sld [smem:$0x7C4]  }
0x109: {  	[hbm4b:s26+s2] =	stream.linear.scatter [tilespmem:s28], [sflag:$0x5], $0x280, $0x38;
	[tilespmem:$0xF200] =	vst v63  }
0x10a: {  	s28 =	sld [smem:$0x7C5]  }
0x10b: {  	s26 =	sadd.s32 s22, s30;
	s30 =	sld [smem:$0x79A];
	s29 =	sadd.s32 s22, s29  }
0x10c: {  	[hbm4b:s29+s2] =	stream.linear.scatter [tilespmem:s31], [sflag:$0x5], $0x280, $0x38;
	[tilespmem:$0xF200] =	vst v63  }
0x10d: {  	s29 =	sld [smem:$0x799]  }
0x10e: {  	s31 =	sld [smem:$0x7C6]  }
0x10f: {  	[hbm4b:s26+s2] =	stream.linear.scatter [tilespmem:s28], [sflag:$0x5], $0x280, $0x38;
	[tilespmem:$0xF200] =	vst v63  }
0x110: {  	s28 =	sld [smem:$0x7C7]  }
0x111: {  	s26 =	sadd.s32 s22, s30;
	s30 =	sld [smem:$0x790];
	s29 =	sadd.s32 s22, s29  }
0x112: {  	[hbm4b:s29+s2] =	stream.linear.scatter [tilespmem:s31], [sflag:$0x5], $0x280, $0x38;
	[tilespmem:$0xF200] =	vst v63  }
0x113: {  	s29 =	sld [smem:$0x79B]  }
0x114: {  	s31 =	sld [smem:$0x7C8]  }
0x115: {  	[hbm4b:s26+s2] =	stream.linear.scatter [tilespmem:s28], [sflag:$0x5], $0x280, $0x38;
	[tilespmem:$0xF200] =	vst v63  }
0x116: {  	s28 =	sld [smem:$0x7C9]  }
0x117: {  	s26 =	sadd.s32 s22, s30;
	s30 =	sld [smem:$0x792];
	s29 =	sadd.s32 s22, s29  }
0x118: {  	[hbm4b:s29+s2] =	stream.linear.scatter [tilespmem:s31], [sflag:$0x5], $0x280, $0x38;
	[tilespmem:$0xF200] =	vst v63  }
0x119: {  	s29 =	sld [smem:$0x791]  }
0x11a: {  	s31 =	sld [smem:$0x7CA]  }
0x11b: {  	[hbm4b:s26+s2] =	stream.linear.scatter [tilespmem:s28], [sflag:$0x5], $0x280, $0x38;
	[tilespmem:$0xF200] =	vst v63  }
0x11c: {  	s28 =	sld [smem:$0x7CB]  }
0x11d: {  	s26 =	sadd.s32 s22, s30;
	s30 =	sld [smem:$0x794];
	s29 =	sadd.s32 s22, s29  }
0x11e: {  	[hbm4b:s29+s2] =	stream.linear.scatter [tilespmem:s31], [sflag:$0x5], $0x280, $0x38;
	[tilespmem:$0xF200] =	vst v63  }
0x11f: {  	s29 =	sld [smem:$0x793]  }
0x120: {  	s31 =	sld [smem:$0x7CC]  }
0x121: {  	[hbm4b:s26+s2] =	stream.linear.scatter [tilespmem:s28], [sflag:$0x5], $0x280, $0x38;
	[tilespmem:$0xF200] =	vst v63  }
0x122: {  	s28 =	sld [smem:$0x7CD];
	s29 =	sadd.s32 s22, s29  }
0x123: {  	[hbm4b:s29+s2] =	stream.linear.scatter [tilespmem:s31], [sflag:$0x5], $0x280, $0x38;
	[tilespmem:$0xF200] =	vst v63  }
0x124: {  	s31 =	sld [smem:$0x795]  }
0x125: {  	s26 =	sadd.s32 s22, s30;
	s30 =	sld [smem:$0x7CE]  }
0x126: {  	[hbm4b:s26+s2] =	stream.linear.scatter [tilespmem:s28], [sflag:$0x5], $0x280, $0x38;
	[tilespmem:$0xF200] =	vst v63  }
0x127: {  	s31 =	sadd.s32 s22, s31  }
0x128: {  	[hbm4b:s31+s2] =	stream.linear.scatter [tilespmem:s30], [sflag:$0x5], $0x280, $0x38;
	[tilespmem:$0xF200] =	vst v63  }
0x129: {  	_ =	swait.ge [sflag:s15], $0xF0  }
0x12a: {  	[sflag:s15] =	ssyncset.done $0x0  }
0x12b: {  	s26 =	simm.s32 @!p0 $0x6;
	[sflag:s15] =	ssyncadd.s32 $0xFFFFFF10  }
0x12c: {  	_ =	swait.ge @!p0 [sflag:s26], $0x7800  }
0x12d: {  	[sflag:s26] =	ssyncset.done @!p0 $0x0  }
0x12e: {  	s28 =	sld [smem:$0x7CF];
	[sflag:s26] =	ssyncadd.s32 @!p0 $0xFFFF8800  }
0x12f: {  	[tilespmem:s16], [sflag:$0x4] =	stream.indirect.gather [hbm4b:s3+s11], $0x80, s9, s11, $0xb8;
	[tilespmem:$0xF200] =	vst v63  }
0x130: {  	_ = 	snop  }
0x131: {  	[tilespmem:s17], [sflag:$0x4] =	stream.indirect.gather [hbm4b:s3+s11], $0x80, s28, s11, $0xb8;
	[tilespmem:$0xF200] =	vst v63  }
0x132: {  	_ =	swait.ge [sflag:s18], $0x7800  }
0x133: {  	[sflag:s18] =	ssyncset.done $0x0;
	s29 =	rddreg [dreg:$0x3]  }
0x134: {  	s28 =	simm.s32 @!p1 $0x100;
	s30 =	sld [smem:$0x7D0];
	[sflag:s18] =	ssyncadd.s32 $0xFFFF8800  }
0x135: {  	[tilespmem:s28], [sflag:$0x2] =	stream.linear.gather @!p1 [hbm4b:s24+s25], $0xF0, $0x38;
	[tilespmem:$0xF200] =	vst v63  }
0x136: {  	s26 =	sld [smem:$0x7DF];
	s25 =	sadd.s32 s22, s29  }
0x137: {  	[hbm4b:s25+s2] =	stream.linear.scatter [tilespmem:s16], [sflag:$0x6], $0x280, $0x38;
	[tilespmem:$0xF200] =	vst v63  }
0x138: {  	s29 =	sld [smem:$0x7D1];
	s31 =	sadd.s32 $0x80, s25  }
0x139: {  	[hbm4b:s31+s2] =	stream.linear.scatter [tilespmem:s30], [sflag:$0x6], $0x280, $0x38;
	[tilespmem:$0xF200] =	vst v63  }
0x13a: {  	s30 =	sadd.s32 $0x100, s25;
	s31 =	sld [smem:$0x7D2]  }
0x13b: {  	[hbm4b:s30+s2] =	stream.linear.scatter [tilespmem:s29], [sflag:$0x6], $0x280, $0x38;
	[tilespmem:$0xF200] =	vst v63  }
0x13c: {  	s30 =	sadd.s32 $0x180, s25;
	s29 =	sld [smem:$0x7D3]  }
0x13d: {  	[hbm4b:s30+s2] =	stream.linear.scatter [tilespmem:s31], [sflag:$0x6], $0x280, $0x38;
	[tilespmem:$0xF200] =	vst v63  }
0x13e: {  	s31 =	sadd.s32 $0x200, s25;
	s30 =	sld [smem:$0x7D4]  }
0x13f: {  	[hbm4b:s31+s2] =	stream.linear.scatter [tilespmem:s29], [sflag:$0x6], $0x280, $0x38;
	[tilespmem:$0xF200] =	vst v63  }
0x140: {  	s31 =	sadd.s32 $0x280, s25;
	s29 =	sld [smem:$0x7D5]  }
0x141: {  	[hbm4b:s31+s2] =	stream.linear.scatter [tilespmem:s30], [sflag:$0x6], $0x280, $0x38;
	[tilespmem:$0xF200] =	vst v63  }
0x142: {  	s30 =	sadd.s32 $0x300, s25;
	s31 =	sld [smem:$0x7D6]  }
0x143: {  	[hbm4b:s30+s2] =	stream.linear.scatter [tilespmem:s29], [sflag:$0x6], $0x280, $0x38;
	[tilespmem:$0xF200] =	vst v63  }
0x144: {  	s30 =	sadd.s32 $0x380, s25;
	s29 =	sld [smem:$0x7D7]  }
0x145: {  	[hbm4b:s30+s2] =	stream.linear.scatter [tilespmem:s31], [sflag:$0x6], $0x280, $0x38;
	[tilespmem:$0xF200] =	vst v63  }
0x146: {  	s31 =	sadd.s32 $0x400, s25;
	s30 =	sld [smem:$0x7D8]  }
0x147: {  	[hbm4b:s31+s2] =	stream.linear.scatter [tilespmem:s29], [sflag:$0x6], $0x280, $0x38;
	[tilespmem:$0xF200] =	vst v63  }
0x148: {  	s31 =	sadd.s32 $0x480, s25;
	s29 =	sld [smem:$0x7D9]  }
0x149: {  	[hbm4b:s31+s2] =	stream.linear.scatter [tilespmem:s30], [sflag:$0x6], $0x280, $0x38;
	[tilespmem:$0xF200] =	vst v63  }
0x14a: {  	s30 =	sadd.s32 $0x500, s25;
	s31 =	sld [smem:$0x7DA]  }
0x14b: {  	[hbm4b:s30+s2] =	stream.linear.scatter [tilespmem:s29], [sflag:$0x6], $0x280, $0x38;
	[tilespmem:$0xF200] =	vst v63  }
0x14c: {  	s30 =	sadd.s32 $0x580, s25;
	s29 =	sld [smem:$0x7DB]  }
0x14d: {  	[hbm4b:s30+s2] =	stream.linear.scatter [tilespmem:s31], [sflag:$0x6], $0x280, $0x38;
	[tilespmem:$0xF200] =	vst v63  }
0x14e: {  	s31 =	sadd.s32 $0x600, s25;
	s30 =	sld [smem:$0x7DC]  }
0x14f: {  	[hbm4b:s31+s2] =	stream.linear.scatter [tilespmem:s29], [sflag:$0x6], $0x280, $0x38;
	[tilespmem:$0xF200] =	vst v63  }
0x150: {  	s31 =	sadd.s32 $0x680, s25;
	s29 =	sld [smem:$0x7DD]  }
0x151: {  	[hbm4b:s31+s2] =	stream.linear.scatter [tilespmem:s30], [sflag:$0x6], $0x280, $0x38;
	[tilespmem:$0xF200] =	vst v63  }
0x152: {  	s30 =	sadd.s32 $0x700, s25;
	s31 =	sld [smem:$0x7DE]  }
0x153: {  	[hbm4b:s30+s2] =	stream.linear.scatter [tilespmem:s29], [sflag:$0x6], $0x280, $0x38;
	[tilespmem:$0xF200] =	vst v63  }
0x154: {  	s29 =	rddreg [dreg:$0x4]  }
0x155: {  	s30 =	rddreg [dreg:$0x5]  }
0x156: {  	s25 =	sadd.s32 $0x780, s25;
	s28 =	sadd.s32 s22, s30;
	s30 =	rddreg [dreg:$0x7]  }
0x157: {  	[hbm4b:s25+s2] =	stream.linear.scatter [tilespmem:s31], [sflag:$0x6], $0x280, $0x38;
	[tilespmem:$0xF200] =	vst v63  }
0x158: {  	s31 =	sld [smem:$0x7E0]  }
0x159: {  	s25 =	sadd.s32 s22, s29;
	s29 =	rddreg [dreg:$0x6]  }
0x15a: {  	[hbm4b:s25+s2] =	stream.linear.scatter [tilespmem:s26], [sflag:$0x6], $0x280, $0x38;
	[tilespmem:$0xF200] =	vst v63  }
0x15b: {  	s26 =	sld [smem:$0x7E1]  }
0x15c: {  	s25 =	sadd.s32 s22, s29;
	s29 =	rddreg [dreg:$0x8]  }
0x15d: {  	[hbm4b:s28+s2] =	stream.linear.scatter [tilespmem:s31], [sflag:$0x6], $0x280, $0x38;
	[tilespmem:$0xF200] =	vst v63  }
0x15e: {  	s31 =	sld [smem:$0x7E2]  }
0x15f: {  	s28 =	sadd.s32 s22, s30;
	s30 =	rddreg [dreg:$0x9]  }
0x160: {  	[hbm4b:s25+s2] =	stream.linear.scatter [tilespmem:s26], [sflag:$0x6], $0x280, $0x38;
	[tilespmem:$0xF200] =	vst v63  }
0x161: {  	s26 =	sld [smem:$0x7E3]  }
0x162: {  	s25 =	sadd.s32 s22, s29;
	s29 =	rddreg [dreg:$0xa]  }
0x163: {  	[hbm4b:s28+s2] =	stream.linear.scatter [tilespmem:s31], [sflag:$0x6], $0x280, $0x38;
	[tilespmem:$0xF200] =	vst v63  }
0x164: {  	s31 =	sld [smem:$0x7E4]  }
0x165: {  	s28 =	sadd.s32 s22, s30;
	s30 =	rddreg [dreg:$0xb]  }
0x166: {  	[hbm4b:s25+s2] =	stream.linear.scatter [tilespmem:s26], [sflag:$0x6], $0x280, $0x38;
	[tilespmem:$0xF200] =	vst v63  }
0x167: {  	s26 =	sld [smem:$0x7E5]  }
0x168: {  	s25 =	sadd.s32 s22, s29;
	s29 =	rddreg [dreg:$0xe]  }
0x169: {  	[hbm4b:s28+s2] =	stream.linear.scatter [tilespmem:s31], [sflag:$0x6], $0x280, $0x38;
	[tilespmem:$0xF200] =	vst v63  }
0x16a: {  	s31 =	sld [smem:$0x7E6]  }
0x16b: {  	s28 =	rddreg [dreg:$0xc]  }
0x16c: {  	[hbm4b:s25+s2] =	stream.linear.scatter [tilespmem:s26], [sflag:$0x6], $0x280, $0x38;
	[tilespmem:$0xF200] =	vst v63  }
0x16d: {  	s26 =	sadd.s32 s22, s30;
	s30 =	rddreg [dreg:$0xd]  }
0x16e: {  	s25 =	sadd.s32 s22, s30;
	s30 =	rddreg [dreg:$0xf]  }
0x16f: {  	[hbm4b:s26+s2] =	stream.linear.scatter [tilespmem:s31], [sflag:$0x6], $0x280, $0x38;
	[tilespmem:$0xF200] =	vst v63  }
0x170: {  	s31 =	sld [smem:$0x7E7]  }
0x171: {  	s26 =	sadd.s32 s22, s28;
	s28 =	sadd.s32 s22, s30;
	s30 =	rddreg [dreg:$0x11]  }
0x172: {  	[hbm4b:s26+s2] =	stream.linear.scatter [tilespmem:s17], [sflag:$0x6], $0x280, $0x38;
	[tilespmem:$0xF200] =	vst v63  }
0x173: {  	s26 =	sld [smem:$0x7E8]  }
0x174: {  	[hbm4b:s25+s2] =	stream.linear.scatter [tilespmem:s31], [sflag:$0x6], $0x280, $0x38;
	[tilespmem:$0xF200] =	vst v63  }
0x175: {  	s31 =	sld [smem:$0x7E9]  }
0x176: {  	s25 =	sadd.s32 s22, s29;
	s29 =	rddreg [dreg:$0x10]  }
0x177: {  	[hbm4b:s25+s2] =	stream.linear.scatter [tilespmem:s26], [sflag:$0x6], $0x280, $0x38;
	[tilespmem:$0xF200] =	vst v63  }
0x178: {  	s26 =	sld [smem:$0x7EA]  }
0x179: {  	s25 =	sadd.s32 s22, s29;
	s29 =	rddreg [dreg:$0x12]  }
0x17a: {  	[hbm4b:s28+s2] =	stream.linear.scatter [tilespmem:s31], [sflag:$0x6], $0x280, $0x38;
	[tilespmem:$0xF200] =	vst v63  }
0x17b: {  	s31 =	sld [smem:$0x7EB]  }
0x17c: {  	s28 =	sadd.s32 s22, s30;
	s30 =	rddreg [dreg:$0x13]  }
0x17d: {  	[hbm4b:s25+s2] =	stream.linear.scatter [tilespmem:s26], [sflag:$0x6], $0x280, $0x38;
	[tilespmem:$0xF200] =	vst v63  }
0x17e: {  	s26 =	sld [smem:$0x7EC]  }
0x17f: {  	s25 =	sadd.s32 s22, s29;
	s29 =	rddreg [dreg:$0x14]  }
0x180: {  	[hbm4b:s28+s2] =	stream.linear.scatter [tilespmem:s31], [sflag:$0x6], $0x280, $0x38;
	[tilespmem:$0xF200] =	vst v63  }
0x181: {  	s31 =	sld [smem:$0x7ED]  }
0x182: {  	s28 =	sadd.s32 s22, s30;
	s30 =	rddreg [dreg:$0x15]  }
0x183: {  	[hbm4b:s25+s2] =	stream.linear.scatter [tilespmem:s26], [sflag:$0x6], $0x280, $0x38;
	[tilespmem:$0xF200] =	vst v63  }
0x184: {  	s26 =	sld [smem:$0x7EE]  }
0x185: {  	s25 =	sadd.s32 s22, s29;
	s29 =	rddreg [dreg:$0x16]  }
0x186: {  	[hbm4b:s28+s2] =	stream.linear.scatter [tilespmem:s31], [sflag:$0x6], $0x280, $0x38;
	[tilespmem:$0xF200] =	vst v63  }
0x187: {  	s31 =	sld [smem:$0x7EF]  }
0x188: {  	s28 =	sadd.s32 s22, s30;
	s30 =	rddreg [dreg:$0x17]  }
0x189: {  	[hbm4b:s25+s2] =	stream.linear.scatter [tilespmem:s26], [sflag:$0x6], $0x280, $0x38;
	[tilespmem:$0xF200] =	vst v63  }
0x18a: {  	s26 =	sld [smem:$0x7F0]  }
0x18b: {  	s25 =	sadd.s32 s22, s29;
	s29 =	rddreg [dreg:$0x18]  }
0x18c: {  	[hbm4b:s28+s2] =	stream.linear.scatter [tilespmem:s31], [sflag:$0x6], $0x280, $0x38;
	[tilespmem:$0xF200] =	vst v63  }
0x18d: {  	s31 =	sld [smem:$0x7F1]  }
0x18e: {  	s28 =	sadd.s32 s22, s30;
	s30 =	rddreg [dreg:$0x19]  }
0x18f: {  	[hbm4b:s25+s2] =	stream.linear.scatter [tilespmem:s26], [sflag:$0x6], $0x280, $0x38;
	[tilespmem:$0xF200] =	vst v63  }
0x190: {  	s26 =	sld [smem:$0x7F2]  }
0x191: {  	s25 =	sadd.s32 s22, s29;
	s29 =	rddreg [dreg:$0x1a]  }
0x192: {  	[hbm4b:s28+s2] =	stream.linear.scatter [tilespmem:s31], [sflag:$0x6], $0x280, $0x38;
	[tilespmem:$0xF200] =	vst v63  }
0x193: {  	s31 =	sld [smem:$0x7F3]  }
0x194: {  	s28 =	sadd.s32 s22, s30;
	s30 =	rddreg [dreg:$0x1b]  }
0x195: {  	[hbm4b:s25+s2] =	stream.linear.scatter [tilespmem:s26], [sflag:$0x6], $0x280, $0x38;
	[tilespmem:$0xF200] =	vst v63  }
0x196: {  	s26 =	sld [smem:$0x7F4]  }
0x197: {  	s25 =	sadd.s32 s22, s29;
	s29 =	rddreg [dreg:$0x1c]  }
0x198: {  	[hbm4b:s28+s2] =	stream.linear.scatter [tilespmem:s31], [sflag:$0x6], $0x280, $0x38;
	[tilespmem:$0xF200] =	vst v63  }
0x199: {  	s31 =	sld [smem:$0x7F5]  }
0x19a: {  	s28 =	sadd.s32 s22, s30;
	s30 =	rddreg [dreg:$0x1d]  }
0x19b: {  	[hbm4b:s25+s2] =	stream.linear.scatter [tilespmem:s26], [sflag:$0x6], $0x280, $0x38;
	[tilespmem:$0xF200] =	vst v63  }
0x19c: {  	s26 =	sld [smem:$0x7F6]  }
0x19d: {  	s25 =	sadd.s32 s22, s29;
	s29 =	rddreg [dreg:$0x1e]  }
0x19e: {  	[hbm4b:s28+s2] =	stream.linear.scatter [tilespmem:s31], [sflag:$0x6], $0x280, $0x38;
	[tilespmem:$0xF200] =	vst v63  }
0x19f: {  	s31 =	sld [smem:$0x7F7]  }
0x1a0: {  	s28 =	sadd.s32 s22, s30;
	s30 =	rddreg [dreg:$0x1f]  }
0x1a1: {  	[hbm4b:s25+s2] =	stream.linear.scatter [tilespmem:s26], [sflag:$0x6], $0x280, $0x38;
	[tilespmem:$0xF200] =	vst v63  }
0x1a2: {  	s26 =	sld [smem:$0x7F8]  }
0x1a3: {  	s25 =	sadd.s32 s22, s29;
	s29 =	sld [smem:$0x78C]  }
0x1a4: {  	[hbm4b:s28+s2] =	stream.linear.scatter [tilespmem:s31], [sflag:$0x6], $0x280, $0x38;
	[tilespmem:$0xF200] =	vst v63  }
0x1a5: {  	s31 =	sld [smem:$0x7F9]  }
0x1a6: {  	s28 =	sadd.s32 s22, s30;
	s30 =	sld [smem:$0x78D]  }
0x1a7: {  	[hbm4b:s25+s2] =	stream.linear.scatter [tilespmem:s26], [sflag:$0x6], $0x280, $0x38;
	[tilespmem:$0xF200] =	vst v63  }
0x1a8: {  	s26 =	sld [smem:$0x7FA]  }
0x1a9: {  	[hbm4b:s28+s2] =	stream.linear.scatter [tilespmem:s31], [sflag:$0x6], $0x280, $0x38;
	[tilespmem:$0xF200] =	vst v63  }
0x1aa: {  	s25 =	sadd.s32 s22, s29;
	s31 =	sld [smem:$0x7FB]  }
0x1ab: {  	[hbm4b:s25+s2] =	stream.linear.scatter [tilespmem:s26], [sflag:$0x6], $0x280, $0x38;
	[tilespmem:$0xF200] =	vst v63  }
0x1ac: {  	s28 =	sadd.s32 s22, s30;
	s30 =	sld [smem:$0x78E]  }
0x1ad: {  	[hbm4b:s28+s2] =	stream.linear.scatter [tilespmem:s31], [sflag:$0x6], $0x280, $0x38;
	[tilespmem:$0xF200] =	vst v63  }
0x1ae: {  	s31 =	sld [smem:$0x78F];
	_ =	sdelay $0x2  }
0x1af: {  	s25 =	sadd.s32 s22, s30;
	s31 =	sadd.s32 s22, s31;
	s22 =	sadd.s32 $0x3000, s22  }
0x1b0: {  	s26 =	sld [smem:$0x7FC];
	p0 =	sne.s32 s22, $0x60000  }
.Ltmp0:
0x1b1: {  	_ = 	snop;
	(pc) =	sbr.rel @p0 .LBB2_2-.Ltmp0, $4  }
0x1b2: {  	s30 =	sld [smem:$0x7FD]  }
0x1b3: {  	[hbm4b:s25+s2] =	stream.linear.scatter [tilespmem:s26], [sflag:$0x6], $0x280, $0x38;
	[tilespmem:$0xF200] =	vst v63  }
0x1b4: {  	s23 =	sadd.s32 $0x3C, s23;
	s24 =	sadd.s32 $0x3C, s24  }
0x1b5: {  	[hbm4b:s31+s2] =	stream.linear.scatter [tilespmem:s30], [sflag:$0x6], $0x280, $0x38;
	[tilespmem:$0xF200] =	vst v63  }
0x1b6: {  	s21 =	sadd.s32 $0x1, s21  }
0x1b7: {  	_ =	swait.ge [sflag:s19], $0x7800;
	p0 =	sne.s32 s21, s6  }
.Ltmp1:
0x1b8: {  	[sflag:s19] =	ssyncset.done $0x0;
	(pc) =	sbr.rel @p0 .LBB2_1-.Ltmp1, $4  }
0x1b9: {  	[sflag:s19] =	ssyncadd.s32 $0xFFFF8800  }
0x1ba: {  	_ =	swait.ge [sflag:s20], $0x7800  }
0x1bb: {  	[sflag:s20] =	ssyncset.done $0x0  }
0x1bc: {  	[sflag:s20] =	ssyncadd.s32 $0xFFFF8800  }
0x1bd: {  	_ =	sfence.sel $0x180000  }
0x1be: {  	[bflag:$0x0] =	sbarrier.arrive $0xFFFF  }
0x1bf: {  	p0 =	sne.s32 s0, $0x0;
	_ =	strace $0x90000047  }
0x1c0: {  	s0 =	sadd.s32 @!p0 $0x100000, s1;
	[bflag:$0x2] =	sbarrier.arrive $0xFFFF  }
0x1c1: {  	[sflag:s0] =	ssyncadd.tile.s32 @!p0 $0x1;
	_ =	shalt  }
.Lfunc_end2:
_tile_overlayer_lowered:
.L_overlay_start_2:
0x1c2: {  	(tag) =	ssettag $0x2  }
0x1c3: {  	s0 =	rddreg [dreg:$0x0];
	s2 =	stileid.u32  }
0x1c4: {  	s1 =	rddreg [dreg:$0x1];
	p0 =	sne.s32 s2, $0x0  }
0x1c5: {  	s3 =	rddreg [dreg:$0x2];
	[bflag:$0x3] =	sbarrier.arrive $0xFFFF;
	s2 =	simm.s32 @!p0 $0x1C07  }
0x1c6: {  	[timem:s3], [sflag:s2] =	dma.local @!p0 [hbm:s0], s1  }
0x1c7: {  	s0 =	simm.s32 @!p0 $0x7  }
0x1c8: {  	_ =	swait.ge @!p0 [sflag:s0], s1  }
0x1c9: {  	s1 =	ssub.s32 @!p0 $0x0, s1;
	[sflag:s0] =	ssyncset.done @!p0 $0x0  }
0x1ca: {  	[sflag:s0] =	ssyncadd.s32 @!p0 s1  }
0x1cb: {  	[bflag:$0x3] =	sbarrier.arrive $0xFFFF  }
0x1cc: {  	_ =	shalt  }

</sc_bundles>
